<compile_context>
chip_gen: v7x
topology: tpu7x:2x2x1
jax: 0.10.2.dev20260603
libtpu: 0.0.44.dev20260713+nightly
codegen_flags: <defaults>
</compile_context>

<pallas_src>
import functools

import jax
import jax.numpy as jnp
from jax import lax
from jax.experimental import pallas as pl
from jax.experimental.pallas import tpu as pltpu
from jax.experimental.pallas import tpu_sc as plsc

B = 16384
D = 64
NCTX = 6
NC, NS, L = 2, 16, 16
NW = NC * NS
BPW = B // NW
C = 64
NCHUNK = BPW // C
G = C // L

QT = 253952
BPQ = 8192
NBLK = QT // BPQ
VCOLS = (1000010 + BPQ - 1) // BPQ - 1


def _pack_body(e0, e1, e2, e3, out):
    half = jnp.uint32(0x8000)
    topm = jnp.uint32(0xFFFF0000)
    halves = []
    for ea, eb in ((e0, e1), (e2, e3)):
        au = lax.bitcast_convert_type(ea[...], jnp.uint32)
        bu = lax.bitcast_convert_type(eb[...], jnp.uint32)
        w = ((au + half) >> 16) | ((bu + half) & topm)
        halves.append(
            lax.bitcast_convert_type(jnp.swapaxes(w, 0, 1), jnp.float32))
    out[...] = jnp.concatenate(halves, axis=1)


def _tc_pack(emb_t):
    in_specs = [
        pl.BlockSpec((D, BPQ),
                     functools.partial(
                         lambda g, k: (0, jnp.minimum(g + k * NBLK, VCOLS)),
                         k=kk))
        for kk in range(4)
    ]
    return pl.pallas_call(
        _pack_body,
        grid=(NBLK,),
        in_specs=in_specs,
        out_specs=pl.BlockSpec((BPQ, 2 * D), lambda g: (g, 0)),
        out_shape=jax.ShapeDtypeStruct((QT, 2 * D), jnp.float32),
    )(emb_t, emb_t, emb_t, emb_t)


def _log_sigmoid(t):
    a = jnp.minimum(t, 0.0)
    u = jnp.exp(-jnp.abs(t))
    s = u / (u + 2.0)
    p = s * s
    poly = 1.0 + p * (1.0 / 3.0 + p * (1.0 / 5.0 + p * (1.0 / 7.0
                + p * (1.0 / 9.0 + p * (1.0 / 11.0)))))
    return a - 2.0 * s * poly


def _sc_body(x_h, ei_h, eo_h, out_h, x_v, idx_b, kb, cen0, cen1, ctx0, ctx1,
             out_v, sem0, sem1):
    wid = lax.axis_index("s") * NC + lax.axis_index("c")
    base = wid * BPW
    iota = lax.iota(jnp.int32, L)

    pltpu.sync_copy(x_h.at[pl.ds(base, BPW)], x_v)

    def ext_body(g, _):
        rows = g * L + iota
        for c in range(7):
            col = jnp.full((L,), c, jnp.int32)
            t = plsc.load_gather(x_v, [rows, col])
            k = ((t >= QT).astype(jnp.int32)
                 + (t >= 2 * QT).astype(jnp.int32)
                 + (t >= 3 * QT).astype(jnp.int32))
            idx_b[c, pl.ds(g * L, L)] = t - k * QT
            kb[c, pl.ds(g * L, L)] = k
        return 0

    lax.fori_loop(0, BPW // L, ext_body, 0)

    cens = (cen0, cen1)
    ctxs = (ctx0, ctx1)
    sems = (sem0, sem1)

    def copies(kc, p):
        cps = [pltpu.make_async_copy(
            ei_h.at[idx_b.at[0, pl.ds(kc * C, C)]], cens[p], sems[p])]
        for j in range(NCTX):
            cps.append(pltpu.make_async_copy(
                eo_h.at[idx_b.at[1 + j, pl.ds(kc * C, C)]],
                ctxs[p].at[pl.ds(j * C, C)], sems[p]))
        return cps

    def fire(kc, p):
        for cp in copies(kc, p):
            cp.start()

    def drain(kc, p):
        for cp in copies(kc, p):
            cp.wait()

    def compute(kc, p):
        cen = cens[p]
        ctx = ctxs[p]

        def g_body(g, _):
            rows = g * L + iota

            rws, wbs, hms = [], [], []
            for c in range(7):
                kv = kb[c, pl.ds(kc * C + g * L, L)]
                rws.append(rows if c == 0 else (c - 1) * C + rows)
                wbs.append((kv >> 1) * D)
                hms.append((kv & 1) == 1)

            U = 4

            def d_body(du, accs):
                accs = list(accs)
                for uu in range(U):
                    d = du * U + uu
                    vc = _sel(plsc.load_gather(cen, [rws[0], wbs[0] + d]),
                              hms[0])
                    for j in range(NCTX):
                        vx = _sel(plsc.load_gather(
                            ctx, [rws[1 + j], wbs[1 + j] + d]), hms[1 + j])
                        accs[j] = accs[j] + vc * vx
                return tuple(accs)

            accs = lax.fori_loop(
                0, D // U, d_body,
                tuple(jnp.zeros((L,), jnp.float32) for _ in range(NCTX)))
            for j in range(NCTX):
                out_v[j, pl.ds(kc * C + g * L, L)] = _log_sigmoid(-accs[j])
            return 0

        lax.fori_loop(0, G, g_body, 0)

    fire(0, 0)
    fire(1, 1)

    def pair_body(i, _):
        ka = 2 * i
        drain(ka, 0)
        compute(ka, 0)

        @pl.when(ka + 2 < NCHUNK)
        def _():
            fire(ka + 2, 0)

        drain(ka + 1, 1)
        compute(ka + 1, 1)

        @pl.when(ka + 3 < NCHUNK)
        def _():
            fire(ka + 3, 1)

        return 0

    lax.fori_loop(0, NCHUNK // 2, pair_body, 0)

    pltpu.sync_copy(out_v, out_h.at[:, pl.ds(base, BPW)])


def _sel(word_f32, hi_mask):
    w = plsc.bitcast(word_f32, jnp.uint32)
    v = jnp.where(hi_mask, w & jnp.uint32(0xFFFF0000), w << 16)
    return plsc.bitcast(v, jnp.float32)


@functools.partial(jax.jit, static_argnums=())
def _sc_call(x, ei_p, eo_p):
    mesh = plsc.VectorSubcoreMesh(
        core_axis_name="c", subcore_axis_name="s", num_cores=NC,
        num_subcores=NS)
    return pl.kernel(
        _sc_body,
        out_type=jax.ShapeDtypeStruct((NCTX, B), jnp.float32),
        mesh=mesh,
        compiler_params=pltpu.CompilerParams(
            needs_layout_passes=False, use_tc_tiling_on_sc=False),
        scratch_types=[
            pltpu.VMEM((BPW, 7), jnp.int32),
            pltpu.VMEM((7, BPW), jnp.int32),
            pltpu.VMEM((7, BPW), jnp.int32),
            pltpu.VMEM((C, 2 * D), jnp.float32),
            pltpu.VMEM((C, 2 * D), jnp.float32),
            pltpu.VMEM((NCTX * C, 2 * D), jnp.float32),
            pltpu.VMEM((NCTX * C, 2 * D), jnp.float32),
            pltpu.VMEM((NCTX, BPW), jnp.float32),
            pltpu.SemaphoreType.DMA,
            pltpu.SemaphoreType.DMA,
        ],
    )(x, ei_p, eo_p)


def _jnp_pack(emb):
    half = jnp.uint32(0x8000)
    topm = jnp.uint32(0xFFFF0000)
    u = lax.bitcast_convert_type(emb, jnp.uint32)
    u0, u1, u2 = u[:QT], u[QT:2 * QT], u[2 * QT:3 * QT]
    u3 = jnp.pad(u[3 * QT:], ((0, 4 * QT - u.shape[0]), (0, 0)))
    w01 = ((u0 + half) >> 16) | ((u1 + half) & topm)
    w23 = ((u2 + half) >> 16) | ((u3 + half) & topm)
    return lax.bitcast_convert_type(
        jnp.concatenate([w01, w23], axis=1), jnp.float32)


def kernel(x, emb_i, emb_o):
    ei_p = _tc_pack(jnp.swapaxes(emb_i, 0, 1))
    eo_p = _tc_pack(jnp.swapaxes(emb_o, 0, 1))
    out = _sc_call(x, ei_p, eo_p)
    return jnp.swapaxes(out, 0, 1).reshape(B, 1, NCTX)

# --- scband reference (transcript-rebuilt; emitter-appended) ---
"""Pipeline reference for scband-skip-gram-27006754357983 (READ-ONLY COPY).

The authoritative reference and input builder live on the scoring server;
editing this copy changes nothing except your own understanding.
"""

import jax, jax.numpy as jnp
import numpy as np

TOKEN_NUM = 1000000
EMB_DIM = 64
BATCH = 16384
NCOLS = 7  # 1 center + 1 positive + 5 negatives


def setup_inputs(seed: int = 0) -> dict:
    key = jax.random.key(seed)
    k1, k2, k3 = jax.random.split(key, 3)
    x = jax.random.randint(k1, (BATCH, NCOLS), 0, TOKEN_NUM, dtype=jnp.int64 if jax.config.jax_enable_x64 else jnp.int32).astype(jnp.int32)
    emb_i = jax.random.normal(k2, (TOKEN_NUM + 10, EMB_DIM), dtype=jnp.float32) * 0.02
    emb_o = jax.random.normal(k3, (TOKEN_NUM + 10, EMB_DIM), dtype=jnp.float32) * 0.02
    return {"x": x, "emb_i": emb_i, "emb_o": emb_o}


def reference(x, emb_i, emb_o):
    # center_x = emb_i(x[:, 0:1])  -> [B, 1, d]
    center_x = jnp.take(emb_i, x[:, 0:1], axis=0)
    # context_x = emb_o(x[:, 1:])  -> [B, 1+neg_k, d]
    context_x = jnp.take(emb_o, x[:, 1:], axis=0)
    # transpose(1, 2) -> [B, d, 1+neg_k]
    context_x = jnp.swapaxes(context_x, 1, 2)
    # bmm -> [B, 1, 1+neg_k], then * -1
    y = jnp.einsum('bij,bjk->bik', center_x, context_x) * -1.0
    # y[:, :, :0] *= -1 is a no-op (empty slice) in the original torch code
    y = jax.nn.log_sigmoid(y)
    return y

if __name__ == "__main__":
    import jax
    _d = setup_inputs()
    print(jax.jit(kernel)(*tuple(_d.values())))

</pallas_src>

<mosaic_0001>
#map = affine_map<(d0, d1) -> (0, 0)>
module attributes {stable_mosaic.version = 14 : i64} {
  func.func @_sc_body(%arg0: i32, %arg1: i32, %arg2: memref<16384x7xi32, #tpu.memory_space<hbm>>, %arg3: memref<253952x128xf32, #tpu.memory_space<hbm>>, %arg4: memref<253952x128xf32, #tpu.memory_space<hbm>>, %arg5: memref<6x16384xf32, #tpu.memory_space<hbm>>, %arg6: memref<512x7xi32, #tpu.memory_space<vmem>>, %arg7: memref<7x512xi32, #tpu.memory_space<vmem>>, %arg8: memref<7x512xi32, #tpu.memory_space<vmem>>, %arg9: memref<64x128xf32, #tpu.memory_space<vmem>>, %arg10: memref<64x128xf32, #tpu.memory_space<vmem>>, %arg11: memref<384x128xf32, #tpu.memory_space<vmem>>, %arg12: memref<384x128xf32, #tpu.memory_space<vmem>>, %arg13: memref<6x512xf32, #tpu.memory_space<vmem>>, %arg14: memref<!tpu.dma_semaphore, #tpu.memory_space<semaphore_mem>>, %arg15: memref<!tpu.dma_semaphore, #tpu.memory_space<semaphore_mem>>) attributes {dimension_semantics = [#tpu.dimension_semantics<core_parallel>, #tpu.dimension_semantics<subcore_parallel>], iteration_bounds = array<i64: 2, 16>, scalar_prefetch = 0 : i64, scratch_operands = 10 : i64, tpu.core_type = #tpu.core_type<sc_vector_subcore>, window_params = [{transform_indices = #map}, {transform_indices = #map}, {transform_indices = #map}, {transform_indices = #map}]} {
    %mul3A = arith.constant 2 : i32
    %mul3A_0 = arith.muli %arg1, %mul3A : i32
    %add3A = arith.addi %mul3A_0, %arg0 : i32
    %mul3A_1 = arith.constant 512 : i32
    %mul3A_2 = arith.muli %add3A, %mul3A_1 : i32
    %iota3A = tpu.iota {dimensions = array<i32: 0>} : vector<16xi32>
    "tpu.region"() ({
      %run_scoped3A = tpu.sem_alloc : memref<!tpu.dma_semaphore, #tpu.memory_space<semaphore_mem>>
      %dma_start3A_149 = arith.constant 0 : i32
      %dma_start3A_150 = tpu.memref_slice %arg2[%mul3A_2, %dma_start3A_149] : memref<16384x7xi32, #tpu.memory_space<hbm>> -> memref<512x7xi32, #tpu.memory_space<hbm>>
      %dma_start3A_151 = arith.constant 0 : i32
      %dma_start3A_152 = tpu.memref_slice %arg2[%mul3A_2, %dma_start3A_151] : memref<16384x7xi32, #tpu.memory_space<hbm>> -> memref<512x7xi32, #tpu.memory_space<hbm>>
      tpu.enqueue_dma source(%dma_start3A_152 : memref<512x7xi32, #tpu.memory_space<hbm>>) target(%arg6 : memref<512x7xi32, #tpu.memory_space<vmem>>) target_semaphore(%run_scoped3A : memref<!tpu.dma_semaphore, #tpu.memory_space<semaphore_mem>>)
      %dma_wait3A = arith.constant 0 : i32
      %dma_wait3A_153 = tpu.memref_slice %arg2[%mul3A_2, %dma_wait3A] : memref<16384x7xi32, #tpu.memory_space<hbm>> -> memref<512x7xi32, #tpu.memory_space<hbm>>
      %dma_wait3A_154 = arith.constant 0 : i32
      %dma_wait3A_155 = tpu.memref_slice %arg2[%mul3A_2, %dma_wait3A_154] : memref<16384x7xi32, #tpu.memory_space<hbm>> -> memref<512x7xi32, #tpu.memory_space<hbm>>
      tpu.wait_dma2 semaphore(%run_scoped3A : memref<!tpu.dma_semaphore, #tpu.memory_space<semaphore_mem>>) src(%dma_wait3A_155 : memref<512x7xi32, #tpu.memory_space<hbm>>) dst(%arg6 : memref<512x7xi32, #tpu.memory_space<vmem>>)
      tpu.yield
    }) : () -> ()
    %scan3A = arith.constant 0 : i32
    %scan3A_3 = arith.constant 0 : i32
    %scan3A_4 = arith.constant 32 : i32
    %scan3A_5 = arith.addi %scan3A_3, %scan3A_4 : i32
    %scan3A_6 = arith.constant 1 : i32
    %scan3A_7 = scf.for %scan3A_149 = %scan3A_3 to %scan3A_5 step %scan3A_6 iter_args(%scan3A_150 = %scan3A) -> (i32)  : i32 {
      %mul3A_151 = arith.constant 16 : i32
      %mul3A_152 = arith.muli %scan3A_149, %mul3A_151 : i32
      %add3A_153 = vector.broadcast %mul3A_152 : i32 to vector<16xi32>
      %add3A_154 = arith.addi %add3A_153, %iota3A : vector<16xi32>
      %broadcast_in_dim3A = arith.constant 0 : i32
      %broadcast_in_dim3A_155 = vector.broadcast %broadcast_in_dim3A : i32 to vector<16xi32>
      %gather3A = tpu.vector_load_idx %arg6[%add3A_154, %broadcast_in_dim3A_155] : memref<512x7xi32, #tpu.memory_space<vmem>>[vector<16xi32>, vector<16xi32>], vector<16xi32>,
      %ge3A = arith.constant 253952 : i32
      %ge3A_156 = vector.broadcast %ge3A : i32 to vector<16xi32>
      %ge3A_157 = arith.cmpi sge, %gather3A, %ge3A_156 : vector<16xi32>
      %convert_element_type3A = arith.extui %ge3A_157 : vector<16xi1> to vector<16xi32>
      %ge3A_158 = arith.constant 507904 : i32
      %ge3A_159 = vector.broadcast %ge3A_158 : i32 to vector<16xi32>
      %ge3A_160 = arith.cmpi sge, %gather3A, %ge3A_159 : vector<16xi32>
      %convert_element_type3A_161 = arith.extui %ge3A_160 : vector<16xi1> to vector<16xi32>
      %add3A_162 = arith.addi %convert_element_type3A, %convert_element_type3A_161 : vector<16xi32>
      %ge3A_163 = arith.constant 761856 : i32
      %ge3A_164 = vector.broadcast %ge3A_163 : i32 to vector<16xi32>
      %ge3A_165 = arith.cmpi sge, %gather3A, %ge3A_164 : vector<16xi32>
      %convert_element_type3A_166 = arith.extui %ge3A_165 : vector<16xi1> to vector<16xi32>
      %add3A_167 = arith.addi %add3A_162, %convert_element_type3A_166 : vector<16xi32>
      %mul3A_168 = arith.constant 253952 : i32
      %mul3A_169 = vector.broadcast %mul3A_168 : i32 to vector<16xi32>
      %mul3A_170 = arith.muli %add3A_167, %mul3A_169 : vector<16xi32>
      %sub3A = arith.subi %gather3A, %mul3A_170 : vector<16xi32>
      %mul3A_171 = arith.constant 16 : i32
      %mul3A_172 = arith.muli %scan3A_149, %mul3A_171 : i32
      %swap3A = arith.constant 0 : i32
      %swap3A_173 = arith.index_cast %swap3A : i32 to index
      %swap3A_174 = arith.index_cast %mul3A_172 : i32 to index
      %swap3A_175 = tpu.vector_load %arg7[%swap3A_173, %swap3A_174] {strides = array<i32>} : memref<7x512xi32, #tpu.memory_space<vmem>>, vector<16xi32>,
      tpu.vector_store %arg7[%swap3A_173, %swap3A_174], %sub3A {strides = array<i32>} : memref<7x512xi32, #tpu.memory_space<vmem>>, vector<16xi32>,
      %mul3A_176 = arith.constant 16 : i32
      %mul3A_177 = arith.muli %scan3A_149, %mul3A_176 : i32
      %swap3A_178 = arith.constant 0 : i32
      %swap3A_179 = arith.index_cast %swap3A_178 : i32 to index
      %swap3A_180 = arith.index_cast %mul3A_177 : i32 to index
      %swap3A_181 = tpu.vector_load %arg8[%swap3A_179, %swap3A_180] {strides = array<i32>} : memref<7x512xi32, #tpu.memory_space<vmem>>, vector<16xi32>,
      tpu.vector_store %arg8[%swap3A_179, %swap3A_180], %add3A_167 {strides = array<i32>} : memref<7x512xi32, #tpu.memory_space<vmem>>, vector<16xi32>,
      %broadcast_in_dim3A_182 = arith.constant 1 : i32
      %broadcast_in_dim3A_183 = vector.broadcast %broadcast_in_dim3A_182 : i32 to vector<16xi32>
      %gather3A_184 = tpu.vector_load_idx %arg6[%add3A_154, %broadcast_in_dim3A_183] : memref<512x7xi32, #tpu.memory_space<vmem>>[vector<16xi32>, vector<16xi32>], vector<16xi32>,
      %ge3A_185 = arith.constant 253952 : i32
      %ge3A_186 = vector.broadcast %ge3A_185 : i32 to vector<16xi32>
      %ge3A_187 = arith.cmpi sge, %gather3A_184, %ge3A_186 : vector<16xi32>
      %convert_element_type3A_188 = arith.extui %ge3A_187 : vector<16xi1> to vector<16xi32>
      %ge3A_189 = arith.constant 507904 : i32
      %ge3A_190 = vector.broadcast %ge3A_189 : i32 to vector<16xi32>
      %ge3A_191 = arith.cmpi sge, %gather3A_184, %ge3A_190 : vector<16xi32>
      %convert_element_type3A_192 = arith.extui %ge3A_191 : vector<16xi1> to vector<16xi32>
      %add3A_193 = arith.addi %convert_element_type3A_188, %convert_element_type3A_192 : vector<16xi32>
      %ge3A_194 = arith.constant 761856 : i32
      %ge3A_195 = vector.broadcast %ge3A_194 : i32 to vector<16xi32>
      %ge3A_196 = arith.cmpi sge, %gather3A_184, %ge3A_195 : vector<16xi32>
      %convert_element_type3A_197 = arith.extui %ge3A_196 : vector<16xi1> to vector<16xi32>
      %add3A_198 = arith.addi %add3A_193, %convert_element_type3A_197 : vector<16xi32>
      %mul3A_199 = arith.constant 253952 : i32
      %mul3A_200 = vector.broadcast %mul3A_199 : i32 to vector<16xi32>
      %mul3A_201 = arith.muli %add3A_198, %mul3A_200 : vector<16xi32>
      %sub3A_202 = arith.subi %gather3A_184, %mul3A_201 : vector<16xi32>
      %mul3A_203 = arith.constant 16 : i32
      %mul3A_204 = arith.muli %scan3A_149, %mul3A_203 : i32
      %swap3A_205 = arith.constant 1 : i32
      %swap3A_206 = arith.index_cast %swap3A_205 : i32 to index
      %swap3A_207 = arith.index_cast %mul3A_204 : i32 to index
      %swap3A_208 = tpu.vector_load %arg7[%swap3A_206, %swap3A_207] {strides = array<i32>} : memref<7x512xi32, #tpu.memory_space<vmem>>, vector<16xi32>,
      tpu.vector_store %arg7[%swap3A_206, %swap3A_207], %sub3A_202 {strides = array<i32>} : memref<7x512xi32, #tpu.memory_space<vmem>>, vector<16xi32>,
      %mul3A_209 = arith.constant 16 : i32
      %mul3A_210 = arith.muli %scan3A_149, %mul3A_209 : i32
      %swap3A_211 = arith.constant 1 : i32
      %swap3A_212 = arith.index_cast %swap3A_211 : i32 to index
      %swap3A_213 = arith.index_cast %mul3A_210 : i32 to index
      %swap3A_214 = tpu.vector_load %arg8[%swap3A_212, %swap3A_213] {strides = array<i32>} : memref<7x512xi32, #tpu.memory_space<vmem>>, vector<16xi32>,
      tpu.vector_store %arg8[%swap3A_212, %swap3A_213], %add3A_198 {strides = array<i32>} : memref<7x512xi32, #tpu.memory_space<vmem>>, vector<16xi32>,
      %broadcast_in_dim3A_215 = arith.constant 2 : i32
      %broadcast_in_dim3A_216 = vector.broadcast %broadcast_in_dim3A_215 : i32 to vector<16xi32>
      %gather3A_217 = tpu.vector_load_idx %arg6[%add3A_154, %broadcast_in_dim3A_216] : memref<512x7xi32, #tpu.memory_space<vmem>>[vector<16xi32>, vector<16xi32>], vector<16xi32>,
      %ge3A_218 = arith.constant 253952 : i32
      %ge3A_219 = vector.broadcast %ge3A_218 : i32 to vector<16xi32>
      %ge3A_220 = arith.cmpi sge, %gather3A_217, %ge3A_219 : vector<16xi32>
      %convert_element_type3A_221 = arith.extui %ge3A_220 : vector<16xi1> to vector<16xi32>
      %ge3A_222 = arith.constant 507904 : i32
      %ge3A_223 = vector.broadcast %ge3A_222 : i32 to vector<16xi32>
      %ge3A_224 = arith.cmpi sge, %gather3A_217, %ge3A_223 : vector<16xi32>
      %convert_element_type3A_225 = arith.extui %ge3A_224 : vector<16xi1> to vector<16xi32>
      %add3A_226 = arith.addi %convert_element_type3A_221, %convert_element_type3A_225 : vector<16xi32>
      %ge3A_227 = arith.constant 761856 : i32
      %ge3A_228 = vector.broadcast %ge3A_227 : i32 to vector<16xi32>
      %ge3A_229 = arith.cmpi sge, %gather3A_217, %ge3A_228 : vector<16xi32>
      %convert_element_type3A_230 = arith.extui %ge3A_229 : vector<16xi1> to vector<16xi32>
      %add3A_231 = arith.addi %add3A_226, %convert_element_type3A_230 : vector<16xi32>
      %mul3A_232 = arith.constant 253952 : i32
      %mul3A_233 = vector.broadcast %mul3A_232 : i32 to vector<16xi32>
      %mul3A_234 = arith.muli %add3A_231, %mul3A_233 : vector<16xi32>
      %sub3A_235 = arith.subi %gather3A_217, %mul3A_234 : vector<16xi32>
      %mul3A_236 = arith.constant 16 : i32
      %mul3A_237 = arith.muli %scan3A_149, %mul3A_236 : i32
      %swap3A_238 = arith.constant 2 : i32
      %swap3A_239 = arith.index_cast %swap3A_238 : i32 to index
      %swap3A_240 = arith.index_cast %mul3A_237 : i32 to index
      %swap3A_241 = tpu.vector_load %arg7[%swap3A_239, %swap3A_240] {strides = array<i32>} : memref<7x512xi32, #tpu.memory_space<vmem>>, vector<16xi32>,
      tpu.vector_store %arg7[%swap3A_239, %swap3A_240], %sub3A_235 {strides = array<i32>} : memref<7x512xi32, #tpu.memory_space<vmem>>, vector<16xi32>,
      %mul3A_242 = arith.constant 16 : i32
      %mul3A_243 = arith.muli %scan3A_149, %mul3A_242 : i32
      %swap3A_244 = arith.constant 2 : i32
      %swap3A_245 = arith.index_cast %swap3A_244 : i32 to index
      %swap3A_246 = arith.index_cast %mul3A_243 : i32 to index
      %swap3A_247 = tpu.vector_load %arg8[%swap3A_245, %swap3A_246] {strides = array<i32>} : memref<7x512xi32, #tpu.memory_space<vmem>>, vector<16xi32>,
      tpu.vector_store %arg8[%swap3A_245, %swap3A_246], %add3A_231 {strides = array<i32>} : memref<7x512xi32, #tpu.memory_space<vmem>>, vector<16xi32>,
      %broadcast_in_dim3A_248 = arith.constant 3 : i32
      %broadcast_in_dim3A_249 = vector.broadcast %broadcast_in_dim3A_248 : i32 to vector<16xi32>
      %gather3A_250 = tpu.vector_load_idx %arg6[%add3A_154, %broadcast_in_dim3A_249] : memref<512x7xi32, #tpu.memory_space<vmem>>[vector<16xi32>, vector<16xi32>], vector<16xi32>,
      %ge3A_251 = arith.constant 253952 : i32
      %ge3A_252 = vector.broadcast %ge3A_251 : i32 to vector<16xi32>
      %ge3A_253 = arith.cmpi sge, %gather3A_250, %ge3A_252 : vector<16xi32>
      %convert_element_type3A_254 = arith.extui %ge3A_253 : vector<16xi1> to vector<16xi32>
      %ge3A_255 = arith.constant 507904 : i32
      %ge3A_256 = vector.broadcast %ge3A_255 : i32 to vector<16xi32>
      %ge3A_257 = arith.cmpi sge, %gather3A_250, %ge3A_256 : vector<16xi32>
      %convert_element_type3A_258 = arith.extui %ge3A_257 : vector<16xi1> to vector<16xi32>
      %add3A_259 = arith.addi %convert_element_type3A_254, %convert_element_type3A_258 : vector<16xi32>
      %ge3A_260 = arith.constant 761856 : i32
      %ge3A_261 = vector.broadcast %ge3A_260 : i32 to vector<16xi32>
      %ge3A_262 = arith.cmpi sge, %gather3A_250, %ge3A_261 : vector<16xi32>
      %convert_element_type3A_263 = arith.extui %ge3A_262 : vector<16xi1> to vector<16xi32>
      %add3A_264 = arith.addi %add3A_259, %convert_element_type3A_263 : vector<16xi32>
      %mul3A_265 = arith.constant 253952 : i32
      %mul3A_266 = vector.broadcast %mul3A_265 : i32 to vector<16xi32>
      %mul3A_267 = arith.muli %add3A_264, %mul3A_266 : vector<16xi32>
      %sub3A_268 = arith.subi %gather3A_250, %mul3A_267 : vector<16xi32>
      %mul3A_269 = arith.constant 16 : i32
      %mul3A_270 = arith.muli %scan3A_149, %mul3A_269 : i32
      %swap3A_271 = arith.constant 3 : i32
      %swap3A_272 = arith.index_cast %swap3A_271 : i32 to index
      %swap3A_273 = arith.index_cast %mul3A_270 : i32 to index
      %swap3A_274 = tpu.vector_load %arg7[%swap3A_272, %swap3A_273] {strides = array<i32>} : memref<7x512xi32, #tpu.memory_space<vmem>>, vector<16xi32>,
      tpu.vector_store %arg7[%swap3A_272, %swap3A_273], %sub3A_268 {strides = array<i32>} : memref<7x512xi32, #tpu.memory_space<vmem>>, vector<16xi32>,
      %mul3A_275 = arith.constant 16 : i32
      %mul3A_276 = arith.muli %scan3A_149, %mul3A_275 : i32
      %swap3A_277 = arith.constant 3 : i32
      %swap3A_278 = arith.index_cast %swap3A_277 : i32 to index
      %swap3A_279 = arith.index_cast %mul3A_276 : i32 to index
      %swap3A_280 = tpu.vector_load %arg8[%swap3A_278, %swap3A_279] {strides = array<i32>} : memref<7x512xi32, #tpu.memory_space<vmem>>, vector<16xi32>,
      tpu.vector_store %arg8[%swap3A_278, %swap3A_279], %add3A_264 {strides = array<i32>} : memref<7x512xi32, #tpu.memory_space<vmem>>, vector<16xi32>,
      %broadcast_in_dim3A_281 = arith.constant 4 : i32
      %broadcast_in_dim3A_282 = vector.broadcast %broadcast_in_dim3A_281 : i32 to vector<16xi32>
      %gather3A_283 = tpu.vector_load_idx %arg6[%add3A_154, %broadcast_in_dim3A_282] : memref<512x7xi32, #tpu.memory_space<vmem>>[vector<16xi32>, vector<16xi32>], vector<16xi32>,
      %ge3A_284 = arith.constant 253952 : i32
      %ge3A_285 = vector.broadcast %ge3A_284 : i32 to vector<16xi32>
      %ge3A_286 = arith.cmpi sge, %gather3A_283, %ge3A_285 : vector<16xi32>
      %convert_element_type3A_287 = arith.extui %ge3A_286 : vector<16xi1> to vector<16xi32>
      %ge3A_288 = arith.constant 507904 : i32
      %ge3A_289 = vector.broadcast %ge3A_288 : i32 to vector<16xi32>
      %ge3A_290 = arith.cmpi sge, %gather3A_283, %ge3A_289 : vector<16xi32>
      %convert_element_type3A_291 = arith.extui %ge3A_290 : vector<16xi1> to vector<16xi32>
      %add3A_292 = arith.addi %convert_element_type3A_287, %convert_element_type3A_291 : vector<16xi32>
      %ge3A_293 = arith.constant 761856 : i32
      %ge3A_294 = vector.broadcast %ge3A_293 : i32 to vector<16xi32>
      %ge3A_295 = arith.cmpi sge, %gather3A_283, %ge3A_294 : vector<16xi32>
      %convert_element_type3A_296 = arith.extui %ge3A_295 : vector<16xi1> to vector<16xi32>
      %add3A_297 = arith.addi %add3A_292, %convert_element_type3A_296 : vector<16xi32>
      %mul3A_298 = arith.constant 253952 : i32
      %mul3A_299 = vector.broadcast %mul3A_298 : i32 to vector<16xi32>
      %mul3A_300 = arith.muli %add3A_297, %mul3A_299 : vector<16xi32>
      %sub3A_301 = arith.subi %gather3A_283, %mul3A_300 : vector<16xi32>
      %mul3A_302 = arith.constant 16 : i32
      %mul3A_303 = arith.muli %scan3A_149, %mul3A_302 : i32
      %swap3A_304 = arith.constant 4 : i32
      %swap3A_305 = arith.index_cast %swap3A_304 : i32 to index
      %swap3A_306 = arith.index_cast %mul3A_303 : i32 to index
      %swap3A_307 = tpu.vector_load %arg7[%swap3A_305, %swap3A_306] {strides = array<i32>} : memref<7x512xi32, #tpu.memory_space<vmem>>, vector<16xi32>,
      tpu.vector_store %arg7[%swap3A_305, %swap3A_306], %sub3A_301 {strides = array<i32>} : memref<7x512xi32, #tpu.memory_space<vmem>>, vector<16xi32>,
      %mul3A_308 = arith.constant 16 : i32
      %mul3A_309 = arith.muli %scan3A_149, %mul3A_308 : i32
      %swap3A_310 = arith.constant 4 : i32
      %swap3A_311 = arith.index_cast %swap3A_310 : i32 to index
      %swap3A_312 = arith.index_cast %mul3A_309 : i32 to index
      %swap3A_313 = tpu.vector_load %arg8[%swap3A_311, %swap3A_312] {strides = array<i32>} : memref<7x512xi32, #tpu.memory_space<vmem>>, vector<16xi32>,
      tpu.vector_store %arg8[%swap3A_311, %swap3A_312], %add3A_297 {strides = array<i32>} : memref<7x512xi32, #tpu.memory_space<vmem>>, vector<16xi32>,
      %broadcast_in_dim3A_314 = arith.constant 5 : i32
      %broadcast_in_dim3A_315 = vector.broadcast %broadcast_in_dim3A_314 : i32 to vector<16xi32>
      %gather3A_316 = tpu.vector_load_idx %arg6[%add3A_154, %broadcast_in_dim3A_315] : memref<512x7xi32, #tpu.memory_space<vmem>>[vector<16xi32>, vector<16xi32>], vector<16xi32>,
      %ge3A_317 = arith.constant 253952 : i32
      %ge3A_318 = vector.broadcast %ge3A_317 : i32 to vector<16xi32>
      %ge3A_319 = arith.cmpi sge, %gather3A_316, %ge3A_318 : vector<16xi32>
      %convert_element_type3A_320 = arith.extui %ge3A_319 : vector<16xi1> to vector<16xi32>
      %ge3A_321 = arith.constant 507904 : i32
      %ge3A_322 = vector.broadcast %ge3A_321 : i32 to vector<16xi32>
      %ge3A_323 = arith.cmpi sge, %gather3A_316, %ge3A_322 : vector<16xi32>
      %convert_element_type3A_324 = arith.extui %ge3A_323 : vector<16xi1> to vector<16xi32>
      %add3A_325 = arith.addi %convert_element_type3A_320, %convert_element_type3A_324 : vector<16xi32>
      %ge3A_326 = arith.constant 761856 : i32
      %ge3A_327 = vector.broadcast %ge3A_326 : i32 to vector<16xi32>
      %ge3A_328 = arith.cmpi sge, %gather3A_316, %ge3A_327 : vector<16xi32>
      %convert_element_type3A_329 = arith.extui %ge3A_328 : vector<16xi1> to vector<16xi32>
      %add3A_330 = arith.addi %add3A_325, %convert_element_type3A_329 : vector<16xi32>
      %mul3A_331 = arith.constant 253952 : i32
      %mul3A_332 = vector.broadcast %mul3A_331 : i32 to vector<16xi32>
      %mul3A_333 = arith.muli %add3A_330, %mul3A_332 : vector<16xi32>
      %sub3A_334 = arith.subi %gather3A_316, %mul3A_333 : vector<16xi32>
      %mul3A_335 = arith.constant 16 : i32
      %mul3A_336 = arith.muli %scan3A_149, %mul3A_335 : i32
      %swap3A_337 = arith.constant 5 : i32
      %swap3A_338 = arith.index_cast %swap3A_337 : i32 to index
      %swap3A_339 = arith.index_cast %mul3A_336 : i32 to index
      %swap3A_340 = tpu.vector_load %arg7[%swap3A_338, %swap3A_339] {strides = array<i32>} : memref<7x512xi32, #tpu.memory_space<vmem>>, vector<16xi32>,
      tpu.vector_store %arg7[%swap3A_338, %swap3A_339], %sub3A_334 {strides = array<i32>} : memref<7x512xi32, #tpu.memory_space<vmem>>, vector<16xi32>,
      %mul3A_341 = arith.constant 16 : i32
      %mul3A_342 = arith.muli %scan3A_149, %mul3A_341 : i32
      %swap3A_343 = arith.constant 5 : i32
      %swap3A_344 = arith.index_cast %swap3A_343 : i32 to index
      %swap3A_345 = arith.index_cast %mul3A_342 : i32 to index
      %swap3A_346 = tpu.vector_load %arg8[%swap3A_344, %swap3A_345] {strides = array<i32>} : memref<7x512xi32, #tpu.memory_space<vmem>>, vector<16xi32>,
      tpu.vector_store %arg8[%swap3A_344, %swap3A_345], %add3A_330 {strides = array<i32>} : memref<7x512xi32, #tpu.memory_space<vmem>>, vector<16xi32>,
      %broadcast_in_dim3A_347 = arith.constant 6 : i32
      %broadcast_in_dim3A_348 = vector.broadcast %broadcast_in_dim3A_347 : i32 to vector<16xi32>
      %gather3A_349 = tpu.vector_load_idx %arg6[%add3A_154, %broadcast_in_dim3A_348] : memref<512x7xi32, #tpu.memory_space<vmem>>[vector<16xi32>, vector<16xi32>], vector<16xi32>,
      %ge3A_350 = arith.constant 253952 : i32
      %ge3A_351 = vector.broadcast %ge3A_350 : i32 to vector<16xi32>
      %ge3A_352 = arith.cmpi sge, %gather3A_349, %ge3A_351 : vector<16xi32>
      %convert_element_type3A_353 = arith.extui %ge3A_352 : vector<16xi1> to vector<16xi32>
      %ge3A_354 = arith.constant 507904 : i32
      %ge3A_355 = vector.broadcast %ge3A_354 : i32 to vector<16xi32>
      %ge3A_356 = arith.cmpi sge, %gather3A_349, %ge3A_355 : vector<16xi32>
      %convert_element_type3A_357 = arith.extui %ge3A_356 : vector<16xi1> to vector<16xi32>
      %add3A_358 = arith.addi %convert_element_type3A_353, %convert_element_type3A_357 : vector<16xi32>
      %ge3A_359 = arith.constant 761856 : i32
      %ge3A_360 = vector.broadcast %ge3A_359 : i32 to vector<16xi32>
      %ge3A_361 = arith.cmpi sge, %gather3A_349, %ge3A_360 : vector<16xi32>
      %convert_element_type3A_362 = arith.extui %ge3A_361 : vector<16xi1> to vector<16xi32>
      %add3A_363 = arith.addi %add3A_358, %convert_element_type3A_362 : vector<16xi32>
      %mul3A_364 = arith.constant 253952 : i32
      %mul3A_365 = vector.broadcast %mul3A_364 : i32 to vector<16xi32>
      %mul3A_366 = arith.muli %add3A_363, %mul3A_365 : vector<16xi32>
      %sub3A_367 = arith.subi %gather3A_349, %mul3A_366 : vector<16xi32>
      %mul3A_368 = arith.constant 16 : i32
      %mul3A_369 = arith.muli %scan3A_149, %mul3A_368 : i32
      %swap3A_370 = arith.constant 6 : i32
      %swap3A_371 = arith.index_cast %swap3A_370 : i32 to index
      %swap3A_372 = arith.index_cast %mul3A_369 : i32 to index
      %swap3A_373 = tpu.vector_load %arg7[%swap3A_371, %swap3A_372] {strides = array<i32>} : memref<7x512xi32, #tpu.memory_space<vmem>>, vector<16xi32>,
      tpu.vector_store %arg7[%swap3A_371, %swap3A_372], %sub3A_367 {strides = array<i32>} : memref<7x512xi32, #tpu.memory_space<vmem>>, vector<16xi32>,
      %mul3A_374 = arith.constant 16 : i32
      %mul3A_375 = arith.muli %scan3A_149, %mul3A_374 : i32
      %swap3A_376 = arith.constant 6 : i32
      %swap3A_377 = arith.index_cast %swap3A_376 : i32 to index
      %swap3A_378 = arith.index_cast %mul3A_375 : i32 to index
      %swap3A_379 = tpu.vector_load %arg8[%swap3A_377, %swap3A_378] {strides = array<i32>} : memref<7x512xi32, #tpu.memory_space<vmem>>, vector<16xi32>,
      tpu.vector_store %arg8[%swap3A_377, %swap3A_378], %add3A_363 {strides = array<i32>} : memref<7x512xi32, #tpu.memory_space<vmem>>, vector<16xi32>,
      %scan3A_380 = arith.constant 0 : i32
      scf.yield %scan3A_380 : i32
    }
    %scan3A_8 = arith.constant 32 : i32
    %dma_start3A = arith.constant 0 : i32
    %dma_start3A_9 = arith.constant 0 : i32
    %dma_start3A_10 = tpu.memref_slice %arg7[%dma_start3A, %dma_start3A_9] : memref<7x512xi32, #tpu.memory_space<vmem>> -> memref<1x64xi32, #tpu.memory_space<vmem>>
    %dma_start3A_11 = tpu.memref_squeeze %dma_start3A_10 : memref<1x64xi32, #tpu.memory_space<vmem>> -> memref<64xi32, #tpu.memory_space<vmem>>
    %dma_start3A_12 = arith.constant 0 : i32
    %dma_start3A_13 = arith.constant 0 : i32
    %dma_start3A_14 = tpu.memref_slice %arg3[%dma_start3A_12, %dma_start3A_13] : memref<253952x128xf32, #tpu.memory_space<hbm>> -> memref<253952x128xf32, #tpu.memory_space<hbm>>
    tpu.enqueue_indirect_dma source(%dma_start3A_14 : memref<253952x128xf32, #tpu.memory_space<hbm>>) target(%arg9 : memref<64x128xf32, #tpu.memory_space<vmem>>) offsets(%dma_start3A_11 : memref<64xi32, #tpu.memory_space<vmem>>) semaphore(%arg14 : memref<!tpu.dma_semaphore, #tpu.memory_space<semaphore_mem>>)
    %dma_start3A_15 = arith.constant 1 : i32
    %dma_start3A_16 = arith.constant 0 : i32
    %dma_start3A_17 = arith.constant 0 : i32
    %dma_start3A_18 = tpu.memref_slice %arg11[%dma_start3A_16, %dma_start3A_17] : memref<384x128xf32, #tpu.memory_space<vmem>> -> memref<64x128xf32, #tpu.memory_space<vmem>>
    %dma_start3A_19 = arith.constant 0 : i32
    %dma_start3A_20 = tpu.memref_slice %arg7[%dma_start3A_15, %dma_start3A_19] : memref<7x512xi32, #tpu.memory_space<vmem>> -> memref<1x64xi32, #tpu.memory_space<vmem>>
    %dma_start3A_21 = tpu.memref_squeeze %dma_start3A_20 : memref<1x64xi32, #tpu.memory_space<vmem>> -> memref<64xi32, #tpu.memory_space<vmem>>
    %dma_start3A_22 = arith.constant 0 : i32
    %dma_start3A_23 = arith.constant 0 : i32
    %dma_start3A_24 = tpu.memref_slice %arg4[%dma_start3A_22, %dma_start3A_23] : memref<253952x128xf32, #tpu.memory_space<hbm>> -> memref<253952x128xf32, #tpu.memory_space<hbm>>
    tpu.enqueue_indirect_dma source(%dma_start3A_24 : memref<253952x128xf32, #tpu.memory_space<hbm>>) target(%dma_start3A_18 : memref<64x128xf32, #tpu.memory_space<vmem>>) offsets(%dma_start3A_21 : memref<64xi32, #tpu.memory_space<vmem>>) semaphore(%arg14 : memref<!tpu.dma_semaphore, #tpu.memory_space<semaphore_mem>>)
    %dma_start3A_25 = arith.constant 2 : i32
    %dma_start3A_26 = arith.constant 64 : i32
    %dma_start3A_27 = arith.constant 0 : i32
    %dma_start3A_28 = tpu.memref_slice %arg11[%dma_start3A_26, %dma_start3A_27] : memref<384x128xf32, #tpu.memory_space<vmem>> -> memref<64x128xf32, #tpu.memory_space<vmem>>
    %dma_start3A_29 = arith.constant 0 : i32
    %dma_start3A_30 = tpu.memref_slice %arg7[%dma_start3A_25, %dma_start3A_29] : memref<7x512xi32, #tpu.memory_space<vmem>> -> memref<1x64xi32, #tpu.memory_space<vmem>>
    %dma_start3A_31 = tpu.memref_squeeze %dma_start3A_30 : memref<1x64xi32, #tpu.memory_space<vmem>> -> memref<64xi32, #tpu.memory_space<vmem>>
    %dma_start3A_32 = arith.constant 0 : i32
    %dma_start3A_33 = arith.constant 0 : i32
    %dma_start3A_34 = tpu.memref_slice %arg4[%dma_start3A_32, %dma_start3A_33] : memref<253952x128xf32, #tpu.memory_space<hbm>> -> memref<253952x128xf32, #tpu.memory_space<hbm>>
    tpu.enqueue_indirect_dma source(%dma_start3A_34 : memref<253952x128xf32, #tpu.memory_space<hbm>>) target(%dma_start3A_28 : memref<64x128xf32, #tpu.memory_space<vmem>>) offsets(%dma_start3A_31 : memref<64xi32, #tpu.memory_space<vmem>>) semaphore(%arg14 : memref<!tpu.dma_semaphore, #tpu.memory_space<semaphore_mem>>)
    %dma_start3A_35 = arith.constant 3 : i32
    %dma_start3A_36 = arith.constant 128 : i32
    %dma_start3A_37 = arith.constant 0 : i32
    %dma_start3A_38 = tpu.memref_slice %arg11[%dma_start3A_36, %dma_start3A_37] : memref<384x128xf32, #tpu.memory_space<vmem>> -> memref<64x128xf32, #tpu.memory_space<vmem>>
    %dma_start3A_39 = arith.constant 0 : i32
    %dma_start3A_40 = tpu.memref_slice %arg7[%dma_start3A_35, %dma_start3A_39] : memref<7x512xi32, #tpu.memory_space<vmem>> -> memref<1x64xi32, #tpu.memory_space<vmem>>
    %dma_start3A_41 = tpu.memref_squeeze %dma_start3A_40 : memref<1x64xi32, #tpu.memory_space<vmem>> -> memref<64xi32, #tpu.memory_space<vmem>>
    %dma_start3A_42 = arith.constant 0 : i32
    %dma_start3A_43 = arith.constant 0 : i32
    %dma_start3A_44 = tpu.memref_slice %arg4[%dma_start3A_42, %dma_start3A_43] : memref<253952x128xf32, #tpu.memory_space<hbm>> -> memref<253952x128xf32, #tpu.memory_space<hbm>>
    tpu.enqueue_indirect_dma source(%dma_start3A_44 : memref<253952x128xf32, #tpu.memory_space<hbm>>) target(%dma_start3A_38 : memref<64x128xf32, #tpu.memory_space<vmem>>) offsets(%dma_start3A_41 : memref<64xi32, #tpu.memory_space<vmem>>) semaphore(%arg14 : memref<!tpu.dma_semaphore, #tpu.memory_space<semaphore_mem>>)
    %dma_start3A_45 = arith.constant 4 : i32
    %dma_start3A_46 = arith.constant 192 : i32
    %dma_start3A_47 = arith.constant 0 : i32
    %dma_start3A_48 = tpu.memref_slice %arg11[%dma_start3A_46, %dma_start3A_47] : memref<384x128xf32, #tpu.memory_space<vmem>> -> memref<64x128xf32, #tpu.memory_space<vmem>>
    %dma_start3A_49 = arith.constant 0 : i32
    %dma_start3A_50 = tpu.memref_slice %arg7[%dma_start3A_45, %dma_start3A_49] : memref<7x512xi32, #tpu.memory_space<vmem>> -> memref<1x64xi32, #tpu.memory_space<vmem>>
    %dma_start3A_51 = tpu.memref_squeeze %dma_start3A_50 : memref<1x64xi32, #tpu.memory_space<vmem>> -> memref<64xi32, #tpu.memory_space<vmem>>
    %dma_start3A_52 = arith.constant 0 : i32
    %dma_start3A_53 = arith.constant 0 : i32
    %dma_start3A_54 = tpu.memref_slice %arg4[%dma_start3A_52, %dma_start3A_53] : memref<253952x128xf32, #tpu.memory_space<hbm>> -> memref<253952x128xf32, #tpu.memory_space<hbm>>
    tpu.enqueue_indirect_dma source(%dma_start3A_54 : memref<253952x128xf32, #tpu.memory_space<hbm>>) target(%dma_start3A_48 : memref<64x128xf32, #tpu.memory_space<vmem>>) offsets(%dma_start3A_51 : memref<64xi32, #tpu.memory_space<vmem>>) semaphore(%arg14 : memref<!tpu.dma_semaphore, #tpu.memory_space<semaphore_mem>>)
    %dma_start3A_55 = arith.constant 5 : i32
    %dma_start3A_56 = arith.constant 256 : i32
    %dma_start3A_57 = arith.constant 0 : i32
    %dma_start3A_58 = tpu.memref_slice %arg11[%dma_start3A_56, %dma_start3A_57] : memref<384x128xf32, #tpu.memory_space<vmem>> -> memref<64x128xf32, #tpu.memory_space<vmem>>
    %dma_start3A_59 = arith.constant 0 : i32
    %dma_start3A_60 = tpu.memref_slice %arg7[%dma_start3A_55, %dma_start3A_59] : memref<7x512xi32, #tpu.memory_space<vmem>> -> memref<1x64xi32, #tpu.memory_space<vmem>>
    %dma_start3A_61 = tpu.memref_squeeze %dma_start3A_60 : memref<1x64xi32, #tpu.memory_space<vmem>> -> memref<64xi32, #tpu.memory_space<vmem>>
    %dma_start3A_62 = arith.constant 0 : i32
    %dma_start3A_63 = arith.constant 0 : i32
    %dma_start3A_64 = tpu.memref_slice %arg4[%dma_start3A_62, %dma_start3A_63] : memref<253952x128xf32, #tpu.memory_space<hbm>> -> memref<253952x128xf32, #tpu.memory_space<hbm>>
    tpu.enqueue_indirect_dma source(%dma_start3A_64 : memref<253952x128xf32, #tpu.memory_space<hbm>>) target(%dma_start3A_58 : memref<64x128xf32, #tpu.memory_space<vmem>>) offsets(%dma_start3A_61 : memref<64xi32, #tpu.memory_space<vmem>>) semaphore(%arg14 : memref<!tpu.dma_semaphore, #tpu.memory_space<semaphore_mem>>)
    %dma_start3A_65 = arith.constant 6 : i32
    %dma_start3A_66 = arith.constant 320 : i32
    %dma_start3A_67 = arith.constant 0 : i32
    %dma_start3A_68 = tpu.memref_slice %arg11[%dma_start3A_66, %dma_start3A_67] : memref<384x128xf32, #tpu.memory_space<vmem>> -> memref<64x128xf32, #tpu.memory_space<vmem>>
    %dma_start3A_69 = arith.constant 0 : i32
    %dma_start3A_70 = tpu.memref_slice %arg7[%dma_start3A_65, %dma_start3A_69] : memref<7x512xi32, #tpu.memory_space<vmem>> -> memref<1x64xi32, #tpu.memory_space<vmem>>
    %dma_start3A_71 = tpu.memref_squeeze %dma_start3A_70 : memref<1x64xi32, #tpu.memory_space<vmem>> -> memref<64xi32, #tpu.memory_space<vmem>>
    %dma_start3A_72 = arith.constant 0 : i32
    %dma_start3A_73 = arith.constant 0 : i32
    %dma_start3A_74 = tpu.memref_slice %arg4[%dma_start3A_72, %dma_start3A_73] : memref<253952x128xf32, #tpu.memory_space<hbm>> -> memref<253952x128xf32, #tpu.memory_space<hbm>>
    tpu.enqueue_indirect_dma source(%dma_start3A_74 : memref<253952x128xf32, #tpu.memory_space<hbm>>) target(%dma_start3A_68 : memref<64x128xf32, #tpu.memory_space<vmem>>) offsets(%dma_start3A_71 : memref<64xi32, #tpu.memory_space<vmem>>) semaphore(%arg14 : memref<!tpu.dma_semaphore, #tpu.memory_space<semaphore_mem>>)
    %dma_start3A_75 = arith.constant 0 : i32
    %dma_start3A_76 = arith.constant 64 : i32
    %dma_start3A_77 = tpu.memref_slice %arg7[%dma_start3A_75, %dma_start3A_76] : memref<7x512xi32, #tpu.memory_space<vmem>> -> memref<1x64xi32, #tpu.memory_space<vmem>>
    %dma_start3A_78 = tpu.memref_squeeze %dma_start3A_77 : memref<1x64xi32, #tpu.memory_space<vmem>> -> memref<64xi32, #tpu.memory_space<vmem>>
    %dma_start3A_79 = arith.constant 0 : i32
    %dma_start3A_80 = arith.constant 0 : i32
    %dma_start3A_81 = tpu.memref_slice %arg3[%dma_start3A_79, %dma_start3A_80] : memref<253952x128xf32, #tpu.memory_space<hbm>> -> memref<253952x128xf32, #tpu.memory_space<hbm>>
    tpu.enqueue_indirect_dma source(%dma_start3A_81 : memref<253952x128xf32, #tpu.memory_space<hbm>>) target(%arg10 : memref<64x128xf32, #tpu.memory_space<vmem>>) offsets(%dma_start3A_78 : memref<64xi32, #tpu.memory_space<vmem>>) semaphore(%arg15 : memref<!tpu.dma_semaphore, #tpu.memory_space<semaphore_mem>>)
    %dma_start3A_82 = arith.constant 1 : i32
    %dma_start3A_83 = arith.constant 0 : i32
    %dma_start3A_84 = arith.constant 0 : i32
    %dma_start3A_85 = tpu.memref_slice %arg12[%dma_start3A_83, %dma_start3A_84] : memref<384x128xf32, #tpu.memory_space<vmem>> -> memref<64x128xf32, #tpu.memory_space<vmem>>
    %dma_start3A_86 = arith.constant 64 : i32
    %dma_start3A_87 = tpu.memref_slice %arg7[%dma_start3A_82, %dma_start3A_86] : memref<7x512xi32, #tpu.memory_space<vmem>> -> memref<1x64xi32, #tpu.memory_space<vmem>>
    %dma_start3A_88 = tpu.memref_squeeze %dma_start3A_87 : memref<1x64xi32, #tpu.memory_space<vmem>> -> memref<64xi32, #tpu.memory_space<vmem>>
    %dma_start3A_89 = arith.constant 0 : i32
    %dma_start3A_90 = arith.constant 0 : i32
    %dma_start3A_91 = tpu.memref_slice %arg4[%dma_start3A_89, %dma_start3A_90] : memref<253952x128xf32, #tpu.memory_space<hbm>> -> memref<253952x128xf32, #tpu.memory_space<hbm>>
    tpu.enqueue_indirect_dma source(%dma_start3A_91 : memref<253952x128xf32, #tpu.memory_space<hbm>>) target(%dma_start3A_85 : memref<64x128xf32, #tpu.memory_space<vmem>>) offsets(%dma_start3A_88 : memref<64xi32, #tpu.memory_space<vmem>>) semaphore(%arg15 : memref<!tpu.dma_semaphore, #tpu.memory_space<semaphore_mem>>)
    %dma_start3A_92 = arith.constant 2 : i32
    %dma_start3A_93 = arith.constant 64 : i32
    %dma_start3A_94 = arith.constant 0 : i32
    %dma_start3A_95 = tpu.memref_slice %arg12[%dma_start3A_93, %dma_start3A_94] : memref<384x128xf32, #tpu.memory_space<vmem>> -> memref<64x128xf32, #tpu.memory_space<vmem>>
    %dma_start3A_96 = arith.constant 64 : i32
    %dma_start3A_97 = tpu.memref_slice %arg7[%dma_start3A_92, %dma_start3A_96] : memref<7x512xi32, #tpu.memory_space<vmem>> -> memref<1x64xi32, #tpu.memory_space<vmem>>
    %dma_start3A_98 = tpu.memref_squeeze %dma_start3A_97 : memref<1x64xi32, #tpu.memory_space<vmem>> -> memref<64xi32, #tpu.memory_space<vmem>>
    %dma_start3A_99 = arith.constant 0 : i32
    %dma_start3A_100 = arith.constant 0 : i32
    %dma_start3A_101 = tpu.memref_slice %arg4[%dma_start3A_99, %dma_start3A_100] : memref<253952x128xf32, #tpu.memory_space<hbm>> -> memref<253952x128xf32, #tpu.memory_space<hbm>>
    tpu.enqueue_indirect_dma source(%dma_start3A_101 : memref<253952x128xf32, #tpu.memory_space<hbm>>) target(%dma_start3A_95 : memref<64x128xf32, #tpu.memory_space<vmem>>) offsets(%dma_start3A_98 : memref<64xi32, #tpu.memory_space<vmem>>) semaphore(%arg15 : memref<!tpu.dma_semaphore, #tpu.memory_space<semaphore_mem>>)
    %dma_start3A_102 = arith.constant 3 : i32
    %dma_start3A_103 = arith.constant 128 : i32
    %dma_start3A_104 = arith.constant 0 : i32
    %dma_start3A_105 = tpu.memref_slice %arg12[%dma_start3A_103, %dma_start3A_104] : memref<384x128xf32, #tpu.memory_space<vmem>> -> memref<64x128xf32, #tpu.memory_space<vmem>>
    %dma_start3A_106 = arith.constant 64 : i32
    %dma_start3A_107 = tpu.memref_slice %arg7[%dma_start3A_102, %dma_start3A_106] : memref<7x512xi32, #tpu.memory_space<vmem>> -> memref<1x64xi32, #tpu.memory_space<vmem>>
    %dma_start3A_108 = tpu.memref_squeeze %dma_start3A_107 : memref<1x64xi32, #tpu.memory_space<vmem>> -> memref<64xi32, #tpu.memory_space<vmem>>
    %dma_start3A_109 = arith.constant 0 : i32
    %dma_start3A_110 = arith.constant 0 : i32
    %dma_start3A_111 = tpu.memref_slice %arg4[%dma_start3A_109, %dma_start3A_110] : memref<253952x128xf32, #tpu.memory_space<hbm>> -> memref<253952x128xf32, #tpu.memory_space<hbm>>
    tpu.enqueue_indirect_dma source(%dma_start3A_111 : memref<253952x128xf32, #tpu.memory_space<hbm>>) target(%dma_start3A_105 : memref<64x128xf32, #tpu.memory_space<vmem>>) offsets(%dma_start3A_108 : memref<64xi32, #tpu.memory_space<vmem>>) semaphore(%arg15 : memref<!tpu.dma_semaphore, #tpu.memory_space<semaphore_mem>>)
    %dma_start3A_112 = arith.constant 4 : i32
    %dma_start3A_113 = arith.constant 192 : i32
    %dma_start3A_114 = arith.constant 0 : i32
    %dma_start3A_115 = tpu.memref_slice %arg12[%dma_start3A_113, %dma_start3A_114] : memref<384x128xf32, #tpu.memory_space<vmem>> -> memref<64x128xf32, #tpu.memory_space<vmem>>
    %dma_start3A_116 = arith.constant 64 : i32
    %dma_start3A_117 = tpu.memref_slice %arg7[%dma_start3A_112, %dma_start3A_116] : memref<7x512xi32, #tpu.memory_space<vmem>> -> memref<1x64xi32, #tpu.memory_space<vmem>>
    %dma_start3A_118 = tpu.memref_squeeze %dma_start3A_117 : memref<1x64xi32, #tpu.memory_space<vmem>> -> memref<64xi32, #tpu.memory_space<vmem>>
    %dma_start3A_119 = arith.constant 0 : i32
    %dma_start3A_120 = arith.constant 0 : i32
    %dma_start3A_121 = tpu.memref_slice %arg4[%dma_start3A_119, %dma_start3A_120] : memref<253952x128xf32, #tpu.memory_space<hbm>> -> memref<253952x128xf32, #tpu.memory_space<hbm>>
    tpu.enqueue_indirect_dma source(%dma_start3A_121 : memref<253952x128xf32, #tpu.memory_space<hbm>>) target(%dma_start3A_115 : memref<64x128xf32, #tpu.memory_space<vmem>>) offsets(%dma_start3A_118 : memref<64xi32, #tpu.memory_space<vmem>>) semaphore(%arg15 : memref<!tpu.dma_semaphore, #tpu.memory_space<semaphore_mem>>)
    %dma_start3A_122 = arith.constant 5 : i32
    %dma_start3A_123 = arith.constant 256 : i32
    %dma_start3A_124 = arith.constant 0 : i32
    %dma_start3A_125 = tpu.memref_slice %arg12[%dma_start3A_123, %dma_start3A_124] : memref<384x128xf32, #tpu.memory_space<vmem>> -> memref<64x128xf32, #tpu.memory_space<vmem>>
    %dma_start3A_126 = arith.constant 64 : i32
    %dma_start3A_127 = tpu.memref_slice %arg7[%dma_start3A_122, %dma_start3A_126] : memref<7x512xi32, #tpu.memory_space<vmem>> -> memref<1x64xi32, #tpu.memory_space<vmem>>
    %dma_start3A_128 = tpu.memref_squeeze %dma_start3A_127 : memref<1x64xi32, #tpu.memory_space<vmem>> -> memref<64xi32, #tpu.memory_space<vmem>>
    %dma_start3A_129 = arith.constant 0 : i32
    %dma_start3A_130 = arith.constant 0 : i32
    %dma_start3A_131 = tpu.memref_slice %arg4[%dma_start3A_129, %dma_start3A_130] : memref<253952x128xf32, #tpu.memory_space<hbm>> -> memref<253952x128xf32, #tpu.memory_space<hbm>>
    tpu.enqueue_indirect_dma source(%dma_start3A_131 : memref<253952x128xf32, #tpu.memory_space<hbm>>) target(%dma_start3A_125 : memref<64x128xf32, #tpu.memory_space<vmem>>) offsets(%dma_start3A_128 : memref<64xi32, #tpu.memory_space<vmem>>) semaphore(%arg15 : memref<!tpu.dma_semaphore, #tpu.memory_space<semaphore_mem>>)
    %dma_start3A_132 = arith.constant 6 : i32
    %dma_start3A_133 = arith.constant 320 : i32
    %dma_start3A_134 = arith.constant 0 : i32
    %dma_start3A_135 = tpu.memref_slice %arg12[%dma_start3A_133, %dma_start3A_134] : memref<384x128xf32, #tpu.memory_space<vmem>> -> memref<64x128xf32, #tpu.memory_space<vmem>>
    %dma_start3A_136 = arith.constant 64 : i32
    %dma_start3A_137 = tpu.memref_slice %arg7[%dma_start3A_132, %dma_start3A_136] : memref<7x512xi32, #tpu.memory_space<vmem>> -> memref<1x64xi32, #tpu.memory_space<vmem>>
    %dma_start3A_138 = tpu.memref_squeeze %dma_start3A_137 : memref<1x64xi32, #tpu.memory_space<vmem>> -> memref<64xi32, #tpu.memory_space<vmem>>
    %dma_start3A_139 = arith.constant 0 : i32
    %dma_start3A_140 = arith.constant 0 : i32
    %dma_start3A_141 = tpu.memref_slice %arg4[%dma_start3A_139, %dma_start3A_140] : memref<253952x128xf32, #tpu.memory_space<hbm>> -> memref<253952x128xf32, #tpu.memory_space<hbm>>
    tpu.enqueue_indirect_dma source(%dma_start3A_141 : memref<253952x128xf32, #tpu.memory_space<hbm>>) target(%dma_start3A_135 : memref<64x128xf32, #tpu.memory_space<vmem>>) offsets(%dma_start3A_138 : memref<64xi32, #tpu.memory_space<vmem>>) semaphore(%arg15 : memref<!tpu.dma_semaphore, #tpu.memory_space<semaphore_mem>>)
    %scan3A_142 = arith.constant 0 : i32
    %scan3A_143 = arith.constant 0 : i32
    %scan3A_144 = arith.constant 4 : i32
    %scan3A_145 = arith.addi %scan3A_143, %scan3A_144 : i32
    %scan3A_146 = arith.constant 1 : i32
    %scan3A_147 = scf.for %scan3A_149 = %scan3A_143 to %scan3A_145 step %scan3A_146 iter_args(%scan3A_150 = %scan3A_142) -> (i32)  : i32 {
      %mul3A_151 = arith.constant 2 : i32
      %mul3A_152 = arith.muli %mul3A_151, %scan3A_149 : i32
      %mul3A_153 = arith.constant 64 : i32
      %mul3A_154 = arith.muli %mul3A_152, %mul3A_153 : i32
      %mul3A_155 = arith.constant 64 : i32
      %mul3A_156 = arith.muli %mul3A_152, %mul3A_155 : i32
      %mul3A_157 = arith.constant 64 : i32
      %mul3A_158 = arith.muli %mul3A_152, %mul3A_157 : i32
      %mul3A_159 = arith.constant 64 : i32
      %mul3A_160 = arith.muli %mul3A_152, %mul3A_159 : i32
      %mul3A_161 = arith.constant 64 : i32
      %mul3A_162 = arith.muli %mul3A_152, %mul3A_161 : i32
      %mul3A_163 = arith.constant 64 : i32
      %mul3A_164 = arith.muli %mul3A_152, %mul3A_163 : i32
      %mul3A_165 = arith.constant 64 : i32
      %mul3A_166 = arith.muli %mul3A_152, %mul3A_165 : i32
      %dma_wait3A = arith.constant 0 : i32
      %dma_wait3A_167 = tpu.memref_slice %arg7[%dma_wait3A, %mul3A_154] : memref<7x512xi32, #tpu.memory_space<vmem>> -> memref<1x64xi32, #tpu.memory_space<vmem>>
      %dma_wait3A_168 = tpu.memref_squeeze %dma_wait3A_167 : memref<1x64xi32, #tpu.memory_space<vmem>> -> memref<64xi32, #tpu.memory_space<vmem>>
      %dma_wait3A_169 = arith.constant 0 : i32
      %dma_wait3A_170 = arith.constant 0 : i32
      %dma_wait3A_171 = tpu.memref_slice %arg3[%dma_wait3A_169, %dma_wait3A_170] : memref<253952x128xf32, #tpu.memory_space<hbm>> -> memref<253952x128xf32, #tpu.memory_space<hbm>>
      tpu.wait_indirect_dma semaphore(%arg14 : memref<!tpu.dma_semaphore, #tpu.memory_space<semaphore_mem>>) src(%dma_wait3A_171 : memref<253952x128xf32, #tpu.memory_space<hbm>>) dst(%arg9 : memref<64x128xf32, #tpu.memory_space<vmem>>)
      %dma_wait3A_172 = arith.constant 1 : i32
      %dma_wait3A_173 = arith.constant 0 : i32
      %dma_wait3A_174 = arith.constant 0 : i32
      %dma_wait3A_175 = tpu.memref_slice %arg11[%dma_wait3A_173, %dma_wait3A_174] : memref<384x128xf32, #tpu.memory_space<vmem>> -> memref<64x128xf32, #tpu.memory_space<vmem>>
      %dma_wait3A_176 = tpu.memref_slice %arg7[%dma_wait3A_172, %mul3A_156] : memref<7x512xi32, #tpu.memory_space<vmem>> -> memref<1x64xi32, #tpu.memory_space<vmem>>
      %dma_wait3A_177 = tpu.memref_squeeze %dma_wait3A_176 : memref<1x64xi32, #tpu.memory_space<vmem>> -> memref<64xi32, #tpu.memory_space<vmem>>
      %dma_wait3A_178 = arith.constant 0 : i32
      %dma_wait3A_179 = arith.constant 0 : i32
      %dma_wait3A_180 = tpu.memref_slice %arg4[%dma_wait3A_178, %dma_wait3A_179] : memref<253952x128xf32, #tpu.memory_space<hbm>> -> memref<253952x128xf32, #tpu.memory_space<hbm>>
      tpu.wait_indirect_dma semaphore(%arg14 : memref<!tpu.dma_semaphore, #tpu.memory_space<semaphore_mem>>) src(%dma_wait3A_180 : memref<253952x128xf32, #tpu.memory_space<hbm>>) dst(%dma_wait3A_175 : memref<64x128xf32, #tpu.memory_space<vmem>>)
      %dma_wait3A_181 = arith.constant 2 : i32
      %dma_wait3A_182 = arith.constant 64 : i32
      %dma_wait3A_183 = arith.constant 0 : i32
      %dma_wait3A_184 = tpu.memref_slice %arg11[%dma_wait3A_182, %dma_wait3A_183] : memref<384x128xf32, #tpu.memory_space<vmem>> -> memref<64x128xf32, #tpu.memory_space<vmem>>
      %dma_wait3A_185 = tpu.memref_slice %arg7[%dma_wait3A_181, %mul3A_158] : memref<7x512xi32, #tpu.memory_space<vmem>> -> memref<1x64xi32, #tpu.memory_space<vmem>>
      %dma_wait3A_186 = tpu.memref_squeeze %dma_wait3A_185 : memref<1x64xi32, #tpu.memory_space<vmem>> -> memref<64xi32, #tpu.memory_space<vmem>>
      %dma_wait3A_187 = arith.constant 0 : i32
      %dma_wait3A_188 = arith.constant 0 : i32
      %dma_wait3A_189 = tpu.memref_slice %arg4[%dma_wait3A_187, %dma_wait3A_188] : memref<253952x128xf32, #tpu.memory_space<hbm>> -> memref<253952x128xf32, #tpu.memory_space<hbm>>
      tpu.wait_indirect_dma semaphore(%arg14 : memref<!tpu.dma_semaphore, #tpu.memory_space<semaphore_mem>>) src(%dma_wait3A_189 : memref<253952x128xf32, #tpu.memory_space<hbm>>) dst(%dma_wait3A_184 : memref<64x128xf32, #tpu.memory_space<vmem>>)
      %dma_wait3A_190 = arith.constant 3 : i32
      %dma_wait3A_191 = arith.constant 128 : i32
      %dma_wait3A_192 = arith.constant 0 : i32
      %dma_wait3A_193 = tpu.memref_slice %arg11[%dma_wait3A_191, %dma_wait3A_192] : memref<384x128xf32, #tpu.memory_space<vmem>> -> memref<64x128xf32, #tpu.memory_space<vmem>>
      %dma_wait3A_194 = tpu.memref_slice %arg7[%dma_wait3A_190, %mul3A_160] : memref<7x512xi32, #tpu.memory_space<vmem>> -> memref<1x64xi32, #tpu.memory_space<vmem>>
      %dma_wait3A_195 = tpu.memref_squeeze %dma_wait3A_194 : memref<1x64xi32, #tpu.memory_space<vmem>> -> memref<64xi32, #tpu.memory_space<vmem>>
      %dma_wait3A_196 = arith.constant 0 : i32
      %dma_wait3A_197 = arith.constant 0 : i32
      %dma_wait3A_198 = tpu.memref_slice %arg4[%dma_wait3A_196, %dma_wait3A_197] : memref<253952x128xf32, #tpu.memory_space<hbm>> -> memref<253952x128xf32, #tpu.memory_space<hbm>>
      tpu.wait_indirect_dma semaphore(%arg14 : memref<!tpu.dma_semaphore, #tpu.memory_space<semaphore_mem>>) src(%dma_wait3A_198 : memref<253952x128xf32, #tpu.memory_space<hbm>>) dst(%dma_wait3A_193 : memref<64x128xf32, #tpu.memory_space<vmem>>)
      %dma_wait3A_199 = arith.constant 4 : i32
      %dma_wait3A_200 = arith.constant 192 : i32
      %dma_wait3A_201 = arith.constant 0 : i32
      %dma_wait3A_202 = tpu.memref_slice %arg11[%dma_wait3A_200, %dma_wait3A_201] : memref<384x128xf32, #tpu.memory_space<vmem>> -> memref<64x128xf32, #tpu.memory_space<vmem>>
      %dma_wait3A_203 = tpu.memref_slice %arg7[%dma_wait3A_199, %mul3A_162] : memref<7x512xi32, #tpu.memory_space<vmem>> -> memref<1x64xi32, #tpu.memory_space<vmem>>
      %dma_wait3A_204 = tpu.memref_squeeze %dma_wait3A_203 : memref<1x64xi32, #tpu.memory_space<vmem>> -> memref<64xi32, #tpu.memory_space<vmem>>
      %dma_wait3A_205 = arith.constant 0 : i32
      %dma_wait3A_206 = arith.constant 0 : i32
      %dma_wait3A_207 = tpu.memref_slice %arg4[%dma_wait3A_205, %dma_wait3A_206] : memref<253952x128xf32, #tpu.memory_space<hbm>> -> memref<253952x128xf32, #tpu.memory_space<hbm>>
      tpu.wait_indirect_dma semaphore(%arg14 : memref<!tpu.dma_semaphore, #tpu.memory_space<semaphore_mem>>) src(%dma_wait3A_207 : memref<253952x128xf32, #tpu.memory_space<hbm>>) dst(%dma_wait3A_202 : memref<64x128xf32, #tpu.memory_space<vmem>>)
      %dma_wait3A_208 = arith.constant 5 : i32
      %dma_wait3A_209 = arith.constant 256 : i32
      %dma_wait3A_210 = arith.constant 0 : i32
      %dma_wait3A_211 = tpu.memref_slice %arg11[%dma_wait3A_209, %dma_wait3A_210] : memref<384x128xf32, #tpu.memory_space<vmem>> -> memref<64x128xf32, #tpu.memory_space<vmem>>
      %dma_wait3A_212 = tpu.memref_slice %arg7[%dma_wait3A_208, %mul3A_164] : memref<7x512xi32, #tpu.memory_space<vmem>> -> memref<1x64xi32, #tpu.memory_space<vmem>>
      %dma_wait3A_213 = tpu.memref_squeeze %dma_wait3A_212 : memref<1x64xi32, #tpu.memory_space<vmem>> -> memref<64xi32, #tpu.memory_space<vmem>>
      %dma_wait3A_214 = arith.constant 0 : i32
      %dma_wait3A_215 = arith.constant 0 : i32
      %dma_wait3A_216 = tpu.memref_slice %arg4[%dma_wait3A_214, %dma_wait3A_215] : memref<253952x128xf32, #tpu.memory_space<hbm>> -> memref<253952x128xf32, #tpu.memory_space<hbm>>
      tpu.wait_indirect_dma semaphore(%arg14 : memref<!tpu.dma_semaphore, #tpu.memory_space<semaphore_mem>>) src(%dma_wait3A_216 : memref<253952x128xf32, #tpu.memory_space<hbm>>) dst(%dma_wait3A_211 : memref<64x128xf32, #tpu.memory_space<vmem>>)
      %dma_wait3A_217 = arith.constant 6 : i32
      %dma_wait3A_218 = arith.constant 320 : i32
      %dma_wait3A_219 = arith.constant 0 : i32
      %dma_wait3A_220 = tpu.memref_slice %arg11[%dma_wait3A_218, %dma_wait3A_219] : memref<384x128xf32, #tpu.memory_space<vmem>> -> memref<64x128xf32, #tpu.memory_space<vmem>>
      %dma_wait3A_221 = tpu.memref_slice %arg7[%dma_wait3A_217, %mul3A_166] : memref<7x512xi32, #tpu.memory_space<vmem>> -> memref<1x64xi32, #tpu.memory_space<vmem>>
      %dma_wait3A_222 = tpu.memref_squeeze %dma_wait3A_221 : memref<1x64xi32, #tpu.memory_space<vmem>> -> memref<64xi32, #tpu.memory_space<vmem>>
      %dma_wait3A_223 = arith.constant 0 : i32
      %dma_wait3A_224 = arith.constant 0 : i32
      %dma_wait3A_225 = tpu.memref_slice %arg4[%dma_wait3A_223, %dma_wait3A_224] : memref<253952x128xf32, #tpu.memory_space<hbm>> -> memref<253952x128xf32, #tpu.memory_space<hbm>>
      tpu.wait_indirect_dma semaphore(%arg14 : memref<!tpu.dma_semaphore, #tpu.memory_space<semaphore_mem>>) src(%dma_wait3A_225 : memref<253952x128xf32, #tpu.memory_space<hbm>>) dst(%dma_wait3A_220 : memref<64x128xf32, #tpu.memory_space<vmem>>)
      %scan3A_226 = arith.constant 0 : i32
      %scan3A_227 = arith.constant 0 : i32
      %scan3A_228 = arith.constant 4 : i32
      %scan3A_229 = arith.addi %scan3A_227, %scan3A_228 : i32
      %scan3A_230 = arith.constant 1 : i32
      %scan3A_231 = scf.for %scan3A_330 = %scan3A_227 to %scan3A_229 step %scan3A_230 iter_args(%scan3A_331 = %scan3A_226) -> (i32)  : i32 {
        %mul3A_332 = arith.constant 16 : i32
        %mul3A_333 = arith.muli %scan3A_330, %mul3A_332 : i32
        %add3A_334 = vector.broadcast %mul3A_333 : i32 to vector<16xi32>
        %add3A_335 = arith.addi %add3A_334, %iota3A : vector<16xi32>
        %mul3A_336 = arith.constant 64 : i32
        %mul3A_337 = arith.muli %mul3A_152, %mul3A_336 : i32
        %mul3A_338 = arith.constant 16 : i32
        %mul3A_339 = arith.muli %scan3A_330, %mul3A_338 : i32
        %add3A_340 = arith.addi %mul3A_337, %mul3A_339 : i32
        %get3A = arith.constant 0 : i32
        %get3A_341 = arith.index_cast %get3A : i32 to index
        %get3A_342 = arith.index_cast %add3A_340 : i32 to index
        %get3A_343 = tpu.vector_load %arg8[%get3A_341, %get3A_342] {strides = array<i32>} : memref<7x512xi32, #tpu.memory_space<vmem>>, vector<16xi32>,
        %shift_right_arithmetic3A = arith.constant 1 : i32
        %shift_right_arithmetic3A_344 = vector.broadcast %shift_right_arithmetic3A : i32 to vector<16xi32>
        %shift_right_arithmetic3A_345 = arith.shrsi %get3A_343, %shift_right_arithmetic3A_344 : vector<16xi32>
        %mul3A_346 = arith.constant 64 : i32
        %mul3A_347 = vector.broadcast %mul3A_346 : i32 to vector<16xi32>
        %mul3A_348 = arith.muli %shift_right_arithmetic3A_345, %mul3A_347 : vector<16xi32>
        %and3A = arith.constant 1 : i32
        %and3A_349 = vector.broadcast %and3A : i32 to vector<16xi32>
        %and3A_350 = arith.andi %get3A_343, %and3A_349 : vector<16xi32>
        %eq3A = arith.constant 1 : i32
        %eq3A_351 = vector.broadcast %eq3A : i32 to vector<16xi32>
        %eq3A_352 = arith.cmpi eq, %and3A_350, %eq3A_351 : vector<16xi32>
        %mul3A_353 = arith.constant 64 : i32
        %mul3A_354 = arith.muli %mul3A_152, %mul3A_353 : i32
        %mul3A_355 = arith.constant 16 : i32
        %mul3A_356 = arith.muli %scan3A_330, %mul3A_355 : i32
        %add3A_357 = arith.addi %mul3A_354, %mul3A_356 : i32
        %get3A_358 = arith.constant 1 : i32
        %get3A_359 = arith.index_cast %get3A_358 : i32 to index
        %get3A_360 = arith.index_cast %add3A_357 : i32 to index
        %get3A_361 = tpu.vector_load %arg8[%get3A_359, %get3A_360] {strides = array<i32>} : memref<7x512xi32, #tpu.memory_space<vmem>>, vector<16xi32>,
        %add3A_362 = arith.constant 0 : i32
        %add3A_363 = vector.broadcast %add3A_362 : i32 to vector<16xi32>
        %add3A_364 = arith.addi %add3A_363, %add3A_335 : vector<16xi32>
        %shift_right_arithmetic3A_365 = arith.constant 1 : i32
        %shift_right_arithmetic3A_366 = vector.broadcast %shift_right_arithmetic3A_365 : i32 to vector<16xi32>
        %shift_right_arithmetic3A_367 = arith.shrsi %get3A_361, %shift_right_arithmetic3A_366 : vector<16xi32>
        %mul3A_368 = arith.constant 64 : i32
        %mul3A_369 = vector.broadcast %mul3A_368 : i32 to vector<16xi32>
        %mul3A_370 = arith.muli %shift_right_arithmetic3A_367, %mul3A_369 : vector<16xi32>
        %and3A_371 = arith.constant 1 : i32
        %and3A_372 = vector.broadcast %and3A_371 : i32 to vector<16xi32>
        %and3A_373 = arith.andi %get3A_361, %and3A_372 : vector<16xi32>
        %eq3A_374 = arith.constant 1 : i32
        %eq3A_375 = vector.broadcast %eq3A_374 : i32 to vector<16xi32>
        %eq3A_376 = arith.cmpi eq, %and3A_373, %eq3A_375 : vector<16xi32>
        %mul3A_377 = arith.constant 64 : i32
        %mul3A_378 = arith.muli %mul3A_152, %mul3A_377 : i32
        %mul3A_379 = arith.constant 16 : i32
        %mul3A_380 = arith.muli %scan3A_330, %mul3A_379 : i32
        %add3A_381 = arith.addi %mul3A_378, %mul3A_380 : i32
        %get3A_382 = arith.constant 2 : i32
        %get3A_383 = arith.index_cast %get3A_382 : i32 to index
        %get3A_384 = arith.index_cast %add3A_381 : i32 to index
        %get3A_385 = tpu.vector_load %arg8[%get3A_383, %get3A_384] {strides = array<i32>} : memref<7x512xi32, #tpu.memory_space<vmem>>, vector<16xi32>,
        %add3A_386 = arith.constant 64 : i32
        %add3A_387 = vector.broadcast %add3A_386 : i32 to vector<16xi32>
        %add3A_388 = arith.addi %add3A_387, %add3A_335 : vector<16xi32>
        %shift_right_arithmetic3A_389 = arith.constant 1 : i32
        %shift_right_arithmetic3A_390 = vector.broadcast %shift_right_arithmetic3A_389 : i32 to vector<16xi32>
        %shift_right_arithmetic3A_391 = arith.shrsi %get3A_385, %shift_right_arithmetic3A_390 : vector<16xi32>
        %mul3A_392 = arith.constant 64 : i32
        %mul3A_393 = vector.broadcast %mul3A_392 : i32 to vector<16xi32>
        %mul3A_394 = arith.muli %shift_right_arithmetic3A_391, %mul3A_393 : vector<16xi32>
        %and3A_395 = arith.constant 1 : i32
        %and3A_396 = vector.broadcast %and3A_395 : i32 to vector<16xi32>
        %and3A_397 = arith.andi %get3A_385, %and3A_396 : vector<16xi32>
        %eq3A_398 = arith.constant 1 : i32
        %eq3A_399 = vector.broadcast %eq3A_398 : i32 to vector<16xi32>
        %eq3A_400 = arith.cmpi eq, %and3A_397, %eq3A_399 : vector<16xi32>
        %mul3A_401 = arith.constant 64 : i32
        %mul3A_402 = arith.muli %mul3A_152, %mul3A_401 : i32
        %mul3A_403 = arith.constant 16 : i32
        %mul3A_404 = arith.muli %scan3A_330, %mul3A_403 : i32
        %add3A_405 = arith.addi %mul3A_402, %mul3A_404 : i32
        %get3A_406 = arith.constant 3 : i32
        %get3A_407 = arith.index_cast %get3A_406 : i32 to index
        %get3A_408 = arith.index_cast %add3A_405 : i32 to index
        %get3A_409 = tpu.vector_load %arg8[%get3A_407, %get3A_408] {strides = array<i32>} : memref<7x512xi32, #tpu.memory_space<vmem>>, vector<16xi32>,
        %add3A_410 = arith.constant 128 : i32
        %add3A_411 = vector.broadcast %add3A_410 : i32 to vector<16xi32>
        %add3A_412 = arith.addi %add3A_411, %add3A_335 : vector<16xi32>
        %shift_right_arithmetic3A_413 = arith.constant 1 : i32
        %shift_right_arithmetic3A_414 = vector.broadcast %shift_right_arithmetic3A_413 : i32 to vector<16xi32>
        %shift_right_arithmetic3A_415 = arith.shrsi %get3A_409, %shift_right_arithmetic3A_414 : vector<16xi32>
        %mul3A_416 = arith.constant 64 : i32
        %mul3A_417 = vector.broadcast %mul3A_416 : i32 to vector<16xi32>
        %mul3A_418 = arith.muli %shift_right_arithmetic3A_415, %mul3A_417 : vector<16xi32>
        %and3A_419 = arith.constant 1 : i32
        %and3A_420 = vector.broadcast %and3A_419 : i32 to vector<16xi32>
        %and3A_421 = arith.andi %get3A_409, %and3A_420 : vector<16xi32>
        %eq3A_422 = arith.constant 1 : i32
        %eq3A_423 = vector.broadcast %eq3A_422 : i32 to vector<16xi32>
        %eq3A_424 = arith.cmpi eq, %and3A_421, %eq3A_423 : vector<16xi32>
        %mul3A_425 = arith.constant 64 : i32
        %mul3A_426 = arith.muli %mul3A_152, %mul3A_425 : i32
        %mul3A_427 = arith.constant 16 : i32
        %mul3A_428 = arith.muli %scan3A_330, %mul3A_427 : i32
        %add3A_429 = arith.addi %mul3A_426, %mul3A_428 : i32
        %get3A_430 = arith.constant 4 : i32
        %get3A_431 = arith.index_cast %get3A_430 : i32 to index
        %get3A_432 = arith.index_cast %add3A_429 : i32 to index
        %get3A_433 = tpu.vector_load %arg8[%get3A_431, %get3A_432] {strides = array<i32>} : memref<7x512xi32, #tpu.memory_space<vmem>>, vector<16xi32>,
        %add3A_434 = arith.constant 192 : i32
        %add3A_435 = vector.broadcast %add3A_434 : i32 to vector<16xi32>
        %add3A_436 = arith.addi %add3A_435, %add3A_335 : vector<16xi32>
        %shift_right_arithmetic3A_437 = arith.constant 1 : i32
        %shift_right_arithmetic3A_438 = vector.broadcast %shift_right_arithmetic3A_437 : i32 to vector<16xi32>
        %shift_right_arithmetic3A_439 = arith.shrsi %get3A_433, %shift_right_arithmetic3A_438 : vector<16xi32>
        %mul3A_440 = arith.constant 64 : i32
        %mul3A_441 = vector.broadcast %mul3A_440 : i32 to vector<16xi32>
        %mul3A_442 = arith.muli %shift_right_arithmetic3A_439, %mul3A_441 : vector<16xi32>
        %and3A_443 = arith.constant 1 : i32
        %and3A_444 = vector.broadcast %and3A_443 : i32 to vector<16xi32>
        %and3A_445 = arith.andi %get3A_433, %and3A_444 : vector<16xi32>
        %eq3A_446 = arith.constant 1 : i32
        %eq3A_447 = vector.broadcast %eq3A_446 : i32 to vector<16xi32>
        %eq3A_448 = arith.cmpi eq, %and3A_445, %eq3A_447 : vector<16xi32>
        %mul3A_449 = arith.constant 64 : i32
        %mul3A_450 = arith.muli %mul3A_152, %mul3A_449 : i32
        %mul3A_451 = arith.constant 16 : i32
        %mul3A_452 = arith.muli %scan3A_330, %mul3A_451 : i32
        %add3A_453 = arith.addi %mul3A_450, %mul3A_452 : i32
        %get3A_454 = arith.constant 5 : i32
        %get3A_455 = arith.index_cast %get3A_454 : i32 to index
        %get3A_456 = arith.index_cast %add3A_453 : i32 to index
        %get3A_457 = tpu.vector_load %arg8[%get3A_455, %get3A_456] {strides = array<i32>} : memref<7x512xi32, #tpu.memory_space<vmem>>, vector<16xi32>,
        %add3A_458 = arith.constant 256 : i32
        %add3A_459 = vector.broadcast %add3A_458 : i32 to vector<16xi32>
        %add3A_460 = arith.addi %add3A_459, %add3A_335 : vector<16xi32>
        %shift_right_arithmetic3A_461 = arith.constant 1 : i32
        %shift_right_arithmetic3A_462 = vector.broadcast %shift_right_arithmetic3A_461 : i32 to vector<16xi32>
        %shift_right_arithmetic3A_463 = arith.shrsi %get3A_457, %shift_right_arithmetic3A_462 : vector<16xi32>
        %mul3A_464 = arith.constant 64 : i32
        %mul3A_465 = vector.broadcast %mul3A_464 : i32 to vector<16xi32>
        %mul3A_466 = arith.muli %shift_right_arithmetic3A_463, %mul3A_465 : vector<16xi32>
        %and3A_467 = arith.constant 1 : i32
        %and3A_468 = vector.broadcast %and3A_467 : i32 to vector<16xi32>
        %and3A_469 = arith.andi %get3A_457, %and3A_468 : vector<16xi32>
        %eq3A_470 = arith.constant 1 : i32
        %eq3A_471 = vector.broadcast %eq3A_470 : i32 to vector<16xi32>
        %eq3A_472 = arith.cmpi eq, %and3A_469, %eq3A_471 : vector<16xi32>
        %mul3A_473 = arith.constant 64 : i32
        %mul3A_474 = arith.muli %mul3A_152, %mul3A_473 : i32
        %mul3A_475 = arith.constant 16 : i32
        %mul3A_476 = arith.muli %scan3A_330, %mul3A_475 : i32
        %add3A_477 = arith.addi %mul3A_474, %mul3A_476 : i32
        %get3A_478 = arith.constant 6 : i32
        %get3A_479 = arith.index_cast %get3A_478 : i32 to index
        %get3A_480 = arith.index_cast %add3A_477 : i32 to index
        %get3A_481 = tpu.vector_load %arg8[%get3A_479, %get3A_480] {strides = array<i32>} : memref<7x512xi32, #tpu.memory_space<vmem>>, vector<16xi32>,
        %add3A_482 = arith.constant 320 : i32
        %add3A_483 = vector.broadcast %add3A_482 : i32 to vector<16xi32>
        %add3A_484 = arith.addi %add3A_483, %add3A_335 : vector<16xi32>
        %shift_right_arithmetic3A_485 = arith.constant 1 : i32
        %shift_right_arithmetic3A_486 = vector.broadcast %shift_right_arithmetic3A_485 : i32 to vector<16xi32>
        %shift_right_arithmetic3A_487 = arith.shrsi %get3A_481, %shift_right_arithmetic3A_486 : vector<16xi32>
        %mul3A_488 = arith.constant 64 : i32
        %mul3A_489 = vector.broadcast %mul3A_488 : i32 to vector<16xi32>
        %mul3A_490 = arith.muli %shift_right_arithmetic3A_487, %mul3A_489 : vector<16xi32>
        %and3A_491 = arith.constant 1 : i32
        %and3A_492 = vector.broadcast %and3A_491 : i32 to vector<16xi32>
        %and3A_493 = arith.andi %get3A_481, %and3A_492 : vector<16xi32>
        %eq3A_494 = arith.constant 1 : i32
        %eq3A_495 = vector.broadcast %eq3A_494 : i32 to vector<16xi32>
        %eq3A_496 = arith.cmpi eq, %and3A_493, %eq3A_495 : vector<16xi32>
        %broadcast_in_dim3A = arith.constant 0.000000e+00 : f32
        %broadcast_in_dim3A_497 = vector.broadcast %broadcast_in_dim3A : f32 to vector<16xf32>
        %broadcast_in_dim3A_498 = arith.constant 0.000000e+00 : f32
        %broadcast_in_dim3A_499 = vector.broadcast %broadcast_in_dim3A_498 : f32 to vector<16xf32>
        %broadcast_in_dim3A_500 = arith.constant 0.000000e+00 : f32
        %broadcast_in_dim3A_501 = vector.broadcast %broadcast_in_dim3A_500 : f32 to vector<16xf32>
        %broadcast_in_dim3A_502 = arith.constant 0.000000e+00 : f32
        %broadcast_in_dim3A_503 = vector.broadcast %broadcast_in_dim3A_502 : f32 to vector<16xf32>
        %broadcast_in_dim3A_504 = arith.constant 0.000000e+00 : f32
        %broadcast_in_dim3A_505 = vector.broadcast %broadcast_in_dim3A_504 : f32 to vector<16xf32>
        %broadcast_in_dim3A_506 = arith.constant 0.000000e+00 : f32
        %broadcast_in_dim3A_507 = vector.broadcast %broadcast_in_dim3A_506 : f32 to vector<16xf32>
        %scan3A_508 = arith.constant 0 : i32
        %scan3A_509 = arith.constant 16 : i32
        %scan3A_510 = arith.addi %scan3A_508, %scan3A_509 : i32
        %scan3A_511 = arith.constant 1 : i32
        %scan3A_512:6 = scf.for %scan3A_820 = %scan3A_508 to %scan3A_510 step %scan3A_511 iter_args(%scan3A_821 = %broadcast_in_dim3A_497, %scan3A_822 = %broadcast_in_dim3A_499, %scan3A_823 = %broadcast_in_dim3A_501, %scan3A_824 = %broadcast_in_dim3A_503, %scan3A_825 = %broadcast_in_dim3A_505, %scan3A_826 = %broadcast_in_dim3A_507) -> (vector<16xf32>, vector<16xf32>, vector<16xf32>, vector<16xf32>, vector<16xf32>, vector<16xf32>)  : i32 {
          %mul3A_827 = arith.constant 4 : i32
          %mul3A_828 = arith.muli %scan3A_820, %mul3A_827 : i32
          %add3A_829 = arith.constant 0 : i32
          %add3A_830 = arith.addi %mul3A_828, %add3A_829 : i32
          %add3A_831 = vector.broadcast %add3A_830 : i32 to vector<16xi32>
          %add3A_832 = arith.addi %mul3A_348, %add3A_831 : vector<16xi32>
          %gather3A = tpu.vector_load_idx %arg9[%add3A_335, %add3A_832] : memref<64x128xf32, #tpu.memory_space<vmem>>[vector<16xi32>, vector<16xi32>], vector<16xf32>,
          %bitcast3A = vector.bitcast %gather3A : vector<16xf32> to vector<16xi32>
          %and3A_833 = arith.constant -65536 : i32
          %and3A_834 = vector.broadcast %and3A_833 : i32 to vector<16xi32>
          %and3A_835 = arith.andi %bitcast3A, %and3A_834 : vector<16xi32>
          %shift_left3A = arith.constant 16 : i32
          %shift_left3A_836 = vector.broadcast %shift_left3A : i32 to vector<16xi32>
          %shift_left3A_837 = arith.shli %bitcast3A, %shift_left3A_836 : vector<16xi32>
          %select_n3A = arith.select %eq3A_352, %and3A_835, %shift_left3A_837 : vector<16xi1>, vector<16xi32>
          %bitcast3A_838 = vector.bitcast %select_n3A : vector<16xi32> to vector<16xf32>
          %add3A_839 = vector.broadcast %add3A_830 : i32 to vector<16xi32>
          %add3A_840 = arith.addi %mul3A_370, %add3A_839 : vector<16xi32>
          %gather3A_841 = tpu.vector_load_idx %arg11[%add3A_364, %add3A_840] : memref<384x128xf32, #tpu.memory_space<vmem>>[vector<16xi32>, vector<16xi32>], vector<16xf32>,
          %bitcast3A_842 = vector.bitcast %gather3A_841 : vector<16xf32> to vector<16xi32>
          %and3A_843 = arith.constant -65536 : i32
          %and3A_844 = vector.broadcast %and3A_843 : i32 to vector<16xi32>
          %and3A_845 = arith.andi %bitcast3A_842, %and3A_844 : vector<16xi32>
          %shift_left3A_846 = arith.constant 16 : i32
          %shift_left3A_847 = vector.broadcast %shift_left3A_846 : i32 to vector<16xi32>
          %shift_left3A_848 = arith.shli %bitcast3A_842, %shift_left3A_847 : vector<16xi32>
          %select_n3A_849 = arith.select %eq3A_376, %and3A_845, %shift_left3A_848 : vector<16xi1>, vector<16xi32>
          %bitcast3A_850 = vector.bitcast %select_n3A_849 : vector<16xi32> to vector<16xf32>
          %mul3A_851 = arith.mulf %bitcast3A_838, %bitcast3A_850 : vector<16xf32>
          %add3A_852 = arith.addf %scan3A_821, %mul3A_851 : vector<16xf32>
          %add3A_853 = vector.broadcast %add3A_830 : i32 to vector<16xi32>
          %add3A_854 = arith.addi %mul3A_394, %add3A_853 : vector<16xi32>
          %gather3A_855 = tpu.vector_load_idx %arg11[%add3A_388, %add3A_854] : memref<384x128xf32, #tpu.memory_space<vmem>>[vector<16xi32>, vector<16xi32>], vector<16xf32>,
          %bitcast3A_856 = vector.bitcast %gather3A_855 : vector<16xf32> to vector<16xi32>
          %and3A_857 = arith.constant -65536 : i32
          %and3A_858 = vector.broadcast %and3A_857 : i32 to vector<16xi32>
          %and3A_859 = arith.andi %bitcast3A_856, %and3A_858 : vector<16xi32>
          %shift_left3A_860 = arith.constant 16 : i32
          %shift_left3A_861 = vector.broadcast %shift_left3A_860 : i32 to vector<16xi32>
          %shift_left3A_862 = arith.shli %bitcast3A_856, %shift_left3A_861 : vector<16xi32>
          %select_n3A_863 = arith.select %eq3A_400, %and3A_859, %shift_left3A_862 : vector<16xi1>, vector<16xi32>
          %bitcast3A_864 = vector.bitcast %select_n3A_863 : vector<16xi32> to vector<16xf32>
          %mul3A_865 = arith.mulf %bitcast3A_838, %bitcast3A_864 : vector<16xf32>
          %add3A_866 = arith.addf %scan3A_822, %mul3A_865 : vector<16xf32>
          %add3A_867 = vector.broadcast %add3A_830 : i32 to vector<16xi32>
          %add3A_868 = arith.addi %mul3A_418, %add3A_867 : vector<16xi32>
          %gather3A_869 = tpu.vector_load_idx %arg11[%add3A_412, %add3A_868] : memref<384x128xf32, #tpu.memory_space<vmem>>[vector<16xi32>, vector<16xi32>], vector<16xf32>,
          %bitcast3A_870 = vector.bitcast %gather3A_869 : vector<16xf32> to vector<16xi32>
          %and3A_871 = arith.constant -65536 : i32
          %and3A_872 = vector.broadcast %and3A_871 : i32 to vector<16xi32>
          %and3A_873 = arith.andi %bitcast3A_870, %and3A_872 : vector<16xi32>
          %shift_left3A_874 = arith.constant 16 : i32
          %shift_left3A_875 = vector.broadcast %shift_left3A_874 : i32 to vector<16xi32>
          %shift_left3A_876 = arith.shli %bitcast3A_870, %shift_left3A_875 : vector<16xi32>
          %select_n3A_877 = arith.select %eq3A_424, %and3A_873, %shift_left3A_876 : vector<16xi1>, vector<16xi32>
          %bitcast3A_878 = vector.bitcast %select_n3A_877 : vector<16xi32> to vector<16xf32>
          %mul3A_879 = arith.mulf %bitcast3A_838, %bitcast3A_878 : vector<16xf32>
          %add3A_880 = arith.addf %scan3A_823, %mul3A_879 : vector<16xf32>
          %add3A_881 = vector.broadcast %add3A_830 : i32 to vector<16xi32>
          %add3A_882 = arith.addi %mul3A_442, %add3A_881 : vector<16xi32>
          %gather3A_883 = tpu.vector_load_idx %arg11[%add3A_436, %add3A_882] : memref<384x128xf32, #tpu.memory_space<vmem>>[vector<16xi32>, vector<16xi32>], vector<16xf32>,
          %bitcast3A_884 = vector.bitcast %gather3A_883 : vector<16xf32> to vector<16xi32>
          %and3A_885 = arith.constant -65536 : i32
          %and3A_886 = vector.broadcast %and3A_885 : i32 to vector<16xi32>
          %and3A_887 = arith.andi %bitcast3A_884, %and3A_886 : vector<16xi32>
          %shift_left3A_888 = arith.constant 16 : i32
          %shift_left3A_889 = vector.broadcast %shift_left3A_888 : i32 to vector<16xi32>
          %shift_left3A_890 = arith.shli %bitcast3A_884, %shift_left3A_889 : vector<16xi32>
          %select_n3A_891 = arith.select %eq3A_448, %and3A_887, %shift_left3A_890 : vector<16xi1>, vector<16xi32>
          %bitcast3A_892 = vector.bitcast %select_n3A_891 : vector<16xi32> to vector<16xf32>
          %mul3A_893 = arith.mulf %bitcast3A_838, %bitcast3A_892 : vector<16xf32>
          %add3A_894 = arith.addf %scan3A_824, %mul3A_893 : vector<16xf32>
          %add3A_895 = vector.broadcast %add3A_830 : i32 to vector<16xi32>
          %add3A_896 = arith.addi %mul3A_466, %add3A_895 : vector<16xi32>
          %gather3A_897 = tpu.vector_load_idx %arg11[%add3A_460, %add3A_896] : memref<384x128xf32, #tpu.memory_space<vmem>>[vector<16xi32>, vector<16xi32>], vector<16xf32>,
          %bitcast3A_898 = vector.bitcast %gather3A_897 : vector<16xf32> to vector<16xi32>
          %and3A_899 = arith.constant -65536 : i32
          %and3A_900 = vector.broadcast %and3A_899 : i32 to vector<16xi32>
          %and3A_901 = arith.andi %bitcast3A_898, %and3A_900 : vector<16xi32>
          %shift_left3A_902 = arith.constant 16 : i32
          %shift_left3A_903 = vector.broadcast %shift_left3A_902 : i32 to vector<16xi32>
          %shift_left3A_904 = arith.shli %bitcast3A_898, %shift_left3A_903 : vector<16xi32>
          %select_n3A_905 = arith.select %eq3A_472, %and3A_901, %shift_left3A_904 : vector<16xi1>, vector<16xi32>
          %bitcast3A_906 = vector.bitcast %select_n3A_905 : vector<16xi32> to vector<16xf32>
          %mul3A_907 = arith.mulf %bitcast3A_838, %bitcast3A_906 : vector<16xf32>
          %add3A_908 = arith.addf %scan3A_825, %mul3A_907 : vector<16xf32>
          %add3A_909 = vector.broadcast %add3A_830 : i32 to vector<16xi32>
          %add3A_910 = arith.addi %mul3A_490, %add3A_909 : vector<16xi32>
          %gather3A_911 = tpu.vector_load_idx %arg11[%add3A_484, %add3A_910] : memref<384x128xf32, #tpu.memory_space<vmem>>[vector<16xi32>, vector<16xi32>], vector<16xf32>,
          %bitcast3A_912 = vector.bitcast %gather3A_911 : vector<16xf32> to vector<16xi32>
          %and3A_913 = arith.constant -65536 : i32
          %and3A_914 = vector.broadcast %and3A_913 : i32 to vector<16xi32>
          %and3A_915 = arith.andi %bitcast3A_912, %and3A_914 : vector<16xi32>
          %shift_left3A_916 = arith.constant 16 : i32
          %shift_left3A_917 = vector.broadcast %shift_left3A_916 : i32 to vector<16xi32>
          %shift_left3A_918 = arith.shli %bitcast3A_912, %shift_left3A_917 : vector<16xi32>
          %select_n3A_919 = arith.select %eq3A_496, %and3A_915, %shift_left3A_918 : vector<16xi1>, vector<16xi32>
          %bitcast3A_920 = vector.bitcast %select_n3A_919 : vector<16xi32> to vector<16xf32>
          %mul3A_921 = arith.mulf %bitcast3A_838, %bitcast3A_920 : vector<16xf32>
          %add3A_922 = arith.addf %scan3A_826, %mul3A_921 : vector<16xf32>
          %mul3A_923 = arith.constant 4 : i32
          %mul3A_924 = arith.muli %scan3A_820, %mul3A_923 : i32
          %add3A_925 = arith.constant 1 : i32
          %add3A_926 = arith.addi %mul3A_924, %add3A_925 : i32
          %add3A_927 = vector.broadcast %add3A_926 : i32 to vector<16xi32>
          %add3A_928 = arith.addi %mul3A_348, %add3A_927 : vector<16xi32>
          %gather3A_929 = tpu.vector_load_idx %arg9[%add3A_335, %add3A_928] : memref<64x128xf32, #tpu.memory_space<vmem>>[vector<16xi32>, vector<16xi32>], vector<16xf32>,
          %bitcast3A_930 = vector.bitcast %gather3A_929 : vector<16xf32> to vector<16xi32>
          %and3A_931 = arith.constant -65536 : i32
          %and3A_932 = vector.broadcast %and3A_931 : i32 to vector<16xi32>
          %and3A_933 = arith.andi %bitcast3A_930, %and3A_932 : vector<16xi32>
          %shift_left3A_934 = arith.constant 16 : i32
          %shift_left3A_935 = vector.broadcast %shift_left3A_934 : i32 to vector<16xi32>
          %shift_left3A_936 = arith.shli %bitcast3A_930, %shift_left3A_935 : vector<16xi32>
          %select_n3A_937 = arith.select %eq3A_352, %and3A_933, %shift_left3A_936 : vector<16xi1>, vector<16xi32>
          %bitcast3A_938 = vector.bitcast %select_n3A_937 : vector<16xi32> to vector<16xf32>
          %add3A_939 = vector.broadcast %add3A_926 : i32 to vector<16xi32>
          %add3A_940 = arith.addi %mul3A_370, %add3A_939 : vector<16xi32>
          %gather3A_941 = tpu.vector_load_idx %arg11[%add3A_364, %add3A_940] : memref<384x128xf32, #tpu.memory_space<vmem>>[vector<16xi32>, vector<16xi32>], vector<16xf32>,
          %bitcast3A_942 = vector.bitcast %gather3A_941 : vector<16xf32> to vector<16xi32>
          %and3A_943 = arith.constant -65536 : i32
          %and3A_944 = vector.broadcast %and3A_943 : i32 to vector<16xi32>
          %and3A_945 = arith.andi %bitcast3A_942, %and3A_944 : vector<16xi32>
          %shift_left3A_946 = arith.constant 16 : i32
          %shift_left3A_947 = vector.broadcast %shift_left3A_946 : i32 to vector<16xi32>
          %shift_left3A_948 = arith.shli %bitcast3A_942, %shift_left3A_947 : vector<16xi32>
          %select_n3A_949 = arith.select %eq3A_376, %and3A_945, %shift_left3A_948 : vector<16xi1>, vector<16xi32>
          %bitcast3A_950 = vector.bitcast %select_n3A_949 : vector<16xi32> to vector<16xf32>
          %mul3A_951 = arith.mulf %bitcast3A_938, %bitcast3A_950 : vector<16xf32>
          %add3A_952 = arith.addf %add3A_852, %mul3A_951 : vector<16xf32>
          %add3A_953 = vector.broadcast %add3A_926 : i32 to vector<16xi32>
          %add3A_954 = arith.addi %mul3A_394, %add3A_953 : vector<16xi32>
          %gather3A_955 = tpu.vector_load_idx %arg11[%add3A_388, %add3A_954] : memref<384x128xf32, #tpu.memory_space<vmem>>[vector<16xi32>, vector<16xi32>], vector<16xf32>,
          %bitcast3A_956 = vector.bitcast %gather3A_955 : vector<16xf32> to vector<16xi32>
          %and3A_957 = arith.constant -65536 : i32
          %and3A_958 = vector.broadcast %and3A_957 : i32 to vector<16xi32>
          %and3A_959 = arith.andi %bitcast3A_956, %and3A_958 : vector<16xi32>
          %shift_left3A_960 = arith.constant 16 : i32
          %shift_left3A_961 = vector.broadcast %shift_left3A_960 : i32 to vector<16xi32>
          %shift_left3A_962 = arith.shli %bitcast3A_956, %shift_left3A_961 : vector<16xi32>
          %select_n3A_963 = arith.select %eq3A_400, %and3A_959, %shift_left3A_962 : vector<16xi1>, vector<16xi32>
          %bitcast3A_964 = vector.bitcast %select_n3A_963 : vector<16xi32> to vector<16xf32>
          %mul3A_965 = arith.mulf %bitcast3A_938, %bitcast3A_964 : vector<16xf32>
          %add3A_966 = arith.addf %add3A_866, %mul3A_965 : vector<16xf32>
          %add3A_967 = vector.broadcast %add3A_926 : i32 to vector<16xi32>
          %add3A_968 = arith.addi %mul3A_418, %add3A_967 : vector<16xi32>
          %gather3A_969 = tpu.vector_load_idx %arg11[%add3A_412, %add3A_968] : memref<384x128xf32, #tpu.memory_space<vmem>>[vector<16xi32>, vector<16xi32>], vector<16xf32>,
          %bitcast3A_970 = vector.bitcast %gather3A_969 : vector<16xf32> to vector<16xi32>
          %and3A_971 = arith.constant -65536 : i32
          %and3A_972 = vector.broadcast %and3A_971 : i32 to vector<16xi32>
          %and3A_973 = arith.andi %bitcast3A_970, %and3A_972 : vector<16xi32>
          %shift_left3A_974 = arith.constant 16 : i32
          %shift_left3A_975 = vector.broadcast %shift_left3A_974 : i32 to vector<16xi32>
          %shift_left3A_976 = arith.shli %bitcast3A_970, %shift_left3A_975 : vector<16xi32>
          %select_n3A_977 = arith.select %eq3A_424, %and3A_973, %shift_left3A_976 : vector<16xi1>, vector<16xi32>
          %bitcast3A_978 = vector.bitcast %select_n3A_977 : vector<16xi32> to vector<16xf32>
          %mul3A_979 = arith.mulf %bitcast3A_938, %bitcast3A_978 : vector<16xf32>
          %add3A_980 = arith.addf %add3A_880, %mul3A_979 : vector<16xf32>
          %add3A_981 = vector.broadcast %add3A_926 : i32 to vector<16xi32>
          %add3A_982 = arith.addi %mul3A_442, %add3A_981 : vector<16xi32>
          %gather3A_983 = tpu.vector_load_idx %arg11[%add3A_436, %add3A_982] : memref<384x128xf32, #tpu.memory_space<vmem>>[vector<16xi32>, vector<16xi32>], vector<16xf32>,
          %bitcast3A_984 = vector.bitcast %gather3A_983 : vector<16xf32> to vector<16xi32>
          %and3A_985 = arith.constant -65536 : i32
          %and3A_986 = vector.broadcast %and3A_985 : i32 to vector<16xi32>
          %and3A_987 = arith.andi %bitcast3A_984, %and3A_986 : vector<16xi32>
          %shift_left3A_988 = arith.constant 16 : i32
          %shift_left3A_989 = vector.broadcast %shift_left3A_988 : i32 to vector<16xi32>
          %shift_left3A_990 = arith.shli %bitcast3A_984, %shift_left3A_989 : vector<16xi32>
          %select_n3A_991 = arith.select %eq3A_448, %and3A_987, %shift_left3A_990 : vector<16xi1>, vector<16xi32>
          %bitcast3A_992 = vector.bitcast %select_n3A_991 : vector<16xi32> to vector<16xf32>
          %mul3A_993 = arith.mulf %bitcast3A_938, %bitcast3A_992 : vector<16xf32>
          %add3A_994 = arith.addf %add3A_894, %mul3A_993 : vector<16xf32>
          %add3A_995 = vector.broadcast %add3A_926 : i32 to vector<16xi32>
          %add3A_996 = arith.addi %mul3A_466, %add3A_995 : vector<16xi32>
          %gather3A_997 = tpu.vector_load_idx %arg11[%add3A_460, %add3A_996] : memref<384x128xf32, #tpu.memory_space<vmem>>[vector<16xi32>, vector<16xi32>], vector<16xf32>,
          %bitcast3A_998 = vector.bitcast %gather3A_997 : vector<16xf32> to vector<16xi32>
          %and3A_999 = arith.constant -65536 : i32
          %and3A_1000 = vector.broadcast %and3A_999 : i32 to vector<16xi32>
          %and3A_1001 = arith.andi %bitcast3A_998, %and3A_1000 : vector<16xi32>
          %shift_left3A_1002 = arith.constant 16 : i32
          %shift_left3A_1003 = vector.broadcast %shift_left3A_1002 : i32 to vector<16xi32>
          %shift_left3A_1004 = arith.shli %bitcast3A_998, %shift_left3A_1003 : vector<16xi32>
          %select_n3A_1005 = arith.select %eq3A_472, %and3A_1001, %shift_left3A_1004 : vector<16xi1>, vector<16xi32>
          %bitcast3A_1006 = vector.bitcast %select_n3A_1005 : vector<16xi32> to vector<16xf32>
          %mul3A_1007 = arith.mulf %bitcast3A_938, %bitcast3A_1006 : vector<16xf32>
          %add3A_1008 = arith.addf %add3A_908, %mul3A_1007 : vector<16xf32>
          %add3A_1009 = vector.broadcast %add3A_926 : i32 to vector<16xi32>
          %add3A_1010 = arith.addi %mul3A_490, %add3A_1009 : vector<16xi32>
          %gather3A_1011 = tpu.vector_load_idx %arg11[%add3A_484, %add3A_1010] : memref<384x128xf32, #tpu.memory_space<vmem>>[vector<16xi32>, vector<16xi32>], vector<16xf32>,
          %bitcast3A_1012 = vector.bitcast %gather3A_1011 : vector<16xf32> to vector<16xi32>
          %and3A_1013 = arith.constant -65536 : i32
          %and3A_1014 = vector.broadcast %and3A_1013 : i32 to vector<16xi32>
          %and3A_1015 = arith.andi %bitcast3A_1012, %and3A_1014 : vector<16xi32>
          %shift_left3A_1016 = arith.constant 16 : i32
          %shift_left3A_1017 = vector.broadcast %shift_left3A_1016 : i32 to vector<16xi32>
          %shift_left3A_1018 = arith.shli %bitcast3A_1012, %shift_left3A_1017 : vector<16xi32>
          %select_n3A_1019 = arith.select %eq3A_496, %and3A_1015, %shift_left3A_1018 : vector<16xi1>, vector<16xi32>
          %bitcast3A_1020 = vector.bitcast %select_n3A_1019 : vector<16xi32> to vector<16xf32>
          %mul3A_1021 = arith.mulf %bitcast3A_938, %bitcast3A_1020 : vector<16xf32>
          %add3A_1022 = arith.addf %add3A_922, %mul3A_1021 : vector<16xf32>
          %mul3A_1023 = arith.constant 4 : i32
          %mul3A_1024 = arith.muli %scan3A_820, %mul3A_1023 : i32
          %add3A_1025 = arith.constant 2 : i32
          %add3A_1026 = arith.addi %mul3A_1024, %add3A_1025 : i32
          %add3A_1027 = vector.broadcast %add3A_1026 : i32 to vector<16xi32>
          %add3A_1028 = arith.addi %mul3A_348, %add3A_1027 : vector<16xi32>
          %gather3A_1029 = tpu.vector_load_idx %arg9[%add3A_335, %add3A_1028] : memref<64x128xf32, #tpu.memory_space<vmem>>[vector<16xi32>, vector<16xi32>], vector<16xf32>,
          %bitcast3A_1030 = vector.bitcast %gather3A_1029 : vector<16xf32> to vector<16xi32>
          %and3A_1031 = arith.constant -65536 : i32
          %and3A_1032 = vector.broadcast %and3A_1031 : i32 to vector<16xi32>
          %and3A_1033 = arith.andi %bitcast3A_1030, %and3A_1032 : vector<16xi32>
          %shift_left3A_1034 = arith.constant 16 : i32
          %shift_left3A_1035 = vector.broadcast %shift_left3A_1034 : i32 to vector<16xi32>
          %shift_left3A_1036 = arith.shli %bitcast3A_1030, %shift_left3A_1035 : vector<16xi32>
          %select_n3A_1037 = arith.select %eq3A_352, %and3A_1033, %shift_left3A_1036 : vector<16xi1>, vector<16xi32>
          %bitcast3A_1038 = vector.bitcast %select_n3A_1037 : vector<16xi32> to vector<16xf32>
          %add3A_1039 = vector.broadcast %add3A_1026 : i32 to vector<16xi32>
          %add3A_1040 = arith.addi %mul3A_370, %add3A_1039 : vector<16xi32>
          %gather3A_1041 = tpu.vector_load_idx %arg11[%add3A_364, %add3A_1040] : memref<384x128xf32, #tpu.memory_space<vmem>>[vector<16xi32>, vector<16xi32>], vector<16xf32>,
          %bitcast3A_1042 = vector.bitcast %gather3A_1041 : vector<16xf32> to vector<16xi32>
          %and3A_1043 = arith.constant -65536 : i32
          %and3A_1044 = vector.broadcast %and3A_1043 : i32 to vector<16xi32>
          %and3A_1045 = arith.andi %bitcast3A_1042, %and3A_1044 : vector<16xi32>
          %shift_left3A_1046 = arith.constant 16 : i32
          %shift_left3A_1047 = vector.broadcast %shift_left3A_1046 : i32 to vector<16xi32>
          %shift_left3A_1048 = arith.shli %bitcast3A_1042, %shift_left3A_1047 : vector<16xi32>
          %select_n3A_1049 = arith.select %eq3A_376, %and3A_1045, %shift_left3A_1048 : vector<16xi1>, vector<16xi32>
          %bitcast3A_1050 = vector.bitcast %select_n3A_1049 : vector<16xi32> to vector<16xf32>
          %mul3A_1051 = arith.mulf %bitcast3A_1038, %bitcast3A_1050 : vector<16xf32>
          %add3A_1052 = arith.addf %add3A_952, %mul3A_1051 : vector<16xf32>
          %add3A_1053 = vector.broadcast %add3A_1026 : i32 to vector<16xi32>
          %add3A_1054 = arith.addi %mul3A_394, %add3A_1053 : vector<16xi32>
          %gather3A_1055 = tpu.vector_load_idx %arg11[%add3A_388, %add3A_1054] : memref<384x128xf32, #tpu.memory_space<vmem>>[vector<16xi32>, vector<16xi32>], vector<16xf32>,
          %bitcast3A_1056 = vector.bitcast %gather3A_1055 : vector<16xf32> to vector<16xi32>
          %and3A_1057 = arith.constant -65536 : i32
          %and3A_1058 = vector.broadcast %and3A_1057 : i32 to vector<16xi32>
          %and3A_1059 = arith.andi %bitcast3A_1056, %and3A_1058 : vector<16xi32>
          %shift_left3A_1060 = arith.constant 16 : i32
          %shift_left3A_1061 = vector.broadcast %shift_left3A_1060 : i32 to vector<16xi32>
          %shift_left3A_1062 = arith.shli %bitcast3A_1056, %shift_left3A_1061 : vector<16xi32>
          %select_n3A_1063 = arith.select %eq3A_400, %and3A_1059, %shift_left3A_1062 : vector<16xi1>, vector<16xi32>
          %bitcast3A_1064 = vector.bitcast %select_n3A_1063 : vector<16xi32> to vector<16xf32>
          %mul3A_1065 = arith.mulf %bitcast3A_1038, %bitcast3A_1064 : vector<16xf32>
          %add3A_1066 = arith.addf %add3A_966, %mul3A_1065 : vector<16xf32>
          %add3A_1067 = vector.broadcast %add3A_1026 : i32 to vector<16xi32>
          %add3A_1068 = arith.addi %mul3A_418, %add3A_1067 : vector<16xi32>
          %gather3A_1069 = tpu.vector_load_idx %arg11[%add3A_412, %add3A_1068] : memref<384x128xf32, #tpu.memory_space<vmem>>[vector<16xi32>, vector<16xi32>], vector<16xf32>,
          %bitcast3A_1070 = vector.bitcast %gather3A_1069 : vector<16xf32> to vector<16xi32>
          %and3A_1071 = arith.constant -65536 : i32
          %and3A_1072 = vector.broadcast %and3A_1071 : i32 to vector<16xi32>
          %and3A_1073 = arith.andi %bitcast3A_1070, %and3A_1072 : vector<16xi32>
          %shift_left3A_1074 = arith.constant 16 : i32
          %shift_left3A_1075 = vector.broadcast %shift_left3A_1074 : i32 to vector<16xi32>
          %shift_left3A_1076 = arith.shli %bitcast3A_1070, %shift_left3A_1075 : vector<16xi32>
          %select_n3A_1077 = arith.select %eq3A_424, %and3A_1073, %shift_left3A_1076 : vector<16xi1>, vector<16xi32>
          %bitcast3A_1078 = vector.bitcast %select_n3A_1077 : vector<16xi32> to vector<16xf32>
          %mul3A_1079 = arith.mulf %bitcast3A_1038, %bitcast3A_1078 : vector<16xf32>
          %add3A_1080 = arith.addf %add3A_980, %mul3A_1079 : vector<16xf32>
          %add3A_1081 = vector.broadcast %add3A_1026 : i32 to vector<16xi32>
          %add3A_1082 = arith.addi %mul3A_442, %add3A_1081 : vector<16xi32>
          %gather3A_1083 = tpu.vector_load_idx %arg11[%add3A_436, %add3A_1082] : memref<384x128xf32, #tpu.memory_space<vmem>>[vector<16xi32>, vector<16xi32>], vector<16xf32>,
          %bitcast3A_1084 = vector.bitcast %gather3A_1083 : vector<16xf32> to vector<16xi32>
          %and3A_1085 = arith.constant -65536 : i32
          %and3A_1086 = vector.broadcast %and3A_1085 : i32 to vector<16xi32>
          %and3A_1087 = arith.andi %bitcast3A_1084, %and3A_1086 : vector<16xi32>
          %shift_left3A_1088 = arith.constant 16 : i32
          %shift_left3A_1089 = vector.broadcast %shift_left3A_1088 : i32 to vector<16xi32>
          %shift_left3A_1090 = arith.shli %bitcast3A_1084, %shift_left3A_1089 : vector<16xi32>
          %select_n3A_1091 = arith.select %eq3A_448, %and3A_1087, %shift_left3A_1090 : vector<16xi1>, vector<16xi32>
          %bitcast3A_1092 = vector.bitcast %select_n3A_1091 : vector<16xi32> to vector<16xf32>
          %mul3A_1093 = arith.mulf %bitcast3A_1038, %bitcast3A_1092 : vector<16xf32>
          %add3A_1094 = arith.addf %add3A_994, %mul3A_1093 : vector<16xf32>
          %add3A_1095 = vector.broadcast %add3A_1026 : i32 to vector<16xi32>
          %add3A_1096 = arith.addi %mul3A_466, %add3A_1095 : vector<16xi32>
          %gather3A_1097 = tpu.vector_load_idx %arg11[%add3A_460, %add3A_1096] : memref<384x128xf32, #tpu.memory_space<vmem>>[vector<16xi32>, vector<16xi32>], vector<16xf32>,
          %bitcast3A_1098 = vector.bitcast %gather3A_1097 : vector<16xf32> to vector<16xi32>
          %and3A_1099 = arith.constant -65536 : i32
          %and3A_1100 = vector.broadcast %and3A_1099 : i32 to vector<16xi32>
          %and3A_1101 = arith.andi %bitcast3A_1098, %and3A_1100 : vector<16xi32>
          %shift_left3A_1102 = arith.constant 16 : i32
          %shift_left3A_1103 = vector.broadcast %shift_left3A_1102 : i32 to vector<16xi32>
          %shift_left3A_1104 = arith.shli %bitcast3A_1098, %shift_left3A_1103 : vector<16xi32>
          %select_n3A_1105 = arith.select %eq3A_472, %and3A_1101, %shift_left3A_1104 : vector<16xi1>, vector<16xi32>
          %bitcast3A_1106 = vector.bitcast %select_n3A_1105 : vector<16xi32> to vector<16xf32>
          %mul3A_1107 = arith.mulf %bitcast3A_1038, %bitcast3A_1106 : vector<16xf32>
          %add3A_1108 = arith.addf %add3A_1008, %mul3A_1107 : vector<16xf32>
          %add3A_1109 = vector.broadcast %add3A_1026 : i32 to vector<16xi32>
          %add3A_1110 = arith.addi %mul3A_490, %add3A_1109 : vector<16xi32>
          %gather3A_1111 = tpu.vector_load_idx %arg11[%add3A_484, %add3A_1110] : memref<384x128xf32, #tpu.memory_space<vmem>>[vector<16xi32>, vector<16xi32>], vector<16xf32>,
          %bitcast3A_1112 = vector.bitcast %gather3A_1111 : vector<16xf32> to vector<16xi32>
          %and3A_1113 = arith.constant -65536 : i32
          %and3A_1114 = vector.broadcast %and3A_1113 : i32 to vector<16xi32>
          %and3A_1115 = arith.andi %bitcast3A_1112, %and3A_1114 : vector<16xi32>
          %shift_left3A_1116 = arith.constant 16 : i32
          %shift_left3A_1117 = vector.broadcast %shift_left3A_1116 : i32 to vector<16xi32>
          %shift_left3A_1118 = arith.shli %bitcast3A_1112, %shift_left3A_1117 : vector<16xi32>
          %select_n3A_1119 = arith.select %eq3A_496, %and3A_1115, %shift_left3A_1118 : vector<16xi1>, vector<16xi32>
          %bitcast3A_1120 = vector.bitcast %select_n3A_1119 : vector<16xi32> to vector<16xf32>
          %mul3A_1121 = arith.mulf %bitcast3A_1038, %bitcast3A_1120 : vector<16xf32>
          %add3A_1122 = arith.addf %add3A_1022, %mul3A_1121 : vector<16xf32>
          %mul3A_1123 = arith.constant 4 : i32
          %mul3A_1124 = arith.muli %scan3A_820, %mul3A_1123 : i32
          %add3A_1125 = arith.constant 3 : i32
          %add3A_1126 = arith.addi %mul3A_1124, %add3A_1125 : i32
          %add3A_1127 = vector.broadcast %add3A_1126 : i32 to vector<16xi32>
          %add3A_1128 = arith.addi %mul3A_348, %add3A_1127 : vector<16xi32>
          %gather3A_1129 = tpu.vector_load_idx %arg9[%add3A_335, %add3A_1128] : memref<64x128xf32, #tpu.memory_space<vmem>>[vector<16xi32>, vector<16xi32>], vector<16xf32>,
          %bitcast3A_1130 = vector.bitcast %gather3A_1129 : vector<16xf32> to vector<16xi32>
          %and3A_1131 = arith.constant -65536 : i32
          %and3A_1132 = vector.broadcast %and3A_1131 : i32 to vector<16xi32>
          %and3A_1133 = arith.andi %bitcast3A_1130, %and3A_1132 : vector<16xi32>
          %shift_left3A_1134 = arith.constant 16 : i32
          %shift_left3A_1135 = vector.broadcast %shift_left3A_1134 : i32 to vector<16xi32>
          %shift_left3A_1136 = arith.shli %bitcast3A_1130, %shift_left3A_1135 : vector<16xi32>
          %select_n3A_1137 = arith.select %eq3A_352, %and3A_1133, %shift_left3A_1136 : vector<16xi1>, vector<16xi32>
          %bitcast3A_1138 = vector.bitcast %select_n3A_1137 : vector<16xi32> to vector<16xf32>
          %add3A_1139 = vector.broadcast %add3A_1126 : i32 to vector<16xi32>
          %add3A_1140 = arith.addi %mul3A_370, %add3A_1139 : vector<16xi32>
          %gather3A_1141 = tpu.vector_load_idx %arg11[%add3A_364, %add3A_1140] : memref<384x128xf32, #tpu.memory_space<vmem>>[vector<16xi32>, vector<16xi32>], vector<16xf32>,
          %bitcast3A_1142 = vector.bitcast %gather3A_1141 : vector<16xf32> to vector<16xi32>
          %and3A_1143 = arith.constant -65536 : i32
          %and3A_1144 = vector.broadcast %and3A_1143 : i32 to vector<16xi32>
          %and3A_1145 = arith.andi %bitcast3A_1142, %and3A_1144 : vector<16xi32>
          %shift_left3A_1146 = arith.constant 16 : i32
          %shift_left3A_1147 = vector.broadcast %shift_left3A_1146 : i32 to vector<16xi32>
          %shift_left3A_1148 = arith.shli %bitcast3A_1142, %shift_left3A_1147 : vector<16xi32>
          %select_n3A_1149 = arith.select %eq3A_376, %and3A_1145, %shift_left3A_1148 : vector<16xi1>, vector<16xi32>
          %bitcast3A_1150 = vector.bitcast %select_n3A_1149 : vector<16xi32> to vector<16xf32>
          %mul3A_1151 = arith.mulf %bitcast3A_1138, %bitcast3A_1150 : vector<16xf32>
          %add3A_1152 = arith.addf %add3A_1052, %mul3A_1151 : vector<16xf32>
          %add3A_1153 = vector.broadcast %add3A_1126 : i32 to vector<16xi32>
          %add3A_1154 = arith.addi %mul3A_394, %add3A_1153 : vector<16xi32>
          %gather3A_1155 = tpu.vector_load_idx %arg11[%add3A_388, %add3A_1154] : memref<384x128xf32, #tpu.memory_space<vmem>>[vector<16xi32>, vector<16xi32>], vector<16xf32>,
          %bitcast3A_1156 = vector.bitcast %gather3A_1155 : vector<16xf32> to vector<16xi32>
          %and3A_1157 = arith.constant -65536 : i32
          %and3A_1158 = vector.broadcast %and3A_1157 : i32 to vector<16xi32>
          %and3A_1159 = arith.andi %bitcast3A_1156, %and3A_1158 : vector<16xi32>
          %shift_left3A_1160 = arith.constant 16 : i32
          %shift_left3A_1161 = vector.broadcast %shift_left3A_1160 : i32 to vector<16xi32>
          %shift_left3A_1162 = arith.shli %bitcast3A_1156, %shift_left3A_1161 : vector<16xi32>
          %select_n3A_1163 = arith.select %eq3A_400, %and3A_1159, %shift_left3A_1162 : vector<16xi1>, vector<16xi32>
          %bitcast3A_1164 = vector.bitcast %select_n3A_1163 : vector<16xi32> to vector<16xf32>
          %mul3A_1165 = arith.mulf %bitcast3A_1138, %bitcast3A_1164 : vector<16xf32>
          %add3A_1166 = arith.addf %add3A_1066, %mul3A_1165 : vector<16xf32>
          %add3A_1167 = vector.broadcast %add3A_1126 : i32 to vector<16xi32>
          %add3A_1168 = arith.addi %mul3A_418, %add3A_1167 : vector<16xi32>
          %gather3A_1169 = tpu.vector_load_idx %arg11[%add3A_412, %add3A_1168] : memref<384x128xf32, #tpu.memory_space<vmem>>[vector<16xi32>, vector<16xi32>], vector<16xf32>,
          %bitcast3A_1170 = vector.bitcast %gather3A_1169 : vector<16xf32> to vector<16xi32>
          %and3A_1171 = arith.constant -65536 : i32
          %and3A_1172 = vector.broadcast %and3A_1171 : i32 to vector<16xi32>
          %and3A_1173 = arith.andi %bitcast3A_1170, %and3A_1172 : vector<16xi32>
          %shift_left3A_1174 = arith.constant 16 : i32
          %shift_left3A_1175 = vector.broadcast %shift_left3A_1174 : i32 to vector<16xi32>
          %shift_left3A_1176 = arith.shli %bitcast3A_1170, %shift_left3A_1175 : vector<16xi32>
          %select_n3A_1177 = arith.select %eq3A_424, %and3A_1173, %shift_left3A_1176 : vector<16xi1>, vector<16xi32>
          %bitcast3A_1178 = vector.bitcast %select_n3A_1177 : vector<16xi32> to vector<16xf32>
          %mul3A_1179 = arith.mulf %bitcast3A_1138, %bitcast3A_1178 : vector<16xf32>
          %add3A_1180 = arith.addf %add3A_1080, %mul3A_1179 : vector<16xf32>
          %add3A_1181 = vector.broadcast %add3A_1126 : i32 to vector<16xi32>
          %add3A_1182 = arith.addi %mul3A_442, %add3A_1181 : vector<16xi32>
          %gather3A_1183 = tpu.vector_load_idx %arg11[%add3A_436, %add3A_1182] : memref<384x128xf32, #tpu.memory_space<vmem>>[vector<16xi32>, vector<16xi32>], vector<16xf32>,
          %bitcast3A_1184 = vector.bitcast %gather3A_1183 : vector<16xf32> to vector<16xi32>
          %and3A_1185 = arith.constant -65536 : i32
          %and3A_1186 = vector.broadcast %and3A_1185 : i32 to vector<16xi32>
          %and3A_1187 = arith.andi %bitcast3A_1184, %and3A_1186 : vector<16xi32>
          %shift_left3A_1188 = arith.constant 16 : i32
          %shift_left3A_1189 = vector.broadcast %shift_left3A_1188 : i32 to vector<16xi32>
          %shift_left3A_1190 = arith.shli %bitcast3A_1184, %shift_left3A_1189 : vector<16xi32>
          %select_n3A_1191 = arith.select %eq3A_448, %and3A_1187, %shift_left3A_1190 : vector<16xi1>, vector<16xi32>
          %bitcast3A_1192 = vector.bitcast %select_n3A_1191 : vector<16xi32> to vector<16xf32>
          %mul3A_1193 = arith.mulf %bitcast3A_1138, %bitcast3A_1192 : vector<16xf32>
          %add3A_1194 = arith.addf %add3A_1094, %mul3A_1193 : vector<16xf32>
          %add3A_1195 = vector.broadcast %add3A_1126 : i32 to vector<16xi32>
          %add3A_1196 = arith.addi %mul3A_466, %add3A_1195 : vector<16xi32>
          %gather3A_1197 = tpu.vector_load_idx %arg11[%add3A_460, %add3A_1196] : memref<384x128xf32, #tpu.memory_space<vmem>>[vector<16xi32>, vector<16xi32>], vector<16xf32>,
          %bitcast3A_1198 = vector.bitcast %gather3A_1197 : vector<16xf32> to vector<16xi32>
          %and3A_1199 = arith.constant -65536 : i32
          %and3A_1200 = vector.broadcast %and3A_1199 : i32 to vector<16xi32>
          %and3A_1201 = arith.andi %bitcast3A_1198, %and3A_1200 : vector<16xi32>
          %shift_left3A_1202 = arith.constant 16 : i32
          %shift_left3A_1203 = vector.broadcast %shift_left3A_1202 : i32 to vector<16xi32>
          %shift_left3A_1204 = arith.shli %bitcast3A_1198, %shift_left3A_1203 : vector<16xi32>
          %select_n3A_1205 = arith.select %eq3A_472, %and3A_1201, %shift_left3A_1204 : vector<16xi1>, vector<16xi32>
          %bitcast3A_1206 = vector.bitcast %select_n3A_1205 : vector<16xi32> to vector<16xf32>
          %mul3A_1207 = arith.mulf %bitcast3A_1138, %bitcast3A_1206 : vector<16xf32>
          %add3A_1208 = arith.addf %add3A_1108, %mul3A_1207 : vector<16xf32>
          %add3A_1209 = vector.broadcast %add3A_1126 : i32 to vector<16xi32>
          %add3A_1210 = arith.addi %mul3A_490, %add3A_1209 : vector<16xi32>
          %gather3A_1211 = tpu.vector_load_idx %arg11[%add3A_484, %add3A_1210] : memref<384x128xf32, #tpu.memory_space<vmem>>[vector<16xi32>, vector<16xi32>], vector<16xf32>,
          %bitcast3A_1212 = vector.bitcast %gather3A_1211 : vector<16xf32> to vector<16xi32>
          %and3A_1213 = arith.constant -65536 : i32
          %and3A_1214 = vector.broadcast %and3A_1213 : i32 to vector<16xi32>
          %and3A_1215 = arith.andi %bitcast3A_1212, %and3A_1214 : vector<16xi32>
          %shift_left3A_1216 = arith.constant 16 : i32
          %shift_left3A_1217 = vector.broadcast %shift_left3A_1216 : i32 to vector<16xi32>
          %shift_left3A_1218 = arith.shli %bitcast3A_1212, %shift_left3A_1217 : vector<16xi32>
          %select_n3A_1219 = arith.select %eq3A_496, %and3A_1215, %shift_left3A_1218 : vector<16xi1>, vector<16xi32>
          %bitcast3A_1220 = vector.bitcast %select_n3A_1219 : vector<16xi32> to vector<16xf32>
          %mul3A_1221 = arith.mulf %bitcast3A_1138, %bitcast3A_1220 : vector<16xf32>
          %add3A_1222 = arith.addf %add3A_1122, %mul3A_1221 : vector<16xf32>
          scf.yield %add3A_1152, %add3A_1166, %add3A_1180, %add3A_1194, %add3A_1208, %add3A_1222 : vector<16xf32>, vector<16xf32>, vector<16xf32>, vector<16xf32>, vector<16xf32>, vector<16xf32>
        }
        %scan3A_513 = arith.constant 16 : i32
        %neg3A = arith.constant 0.000000e+00 : f32
        %neg3A_514 = vector.broadcast %neg3A : f32 to vector<16xf32>
        %neg3A_515 = arith.subf %neg3A_514, %scan3A_512#0 : vector<16xf32>
        %min3A = arith.constant 0.000000e+00 : f32
        %min3A_516 = vector.broadcast %min3A : f32 to vector<16xf32>
        %min3A_517 = arith.minimumf %neg3A_515, %min3A_516 : vector<16xf32>
        %abs3A = math.absf %neg3A_515 : vector<16xf32>
        %neg3A_518 = arith.constant 0.000000e+00 : f32
        %neg3A_519 = vector.broadcast %neg3A_518 : f32 to vector<16xf32>
        %neg3A_520 = arith.subf %neg3A_519, %abs3A : vector<16xf32>
        %exp3A = math.exp %neg3A_520 : vector<16xf32>
        %add3A_521 = arith.constant 2.000000e+00 : f32
        %add3A_522 = vector.broadcast %add3A_521 : f32 to vector<16xf32>
        %add3A_523 = arith.addf %exp3A, %add3A_522 : vector<16xf32>
        %div3A = arith.divf %exp3A, %add3A_523 : vector<16xf32>
        %mul3A_524 = arith.mulf %div3A, %div3A : vector<16xf32>
        %mul3A_525 = arith.constant 0.0909090936 : f32
        %mul3A_526 = vector.broadcast %mul3A_525 : f32 to vector<16xf32>
        %mul3A_527 = arith.mulf %mul3A_524, %mul3A_526 : vector<16xf32>
        %add3A_528 = arith.constant 0.111111112 : f32
        %add3A_529 = vector.broadcast %add3A_528 : f32 to vector<16xf32>
        %add3A_530 = arith.addf %add3A_529, %mul3A_527 : vector<16xf32>
        %mul3A_531 = arith.mulf %mul3A_524, %add3A_530 : vector<16xf32>
        %add3A_532 = arith.constant 0.142857149 : f32
        %add3A_533 = vector.broadcast %add3A_532 : f32 to vector<16xf32>
        %add3A_534 = arith.addf %add3A_533, %mul3A_531 : vector<16xf32>
        %mul3A_535 = arith.mulf %mul3A_524, %add3A_534 : vector<16xf32>
        %add3A_536 = arith.constant 2.000000e-01 : f32
        %add3A_537 = vector.broadcast %add3A_536 : f32 to vector<16xf32>
        %add3A_538 = arith.addf %add3A_537, %mul3A_535 : vector<16xf32>
        %mul3A_539 = arith.mulf %mul3A_524, %add3A_538 : vector<16xf32>
        %add3A_540 = arith.constant 0.333333343 : f32
        %add3A_541 = vector.broadcast %add3A_540 : f32 to vector<16xf32>
        %add3A_542 = arith.addf %add3A_541, %mul3A_539 : vector<16xf32>
        %mul3A_543 = arith.mulf %mul3A_524, %add3A_542 : vector<16xf32>
        %add3A_544 = arith.constant 1.000000e+00 : f32
        %add3A_545 = vector.broadcast %add3A_544 : f32 to vector<16xf32>
        %add3A_546 = arith.addf %add3A_545, %mul3A_543 : vector<16xf32>
        %mul3A_547 = arith.constant 2.000000e+00 : f32
        %mul3A_548 = vector.broadcast %mul3A_547 : f32 to vector<16xf32>
        %mul3A_549 = arith.mulf %mul3A_548, %div3A : vector<16xf32>
        %mul3A_550 = arith.mulf %mul3A_549, %add3A_546 : vector<16xf32>
        %sub3A = arith.subf %min3A_517, %mul3A_550 : vector<16xf32>
        %mul3A_551 = arith.constant 64 : i32
        %mul3A_552 = arith.muli %mul3A_152, %mul3A_551 : i32
        %mul3A_553 = arith.constant 16 : i32
        %mul3A_554 = arith.muli %scan3A_330, %mul3A_553 : i32
        %add3A_555 = arith.addi %mul3A_552, %mul3A_554 : i32
        %swap3A = arith.constant 0 : i32
        %swap3A_556 = arith.index_cast %swap3A : i32 to index
        %swap3A_557 = arith.index_cast %add3A_555 : i32 to index
        %swap3A_558 = tpu.vector_load %arg13[%swap3A_556, %swap3A_557] {strides = array<i32>} : memref<6x512xf32, #tpu.memory_space<vmem>>, vector<16xf32>,
        tpu.vector_store %arg13[%swap3A_556, %swap3A_557], %sub3A {strides = array<i32>} : memref<6x512xf32, #tpu.memory_space<vmem>>, vector<16xf32>,
        %neg3A_559 = arith.constant 0.000000e+00 : f32
        %neg3A_560 = vector.broadcast %neg3A_559 : f32 to vector<16xf32>
        %neg3A_561 = arith.subf %neg3A_560, %scan3A_512#1 : vector<16xf32>
        %min3A_562 = arith.constant 0.000000e+00 : f32
        %min3A_563 = vector.broadcast %min3A_562 : f32 to vector<16xf32>
        %min3A_564 = arith.minimumf %neg3A_561, %min3A_563 : vector<16xf32>
        %abs3A_565 = math.absf %neg3A_561 : vector<16xf32>
        %neg3A_566 = arith.constant 0.000000e+00 : f32
        %neg3A_567 = vector.broadcast %neg3A_566 : f32 to vector<16xf32>
        %neg3A_568 = arith.subf %neg3A_567, %abs3A_565 : vector<16xf32>
        %exp3A_569 = math.exp %neg3A_568 : vector<16xf32>
        %add3A_570 = arith.constant 2.000000e+00 : f32
        %add3A_571 = vector.broadcast %add3A_570 : f32 to vector<16xf32>
        %add3A_572 = arith.addf %exp3A_569, %add3A_571 : vector<16xf32>
        %div3A_573 = arith.divf %exp3A_569, %add3A_572 : vector<16xf32>
        %mul3A_574 = arith.mulf %div3A_573, %div3A_573 : vector<16xf32>
        %mul3A_575 = arith.constant 0.0909090936 : f32
        %mul3A_576 = vector.broadcast %mul3A_575 : f32 to vector<16xf32>
        %mul3A_577 = arith.mulf %mul3A_574, %mul3A_576 : vector<16xf32>
        %add3A_578 = arith.constant 0.111111112 : f32
        %add3A_579 = vector.broadcast %add3A_578 : f32 to vector<16xf32>
        %add3A_580 = arith.addf %add3A_579, %mul3A_577 : vector<16xf32>
        %mul3A_581 = arith.mulf %mul3A_574, %add3A_580 : vector<16xf32>
        %add3A_582 = arith.constant 0.142857149 : f32
        %add3A_583 = vector.broadcast %add3A_582 : f32 to vector<16xf32>
        %add3A_584 = arith.addf %add3A_583, %mul3A_581 : vector<16xf32>
        %mul3A_585 = arith.mulf %mul3A_574, %add3A_584 : vector<16xf32>
        %add3A_586 = arith.constant 2.000000e-01 : f32
        %add3A_587 = vector.broadcast %add3A_586 : f32 to vector<16xf32>
        %add3A_588 = arith.addf %add3A_587, %mul3A_585 : vector<16xf32>
        %mul3A_589 = arith.mulf %mul3A_574, %add3A_588 : vector<16xf32>
        %add3A_590 = arith.constant 0.333333343 : f32
        %add3A_591 = vector.broadcast %add3A_590 : f32 to vector<16xf32>
        %add3A_592 = arith.addf %add3A_591, %mul3A_589 : vector<16xf32>
        %mul3A_593 = arith.mulf %mul3A_574, %add3A_592 : vector<16xf32>
        %add3A_594 = arith.constant 1.000000e+00 : f32
        %add3A_595 = vector.broadcast %add3A_594 : f32 to vector<16xf32>
        %add3A_596 = arith.addf %add3A_595, %mul3A_593 : vector<16xf32>
        %mul3A_597 = arith.constant 2.000000e+00 : f32
        %mul3A_598 = vector.broadcast %mul3A_597 : f32 to vector<16xf32>
        %mul3A_599 = arith.mulf %mul3A_598, %div3A_573 : vector<16xf32>
        %mul3A_600 = arith.mulf %mul3A_599, %add3A_596 : vector<16xf32>
        %sub3A_601 = arith.subf %min3A_564, %mul3A_600 : vector<16xf32>
        %mul3A_602 = arith.constant 64 : i32
        %mul3A_603 = arith.muli %mul3A_152, %mul3A_602 : i32
        %mul3A_604 = arith.constant 16 : i32
        %mul3A_605 = arith.muli %scan3A_330, %mul3A_604 : i32
        %add3A_606 = arith.addi %mul3A_603, %mul3A_605 : i32
        %swap3A_607 = arith.constant 1 : i32
        %swap3A_608 = arith.index_cast %swap3A_607 : i32 to index
        %swap3A_609 = arith.index_cast %add3A_606 : i32 to index
        %swap3A_610 = tpu.vector_load %arg13[%swap3A_608, %swap3A_609] {strides = array<i32>} : memref<6x512xf32, #tpu.memory_space<vmem>>, vector<16xf32>,
        tpu.vector_store %arg13[%swap3A_608, %swap3A_609], %sub3A_601 {strides = array<i32>} : memref<6x512xf32, #tpu.memory_space<vmem>>, vector<16xf32>,
        %neg3A_611 = arith.constant 0.000000e+00 : f32
        %neg3A_612 = vector.broadcast %neg3A_611 : f32 to vector<16xf32>
        %neg3A_613 = arith.subf %neg3A_612, %scan3A_512#2 : vector<16xf32>
        %min3A_614 = arith.constant 0.000000e+00 : f32
        %min3A_615 = vector.broadcast %min3A_614 : f32 to vector<16xf32>
        %min3A_616 = arith.minimumf %neg3A_613, %min3A_615 : vector<16xf32>
        %abs3A_617 = math.absf %neg3A_613 : vector<16xf32>
        %neg3A_618 = arith.constant 0.000000e+00 : f32
        %neg3A_619 = vector.broadcast %neg3A_618 : f32 to vector<16xf32>
        %neg3A_620 = arith.subf %neg3A_619, %abs3A_617 : vector<16xf32>
        %exp3A_621 = math.exp %neg3A_620 : vector<16xf32>
        %add3A_622 = arith.constant 2.000000e+00 : f32
        %add3A_623 = vector.broadcast %add3A_622 : f32 to vector<16xf32>
        %add3A_624 = arith.addf %exp3A_621, %add3A_623 : vector<16xf32>
        %div3A_625 = arith.divf %exp3A_621, %add3A_624 : vector<16xf32>
        %mul3A_626 = arith.mulf %div3A_625, %div3A_625 : vector<16xf32>
        %mul3A_627 = arith.constant 0.0909090936 : f32
        %mul3A_628 = vector.broadcast %mul3A_627 : f32 to vector<16xf32>
        %mul3A_629 = arith.mulf %mul3A_626, %mul3A_628 : vector<16xf32>
        %add3A_630 = arith.constant 0.111111112 : f32
        %add3A_631 = vector.broadcast %add3A_630 : f32 to vector<16xf32>
        %add3A_632 = arith.addf %add3A_631, %mul3A_629 : vector<16xf32>
        %mul3A_633 = arith.mulf %mul3A_626, %add3A_632 : vector<16xf32>
        %add3A_634 = arith.constant 0.142857149 : f32
        %add3A_635 = vector.broadcast %add3A_634 : f32 to vector<16xf32>
        %add3A_636 = arith.addf %add3A_635, %mul3A_633 : vector<16xf32>
        %mul3A_637 = arith.mulf %mul3A_626, %add3A_636 : vector<16xf32>
        %add3A_638 = arith.constant 2.000000e-01 : f32
        %add3A_639 = vector.broadcast %add3A_638 : f32 to vector<16xf32>
        %add3A_640 = arith.addf %add3A_639, %mul3A_637 : vector<16xf32>
        %mul3A_641 = arith.mulf %mul3A_626, %add3A_640 : vector<16xf32>
        %add3A_642 = arith.constant 0.333333343 : f32
        %add3A_643 = vector.broadcast %add3A_642 : f32 to vector<16xf32>
        %add3A_644 = arith.addf %add3A_643, %mul3A_641 : vector<16xf32>
        %mul3A_645 = arith.mulf %mul3A_626, %add3A_644 : vector<16xf32>
        %add3A_646 = arith.constant 1.000000e+00 : f32
        %add3A_647 = vector.broadcast %add3A_646 : f32 to vector<16xf32>
        %add3A_648 = arith.addf %add3A_647, %mul3A_645 : vector<16xf32>
        %mul3A_649 = arith.constant 2.000000e+00 : f32
        %mul3A_650 = vector.broadcast %mul3A_649 : f32 to vector<16xf32>
        %mul3A_651 = arith.mulf %mul3A_650, %div3A_625 : vector<16xf32>
        %mul3A_652 = arith.mulf %mul3A_651, %add3A_648 : vector<16xf32>
        %sub3A_653 = arith.subf %min3A_616, %mul3A_652 : vector<16xf32>
        %mul3A_654 = arith.constant 64 : i32
        %mul3A_655 = arith.muli %mul3A_152, %mul3A_654 : i32
        %mul3A_656 = arith.constant 16 : i32
        %mul3A_657 = arith.muli %scan3A_330, %mul3A_656 : i32
        %add3A_658 = arith.addi %mul3A_655, %mul3A_657 : i32
        %swap3A_659 = arith.constant 2 : i32
        %swap3A_660 = arith.index_cast %swap3A_659 : i32 to index
        %swap3A_661 = arith.index_cast %add3A_658 : i32 to index
        %swap3A_662 = tpu.vector_load %arg13[%swap3A_660, %swap3A_661] {strides = array<i32>} : memref<6x512xf32, #tpu.memory_space<vmem>>, vector<16xf32>,
        tpu.vector_store %arg13[%swap3A_660, %swap3A_661], %sub3A_653 {strides = array<i32>} : memref<6x512xf32, #tpu.memory_space<vmem>>, vector<16xf32>,
        %neg3A_663 = arith.constant 0.000000e+00 : f32
        %neg3A_664 = vector.broadcast %neg3A_663 : f32 to vector<16xf32>
        %neg3A_665 = arith.subf %neg3A_664, %scan3A_512#3 : vector<16xf32>
        %min3A_666 = arith.constant 0.000000e+00 : f32
        %min3A_667 = vector.broadcast %min3A_666 : f32 to vector<16xf32>
        %min3A_668 = arith.minimumf %neg3A_665, %min3A_667 : vector<16xf32>
        %abs3A_669 = math.absf %neg3A_665 : vector<16xf32>
        %neg3A_670 = arith.constant 0.000000e+00 : f32
        %neg3A_671 = vector.broadcast %neg3A_670 : f32 to vector<16xf32>
        %neg3A_672 = arith.subf %neg3A_671, %abs3A_669 : vector<16xf32>
        %exp3A_673 = math.exp %neg3A_672 : vector<16xf32>
        %add3A_674 = arith.constant 2.000000e+00 : f32
        %add3A_675 = vector.broadcast %add3A_674 : f32 to vector<16xf32>
        %add3A_676 = arith.addf %exp3A_673, %add3A_675 : vector<16xf32>
        %div3A_677 = arith.divf %exp3A_673, %add3A_676 : vector<16xf32>
        %mul3A_678 = arith.mulf %div3A_677, %div3A_677 : vector<16xf32>
        %mul3A_679 = arith.constant 0.0909090936 : f32
        %mul3A_680 = vector.broadcast %mul3A_679 : f32 to vector<16xf32>
        %mul3A_681 = arith.mulf %mul3A_678, %mul3A_680 : vector<16xf32>
        %add3A_682 = arith.constant 0.111111112 : f32
        %add3A_683 = vector.broadcast %add3A_682 : f32 to vector<16xf32>
        %add3A_684 = arith.addf %add3A_683, %mul3A_681 : vector<16xf32>
        %mul3A_685 = arith.mulf %mul3A_678, %add3A_684 : vector<16xf32>
        %add3A_686 = arith.constant 0.142857149 : f32
        %add3A_687 = vector.broadcast %add3A_686 : f32 to vector<16xf32>
        %add3A_688 = arith.addf %add3A_687, %mul3A_685 : vector<16xf32>
        %mul3A_689 = arith.mulf %mul3A_678, %add3A_688 : vector<16xf32>
        %add3A_690 = arith.constant 2.000000e-01 : f32
        %add3A_691 = vector.broadcast %add3A_690 : f32 to vector<16xf32>
        %add3A_692 = arith.addf %add3A_691, %mul3A_689 : vector<16xf32>
        %mul3A_693 = arith.mulf %mul3A_678, %add3A_692 : vector<16xf32>
        %add3A_694 = arith.constant 0.333333343 : f32
        %add3A_695 = vector.broadcast %add3A_694 : f32 to vector<16xf32>
        %add3A_696 = arith.addf %add3A_695, %mul3A_693 : vector<16xf32>
        %mul3A_697 = arith.mulf %mul3A_678, %add3A_696 : vector<16xf32>
        %add3A_698 = arith.constant 1.000000e+00 : f32
        %add3A_699 = vector.broadcast %add3A_698 : f32 to vector<16xf32>
        %add3A_700 = arith.addf %add3A_699, %mul3A_697 : vector<16xf32>
        %mul3A_701 = arith.constant 2.000000e+00 : f32
        %mul3A_702 = vector.broadcast %mul3A_701 : f32 to vector<16xf32>
        %mul3A_703 = arith.mulf %mul3A_702, %div3A_677 : vector<16xf32>
        %mul3A_704 = arith.mulf %mul3A_703, %add3A_700 : vector<16xf32>
        %sub3A_705 = arith.subf %min3A_668, %mul3A_704 : vector<16xf32>
        %mul3A_706 = arith.constant 64 : i32
        %mul3A_707 = arith.muli %mul3A_152, %mul3A_706 : i32
        %mul3A_708 = arith.constant 16 : i32
        %mul3A_709 = arith.muli %scan3A_330, %mul3A_708 : i32
        %add3A_710 = arith.addi %mul3A_707, %mul3A_709 : i32
        %swap3A_711 = arith.constant 3 : i32
        %swap3A_712 = arith.index_cast %swap3A_711 : i32 to index
        %swap3A_713 = arith.index_cast %add3A_710 : i32 to index
        %swap3A_714 = tpu.vector_load %arg13[%swap3A_712, %swap3A_713] {strides = array<i32>} : memref<6x512xf32, #tpu.memory_space<vmem>>, vector<16xf32>,
        tpu.vector_store %arg13[%swap3A_712, %swap3A_713], %sub3A_705 {strides = array<i32>} : memref<6x512xf32, #tpu.memory_space<vmem>>, vector<16xf32>,
        %neg3A_715 = arith.constant 0.000000e+00 : f32
        %neg3A_716 = vector.broadcast %neg3A_715 : f32 to vector<16xf32>
        %neg3A_717 = arith.subf %neg3A_716, %scan3A_512#4 : vector<16xf32>
        %min3A_718 = arith.constant 0.000000e+00 : f32
        %min3A_719 = vector.broadcast %min3A_718 : f32 to vector<16xf32>
        %min3A_720 = arith.minimumf %neg3A_717, %min3A_719 : vector<16xf32>
        %abs3A_721 = math.absf %neg3A_717 : vector<16xf32>
        %neg3A_722 = arith.constant 0.000000e+00 : f32
        %neg3A_723 = vector.broadcast %neg3A_722 : f32 to vector<16xf32>
        %neg3A_724 = arith.subf %neg3A_723, %abs3A_721 : vector<16xf32>
        %exp3A_725 = math.exp %neg3A_724 : vector<16xf32>
        %add3A_726 = arith.constant 2.000000e+00 : f32
        %add3A_727 = vector.broadcast %add3A_726 : f32 to vector<16xf32>
        %add3A_728 = arith.addf %exp3A_725, %add3A_727 : vector<16xf32>
        %div3A_729 = arith.divf %exp3A_725, %add3A_728 : vector<16xf32>
        %mul3A_730 = arith.mulf %div3A_729, %div3A_729 : vector<16xf32>
        %mul3A_731 = arith.constant 0.0909090936 : f32
        %mul3A_732 = vector.broadcast %mul3A_731 : f32 to vector<16xf32>
        %mul3A_733 = arith.mulf %mul3A_730, %mul3A_732 : vector<16xf32>
        %add3A_734 = arith.constant 0.111111112 : f32
        %add3A_735 = vector.broadcast %add3A_734 : f32 to vector<16xf32>
        %add3A_736 = arith.addf %add3A_735, %mul3A_733 : vector<16xf32>
        %mul3A_737 = arith.mulf %mul3A_730, %add3A_736 : vector<16xf32>
        %add3A_738 = arith.constant 0.142857149 : f32
        %add3A_739 = vector.broadcast %add3A_738 : f32 to vector<16xf32>
        %add3A_740 = arith.addf %add3A_739, %mul3A_737 : vector<16xf32>
        %mul3A_741 = arith.mulf %mul3A_730, %add3A_740 : vector<16xf32>
        %add3A_742 = arith.constant 2.000000e-01 : f32
        %add3A_743 = vector.broadcast %add3A_742 : f32 to vector<16xf32>
        %add3A_744 = arith.addf %add3A_743, %mul3A_741 : vector<16xf32>
        %mul3A_745 = arith.mulf %mul3A_730, %add3A_744 : vector<16xf32>
        %add3A_746 = arith.constant 0.333333343 : f32
        %add3A_747 = vector.broadcast %add3A_746 : f32 to vector<16xf32>
        %add3A_748 = arith.addf %add3A_747, %mul3A_745 : vector<16xf32>
        %mul3A_749 = arith.mulf %mul3A_730, %add3A_748 : vector<16xf32>
        %add3A_750 = arith.constant 1.000000e+00 : f32
        %add3A_751 = vector.broadcast %add3A_750 : f32 to vector<16xf32>
        %add3A_752 = arith.addf %add3A_751, %mul3A_749 : vector<16xf32>
        %mul3A_753 = arith.constant 2.000000e+00 : f32
        %mul3A_754 = vector.broadcast %mul3A_753 : f32 to vector<16xf32>
        %mul3A_755 = arith.mulf %mul3A_754, %div3A_729 : vector<16xf32>
        %mul3A_756 = arith.mulf %mul3A_755, %add3A_752 : vector<16xf32>
        %sub3A_757 = arith.subf %min3A_720, %mul3A_756 : vector<16xf32>
        %mul3A_758 = arith.constant 64 : i32
        %mul3A_759 = arith.muli %mul3A_152, %mul3A_758 : i32
        %mul3A_760 = arith.constant 16 : i32
        %mul3A_761 = arith.muli %scan3A_330, %mul3A_760 : i32
        %add3A_762 = arith.addi %mul3A_759, %mul3A_761 : i32
        %swap3A_763 = arith.constant 4 : i32
        %swap3A_764 = arith.index_cast %swap3A_763 : i32 to index
        %swap3A_765 = arith.index_cast %add3A_762 : i32 to index
        %swap3A_766 = tpu.vector_load %arg13[%swap3A_764, %swap3A_765] {strides = array<i32>} : memref<6x512xf32, #tpu.memory_space<vmem>>, vector<16xf32>,
        tpu.vector_store %arg13[%swap3A_764, %swap3A_765], %sub3A_757 {strides = array<i32>} : memref<6x512xf32, #tpu.memory_space<vmem>>, vector<16xf32>,
        %neg3A_767 = arith.constant 0.000000e+00 : f32
        %neg3A_768 = vector.broadcast %neg3A_767 : f32 to vector<16xf32>
        %neg3A_769 = arith.subf %neg3A_768, %scan3A_512#5 : vector<16xf32>
        %min3A_770 = arith.constant 0.000000e+00 : f32
        %min3A_771 = vector.broadcast %min3A_770 : f32 to vector<16xf32>
        %min3A_772 = arith.minimumf %neg3A_769, %min3A_771 : vector<16xf32>
        %abs3A_773 = math.absf %neg3A_769 : vector<16xf32>
        %neg3A_774 = arith.constant 0.000000e+00 : f32
        %neg3A_775 = vector.broadcast %neg3A_774 : f32 to vector<16xf32>
        %neg3A_776 = arith.subf %neg3A_775, %abs3A_773 : vector<16xf32>
        %exp3A_777 = math.exp %neg3A_776 : vector<16xf32>
        %add3A_778 = arith.constant 2.000000e+00 : f32
        %add3A_779 = vector.broadcast %add3A_778 : f32 to vector<16xf32>
        %add3A_780 = arith.addf %exp3A_777, %add3A_779 : vector<16xf32>
        %div3A_781 = arith.divf %exp3A_777, %add3A_780 : vector<16xf32>
        %mul3A_782 = arith.mulf %div3A_781, %div3A_781 : vector<16xf32>
        %mul3A_783 = arith.constant 0.0909090936 : f32
        %mul3A_784 = vector.broadcast %mul3A_783 : f32 to vector<16xf32>
        %mul3A_785 = arith.mulf %mul3A_782, %mul3A_784 : vector<16xf32>
        %add3A_786 = arith.constant 0.111111112 : f32
        %add3A_787 = vector.broadcast %add3A_786 : f32 to vector<16xf32>
        %add3A_788 = arith.addf %add3A_787, %mul3A_785 : vector<16xf32>
        %mul3A_789 = arith.mulf %mul3A_782, %add3A_788 : vector<16xf32>
        %add3A_790 = arith.constant 0.142857149 : f32
        %add3A_791 = vector.broadcast %add3A_790 : f32 to vector<16xf32>
        %add3A_792 = arith.addf %add3A_791, %mul3A_789 : vector<16xf32>
        %mul3A_793 = arith.mulf %mul3A_782, %add3A_792 : vector<16xf32>
        %add3A_794 = arith.constant 2.000000e-01 : f32
        %add3A_795 = vector.broadcast %add3A_794 : f32 to vector<16xf32>
        %add3A_796 = arith.addf %add3A_795, %mul3A_793 : vector<16xf32>
        %mul3A_797 = arith.mulf %mul3A_782, %add3A_796 : vector<16xf32>
        %add3A_798 = arith.constant 0.333333343 : f32
        %add3A_799 = vector.broadcast %add3A_798 : f32 to vector<16xf32>
        %add3A_800 = arith.addf %add3A_799, %mul3A_797 : vector<16xf32>
        %mul3A_801 = arith.mulf %mul3A_782, %add3A_800 : vector<16xf32>
        %add3A_802 = arith.constant 1.000000e+00 : f32
        %add3A_803 = vector.broadcast %add3A_802 : f32 to vector<16xf32>
        %add3A_804 = arith.addf %add3A_803, %mul3A_801 : vector<16xf32>
        %mul3A_805 = arith.constant 2.000000e+00 : f32
        %mul3A_806 = vector.broadcast %mul3A_805 : f32 to vector<16xf32>
        %mul3A_807 = arith.mulf %mul3A_806, %div3A_781 : vector<16xf32>
        %mul3A_808 = arith.mulf %mul3A_807, %add3A_804 : vector<16xf32>
        %sub3A_809 = arith.subf %min3A_772, %mul3A_808 : vector<16xf32>
        %mul3A_810 = arith.constant 64 : i32
        %mul3A_811 = arith.muli %mul3A_152, %mul3A_810 : i32
        %mul3A_812 = arith.constant 16 : i32
        %mul3A_813 = arith.muli %scan3A_330, %mul3A_812 : i32
        %add3A_814 = arith.addi %mul3A_811, %mul3A_813 : i32
        %swap3A_815 = arith.constant 5 : i32
        %swap3A_816 = arith.index_cast %swap3A_815 : i32 to index
        %swap3A_817 = arith.index_cast %add3A_814 : i32 to index
        %swap3A_818 = tpu.vector_load %arg13[%swap3A_816, %swap3A_817] {strides = array<i32>} : memref<6x512xf32, #tpu.memory_space<vmem>>, vector<16xf32>,
        tpu.vector_store %arg13[%swap3A_816, %swap3A_817], %sub3A_809 {strides = array<i32>} : memref<6x512xf32, #tpu.memory_space<vmem>>, vector<16xf32>,
        %scan3A_819 = arith.constant 0 : i32
        scf.yield %scan3A_819 : i32
      }
      %scan3A_232 = arith.constant 4 : i32
      %add3A_233 = arith.constant 2 : i32
      %add3A_234 = arith.addi %mul3A_152, %add3A_233 : i32
      %lt3A = arith.constant 8 : i32
      %lt3A_235 = arith.cmpi slt, %add3A_234, %lt3A : i32
      %convert_element_type3A = arith.extui %lt3A_235 : i1 to i32
      %cond3A = arith.constant 0 : i32
      %cond3A_236 = arith.cmpi ne, %convert_element_type3A, %cond3A : i32
      scf.if %cond3A_236 {
        %add3A_330 = arith.constant 2 : i32
        %add3A_331 = arith.addi %mul3A_152, %add3A_330 : i32
        %mul3A_332 = arith.constant 64 : i32
        %mul3A_333 = arith.muli %add3A_331, %mul3A_332 : i32
        %mul3A_334 = arith.constant 64 : i32
        %mul3A_335 = arith.muli %add3A_331, %mul3A_334 : i32
        %mul3A_336 = arith.constant 64 : i32
        %mul3A_337 = arith.muli %add3A_331, %mul3A_336 : i32
        %mul3A_338 = arith.constant 64 : i32
        %mul3A_339 = arith.muli %add3A_331, %mul3A_338 : i32
        %mul3A_340 = arith.constant 64 : i32
        %mul3A_341 = arith.muli %add3A_331, %mul3A_340 : i32
        %mul3A_342 = arith.constant 64 : i32
        %mul3A_343 = arith.muli %add3A_331, %mul3A_342 : i32
        %mul3A_344 = arith.constant 64 : i32
        %mul3A_345 = arith.muli %add3A_331, %mul3A_344 : i32
        %dma_start3A_346 = arith.constant 0 : i32
        %dma_start3A_347 = tpu.memref_slice %arg7[%dma_start3A_346, %mul3A_333] : memref<7x512xi32, #tpu.memory_space<vmem>> -> memref<1x64xi32, #tpu.memory_space<vmem>>
        %dma_start3A_348 = tpu.memref_squeeze %dma_start3A_347 : memref<1x64xi32, #tpu.memory_space<vmem>> -> memref<64xi32, #tpu.memory_space<vmem>>
        %dma_start3A_349 = arith.constant 0 : i32
        %dma_start3A_350 = arith.constant 0 : i32
        %dma_start3A_351 = tpu.memref_slice %arg3[%dma_start3A_349, %dma_start3A_350] : memref<253952x128xf32, #tpu.memory_space<hbm>> -> memref<253952x128xf32, #tpu.memory_space<hbm>>
        tpu.enqueue_indirect_dma source(%dma_start3A_351 : memref<253952x128xf32, #tpu.memory_space<hbm>>) target(%arg9 : memref<64x128xf32, #tpu.memory_space<vmem>>) offsets(%dma_start3A_348 : memref<64xi32, #tpu.memory_space<vmem>>) semaphore(%arg14 : memref<!tpu.dma_semaphore, #tpu.memory_space<semaphore_mem>>)
        %dma_start3A_352 = arith.constant 1 : i32
        %dma_start3A_353 = arith.constant 0 : i32
        %dma_start3A_354 = arith.constant 0 : i32
        %dma_start3A_355 = tpu.memref_slice %arg11[%dma_start3A_353, %dma_start3A_354] : memref<384x128xf32, #tpu.memory_space<vmem>> -> memref<64x128xf32, #tpu.memory_space<vmem>>
        %dma_start3A_356 = tpu.memref_slice %arg7[%dma_start3A_352, %mul3A_335] : memref<7x512xi32, #tpu.memory_space<vmem>> -> memref<1x64xi32, #tpu.memory_space<vmem>>
        %dma_start3A_357 = tpu.memref_squeeze %dma_start3A_356 : memref<1x64xi32, #tpu.memory_space<vmem>> -> memref<64xi32, #tpu.memory_space<vmem>>
        %dma_start3A_358 = arith.constant 0 : i32
        %dma_start3A_359 = arith.constant 0 : i32
        %dma_start3A_360 = tpu.memref_slice %arg4[%dma_start3A_358, %dma_start3A_359] : memref<253952x128xf32, #tpu.memory_space<hbm>> -> memref<253952x128xf32, #tpu.memory_space<hbm>>
        tpu.enqueue_indirect_dma source(%dma_start3A_360 : memref<253952x128xf32, #tpu.memory_space<hbm>>) target(%dma_start3A_355 : memref<64x128xf32, #tpu.memory_space<vmem>>) offsets(%dma_start3A_357 : memref<64xi32, #tpu.memory_space<vmem>>) semaphore(%arg14 : memref<!tpu.dma_semaphore, #tpu.memory_space<semaphore_mem>>)
        %dma_start3A_361 = arith.constant 2 : i32
        %dma_start3A_362 = arith.constant 64 : i32
        %dma_start3A_363 = arith.constant 0 : i32
        %dma_start3A_364 = tpu.memref_slice %arg11[%dma_start3A_362, %dma_start3A_363] : memref<384x128xf32, #tpu.memory_space<vmem>> -> memref<64x128xf32, #tpu.memory_space<vmem>>
        %dma_start3A_365 = tpu.memref_slice %arg7[%dma_start3A_361, %mul3A_337] : memref<7x512xi32, #tpu.memory_space<vmem>> -> memref<1x64xi32, #tpu.memory_space<vmem>>
        %dma_start3A_366 = tpu.memref_squeeze %dma_start3A_365 : memref<1x64xi32, #tpu.memory_space<vmem>> -> memref<64xi32, #tpu.memory_space<vmem>>
        %dma_start3A_367 = arith.constant 0 : i32
        %dma_start3A_368 = arith.constant 0 : i32
        %dma_start3A_369 = tpu.memref_slice %arg4[%dma_start3A_367, %dma_start3A_368] : memref<253952x128xf32, #tpu.memory_space<hbm>> -> memref<253952x128xf32, #tpu.memory_space<hbm>>
        tpu.enqueue_indirect_dma source(%dma_start3A_369 : memref<253952x128xf32, #tpu.memory_space<hbm>>) target(%dma_start3A_364 : memref<64x128xf32, #tpu.memory_space<vmem>>) offsets(%dma_start3A_366 : memref<64xi32, #tpu.memory_space<vmem>>) semaphore(%arg14 : memref<!tpu.dma_semaphore, #tpu.memory_space<semaphore_mem>>)
        %dma_start3A_370 = arith.constant 3 : i32
        %dma_start3A_371 = arith.constant 128 : i32
        %dma_start3A_372 = arith.constant 0 : i32
        %dma_start3A_373 = tpu.memref_slice %arg11[%dma_start3A_371, %dma_start3A_372] : memref<384x128xf32, #tpu.memory_space<vmem>> -> memref<64x128xf32, #tpu.memory_space<vmem>>
        %dma_start3A_374 = tpu.memref_slice %arg7[%dma_start3A_370, %mul3A_339] : memref<7x512xi32, #tpu.memory_space<vmem>> -> memref<1x64xi32, #tpu.memory_space<vmem>>
        %dma_start3A_375 = tpu.memref_squeeze %dma_start3A_374 : memref<1x64xi32, #tpu.memory_space<vmem>> -> memref<64xi32, #tpu.memory_space<vmem>>
        %dma_start3A_376 = arith.constant 0 : i32
        %dma_start3A_377 = arith.constant 0 : i32
        %dma_start3A_378 = tpu.memref_slice %arg4[%dma_start3A_376, %dma_start3A_377] : memref<253952x128xf32, #tpu.memory_space<hbm>> -> memref<253952x128xf32, #tpu.memory_space<hbm>>
        tpu.enqueue_indirect_dma source(%dma_start3A_378 : memref<253952x128xf32, #tpu.memory_space<hbm>>) target(%dma_start3A_373 : memref<64x128xf32, #tpu.memory_space<vmem>>) offsets(%dma_start3A_375 : memref<64xi32, #tpu.memory_space<vmem>>) semaphore(%arg14 : memref<!tpu.dma_semaphore, #tpu.memory_space<semaphore_mem>>)
        %dma_start3A_379 = arith.constant 4 : i32
        %dma_start3A_380 = arith.constant 192 : i32
        %dma_start3A_381 = arith.constant 0 : i32
        %dma_start3A_382 = tpu.memref_slice %arg11[%dma_start3A_380, %dma_start3A_381] : memref<384x128xf32, #tpu.memory_space<vmem>> -> memref<64x128xf32, #tpu.memory_space<vmem>>
        %dma_start3A_383 = tpu.memref_slice %arg7[%dma_start3A_379, %mul3A_341] : memref<7x512xi32, #tpu.memory_space<vmem>> -> memref<1x64xi32, #tpu.memory_space<vmem>>
        %dma_start3A_384 = tpu.memref_squeeze %dma_start3A_383 : memref<1x64xi32, #tpu.memory_space<vmem>> -> memref<64xi32, #tpu.memory_space<vmem>>
        %dma_start3A_385 = arith.constant 0 : i32
        %dma_start3A_386 = arith.constant 0 : i32
        %dma_start3A_387 = tpu.memref_slice %arg4[%dma_start3A_385, %dma_start3A_386] : memref<253952x128xf32, #tpu.memory_space<hbm>> -> memref<253952x128xf32, #tpu.memory_space<hbm>>
        tpu.enqueue_indirect_dma source(%dma_start3A_387 : memref<253952x128xf32, #tpu.memory_space<hbm>>) target(%dma_start3A_382 : memref<64x128xf32, #tpu.memory_space<vmem>>) offsets(%dma_start3A_384 : memref<64xi32, #tpu.memory_space<vmem>>) semaphore(%arg14 : memref<!tpu.dma_semaphore, #tpu.memory_space<semaphore_mem>>)
        %dma_start3A_388 = arith.constant 5 : i32
        %dma_start3A_389 = arith.constant 256 : i32
        %dma_start3A_390 = arith.constant 0 : i32
        %dma_start3A_391 = tpu.memref_slice %arg11[%dma_start3A_389, %dma_start3A_390] : memref<384x128xf32, #tpu.memory_space<vmem>> -> memref<64x128xf32, #tpu.memory_space<vmem>>
        %dma_start3A_392 = tpu.memref_slice %arg7[%dma_start3A_388, %mul3A_343] : memref<7x512xi32, #tpu.memory_space<vmem>> -> memref<1x64xi32, #tpu.memory_space<vmem>>
        %dma_start3A_393 = tpu.memref_squeeze %dma_start3A_392 : memref<1x64xi32, #tpu.memory_space<vmem>> -> memref<64xi32, #tpu.memory_space<vmem>>
        %dma_start3A_394 = arith.constant 0 : i32
        %dma_start3A_395 = arith.constant 0 : i32
        %dma_start3A_396 = tpu.memref_slice %arg4[%dma_start3A_394, %dma_start3A_395] : memref<253952x128xf32, #tpu.memory_space<hbm>> -> memref<253952x128xf32, #tpu.memory_space<hbm>>
        tpu.enqueue_indirect_dma source(%dma_start3A_396 : memref<253952x128xf32, #tpu.memory_space<hbm>>) target(%dma_start3A_391 : memref<64x128xf32, #tpu.memory_space<vmem>>) offsets(%dma_start3A_393 : memref<64xi32, #tpu.memory_space<vmem>>) semaphore(%arg14 : memref<!tpu.dma_semaphore, #tpu.memory_space<semaphore_mem>>)
        %dma_start3A_397 = arith.constant 6 : i32
        %dma_start3A_398 = arith.constant 320 : i32
        %dma_start3A_399 = arith.constant 0 : i32
        %dma_start3A_400 = tpu.memref_slice %arg11[%dma_start3A_398, %dma_start3A_399] : memref<384x128xf32, #tpu.memory_space<vmem>> -> memref<64x128xf32, #tpu.memory_space<vmem>>
        %dma_start3A_401 = tpu.memref_slice %arg7[%dma_start3A_397, %mul3A_345] : memref<7x512xi32, #tpu.memory_space<vmem>> -> memref<1x64xi32, #tpu.memory_space<vmem>>
        %dma_start3A_402 = tpu.memref_squeeze %dma_start3A_401 : memref<1x64xi32, #tpu.memory_space<vmem>> -> memref<64xi32, #tpu.memory_space<vmem>>
        %dma_start3A_403 = arith.constant 0 : i32
        %dma_start3A_404 = arith.constant 0 : i32
        %dma_start3A_405 = tpu.memref_slice %arg4[%dma_start3A_403, %dma_start3A_404] : memref<253952x128xf32, #tpu.memory_space<hbm>> -> memref<253952x128xf32, #tpu.memory_space<hbm>>
        tpu.enqueue_indirect_dma source(%dma_start3A_405 : memref<253952x128xf32, #tpu.memory_space<hbm>>) target(%dma_start3A_400 : memref<64x128xf32, #tpu.memory_space<vmem>>) offsets(%dma_start3A_402 : memref<64xi32, #tpu.memory_space<vmem>>) semaphore(%arg14 : memref<!tpu.dma_semaphore, #tpu.memory_space<semaphore_mem>>)
      } else {
      }
      %add3A_237 = arith.constant 1 : i32
      %add3A_238 = arith.addi %mul3A_152, %add3A_237 : i32
      %mul3A_239 = arith.constant 64 : i32
      %mul3A_240 = arith.muli %add3A_238, %mul3A_239 : i32
      %mul3A_241 = arith.constant 64 : i32
      %mul3A_242 = arith.muli %add3A_238, %mul3A_241 : i32
      %mul3A_243 = arith.constant 64 : i32
      %mul3A_244 = arith.muli %add3A_238, %mul3A_243 : i32
      %mul3A_245 = arith.constant 64 : i32
      %mul3A_246 = arith.muli %add3A_238, %mul3A_245 : i32
      %mul3A_247 = arith.constant 64 : i32
      %mul3A_248 = arith.muli %add3A_238, %mul3A_247 : i32
      %mul3A_249 = arith.constant 64 : i32
      %mul3A_250 = arith.muli %add3A_238, %mul3A_249 : i32
      %mul3A_251 = arith.constant 64 : i32
      %mul3A_252 = arith.muli %add3A_238, %mul3A_251 : i32
      %dma_wait3A_253 = arith.constant 0 : i32
      %dma_wait3A_254 = tpu.memref_slice %arg7[%dma_wait3A_253, %mul3A_240] : memref<7x512xi32, #tpu.memory_space<vmem>> -> memref<1x64xi32, #tpu.memory_space<vmem>>
      %dma_wait3A_255 = tpu.memref_squeeze %dma_wait3A_254 : memref<1x64xi32, #tpu.memory_space<vmem>> -> memref<64xi32, #tpu.memory_space<vmem>>
      %dma_wait3A_256 = arith.constant 0 : i32
      %dma_wait3A_257 = arith.constant 0 : i32
      %dma_wait3A_258 = tpu.memref_slice %arg3[%dma_wait3A_256, %dma_wait3A_257] : memref<253952x128xf32, #tpu.memory_space<hbm>> -> memref<253952x128xf32, #tpu.memory_space<hbm>>
      tpu.wait_indirect_dma semaphore(%arg15 : memref<!tpu.dma_semaphore, #tpu.memory_space<semaphore_mem>>) src(%dma_wait3A_258 : memref<253952x128xf32, #tpu.memory_space<hbm>>) dst(%arg10 : memref<64x128xf32, #tpu.memory_space<vmem>>)
      %dma_wait3A_259 = arith.constant 1 : i32
      %dma_wait3A_260 = arith.constant 0 : i32
      %dma_wait3A_261 = arith.constant 0 : i32
      %dma_wait3A_262 = tpu.memref_slice %arg12[%dma_wait3A_260, %dma_wait3A_261] : memref<384x128xf32, #tpu.memory_space<vmem>> -> memref<64x128xf32, #tpu.memory_space<vmem>>
      %dma_wait3A_263 = tpu.memref_slice %arg7[%dma_wait3A_259, %mul3A_242] : memref<7x512xi32, #tpu.memory_space<vmem>> -> memref<1x64xi32, #tpu.memory_space<vmem>>
      %dma_wait3A_264 = tpu.memref_squeeze %dma_wait3A_263 : memref<1x64xi32, #tpu.memory_space<vmem>> -> memref<64xi32, #tpu.memory_space<vmem>>
      %dma_wait3A_265 = arith.constant 0 : i32
      %dma_wait3A_266 = arith.constant 0 : i32
      %dma_wait3A_267 = tpu.memref_slice %arg4[%dma_wait3A_265, %dma_wait3A_266] : memref<253952x128xf32, #tpu.memory_space<hbm>> -> memref<253952x128xf32, #tpu.memory_space<hbm>>
      tpu.wait_indirect_dma semaphore(%arg15 : memref<!tpu.dma_semaphore, #tpu.memory_space<semaphore_mem>>) src(%dma_wait3A_267 : memref<253952x128xf32, #tpu.memory_space<hbm>>) dst(%dma_wait3A_262 : memref<64x128xf32, #tpu.memory_space<vmem>>)
      %dma_wait3A_268 = arith.constant 2 : i32
      %dma_wait3A_269 = arith.constant 64 : i32
      %dma_wait3A_270 = arith.constant 0 : i32
      %dma_wait3A_271 = tpu.memref_slice %arg12[%dma_wait3A_269, %dma_wait3A_270] : memref<384x128xf32, #tpu.memory_space<vmem>> -> memref<64x128xf32, #tpu.memory_space<vmem>>
      %dma_wait3A_272 = tpu.memref_slice %arg7[%dma_wait3A_268, %mul3A_244] : memref<7x512xi32, #tpu.memory_space<vmem>> -> memref<1x64xi32, #tpu.memory_space<vmem>>
      %dma_wait3A_273 = tpu.memref_squeeze %dma_wait3A_272 : memref<1x64xi32, #tpu.memory_space<vmem>> -> memref<64xi32, #tpu.memory_space<vmem>>
      %dma_wait3A_274 = arith.constant 0 : i32
      %dma_wait3A_275 = arith.constant 0 : i32
      %dma_wait3A_276 = tpu.memref_slice %arg4[%dma_wait3A_274, %dma_wait3A_275] : memref<253952x128xf32, #tpu.memory_space<hbm>> -> memref<253952x128xf32, #tpu.memory_space<hbm>>
      tpu.wait_indirect_dma semaphore(%arg15 : memref<!tpu.dma_semaphore, #tpu.memory_space<semaphore_mem>>) src(%dma_wait3A_276 : memref<253952x128xf32, #tpu.memory_space<hbm>>) dst(%dma_wait3A_271 : memref<64x128xf32, #tpu.memory_space<vmem>>)
      %dma_wait3A_277 = arith.constant 3 : i32
      %dma_wait3A_278 = arith.constant 128 : i32
      %dma_wait3A_279 = arith.constant 0 : i32
      %dma_wait3A_280 = tpu.memref_slice %arg12[%dma_wait3A_278, %dma_wait3A_279] : memref<384x128xf32, #tpu.memory_space<vmem>> -> memref<64x128xf32, #tpu.memory_space<vmem>>
      %dma_wait3A_281 = tpu.memref_slice %arg7[%dma_wait3A_277, %mul3A_246] : memref<7x512xi32, #tpu.memory_space<vmem>> -> memref<1x64xi32, #tpu.memory_space<vmem>>
      %dma_wait3A_282 = tpu.memref_squeeze %dma_wait3A_281 : memref<1x64xi32, #tpu.memory_space<vmem>> -> memref<64xi32, #tpu.memory_space<vmem>>
      %dma_wait3A_283 = arith.constant 0 : i32
      %dma_wait3A_284 = arith.constant 0 : i32
      %dma_wait3A_285 = tpu.memref_slice %arg4[%dma_wait3A_283, %dma_wait3A_284] : memref<253952x128xf32, #tpu.memory_space<hbm>> -> memref<253952x128xf32, #tpu.memory_space<hbm>>
      tpu.wait_indirect_dma semaphore(%arg15 : memref<!tpu.dma_semaphore, #tpu.memory_space<semaphore_mem>>) src(%dma_wait3A_285 : memref<253952x128xf32, #tpu.memory_space<hbm>>) dst(%dma_wait3A_280 : memref<64x128xf32, #tpu.memory_space<vmem>>)
      %dma_wait3A_286 = arith.constant 4 : i32
      %dma_wait3A_287 = arith.constant 192 : i32
      %dma_wait3A_288 = arith.constant 0 : i32
      %dma_wait3A_289 = tpu.memref_slice %arg12[%dma_wait3A_287, %dma_wait3A_288] : memref<384x128xf32, #tpu.memory_space<vmem>> -> memref<64x128xf32, #tpu.memory_space<vmem>>
      %dma_wait3A_290 = tpu.memref_slice %arg7[%dma_wait3A_286, %mul3A_248] : memref<7x512xi32, #tpu.memory_space<vmem>> -> memref<1x64xi32, #tpu.memory_space<vmem>>
      %dma_wait3A_291 = tpu.memref_squeeze %dma_wait3A_290 : memref<1x64xi32, #tpu.memory_space<vmem>> -> memref<64xi32, #tpu.memory_space<vmem>>
      %dma_wait3A_292 = arith.constant 0 : i32
      %dma_wait3A_293 = arith.constant 0 : i32
      %dma_wait3A_294 = tpu.memref_slice %arg4[%dma_wait3A_292, %dma_wait3A_293] : memref<253952x128xf32, #tpu.memory_space<hbm>> -> memref<253952x128xf32, #tpu.memory_space<hbm>>
      tpu.wait_indirect_dma semaphore(%arg15 : memref<!tpu.dma_semaphore, #tpu.memory_space<semaphore_mem>>) src(%dma_wait3A_294 : memref<253952x128xf32, #tpu.memory_space<hbm>>) dst(%dma_wait3A_289 : memref<64x128xf32, #tpu.memory_space<vmem>>)
      %dma_wait3A_295 = arith.constant 5 : i32
      %dma_wait3A_296 = arith.constant 256 : i32
      %dma_wait3A_297 = arith.constant 0 : i32
      %dma_wait3A_298 = tpu.memref_slice %arg12[%dma_wait3A_296, %dma_wait3A_297] : memref<384x128xf32, #tpu.memory_space<vmem>> -> memref<64x128xf32, #tpu.memory_space<vmem>>
      %dma_wait3A_299 = tpu.memref_slice %arg7[%dma_wait3A_295, %mul3A_250] : memref<7x512xi32, #tpu.memory_space<vmem>> -> memref<1x64xi32, #tpu.memory_space<vmem>>
      %dma_wait3A_300 = tpu.memref_squeeze %dma_wait3A_299 : memref<1x64xi32, #tpu.memory_space<vmem>> -> memref<64xi32, #tpu.memory_space<vmem>>
      %dma_wait3A_301 = arith.constant 0 : i32
      %dma_wait3A_302 = arith.constant 0 : i32
      %dma_wait3A_303 = tpu.memref_slice %arg4[%dma_wait3A_301, %dma_wait3A_302] : memref<253952x128xf32, #tpu.memory_space<hbm>> -> memref<253952x128xf32, #tpu.memory_space<hbm>>
      tpu.wait_indirect_dma semaphore(%arg15 : memref<!tpu.dma_semaphore, #tpu.memory_space<semaphore_mem>>) src(%dma_wait3A_303 : memref<253952x128xf32, #tpu.memory_space<hbm>>) dst(%dma_wait3A_298 : memref<64x128xf32, #tpu.memory_space<vmem>>)
      %dma_wait3A_304 = arith.constant 6 : i32
      %dma_wait3A_305 = arith.constant 320 : i32
      %dma_wait3A_306 = arith.constant 0 : i32
      %dma_wait3A_307 = tpu.memref_slice %arg12[%dma_wait3A_305, %dma_wait3A_306] : memref<384x128xf32, #tpu.memory_space<vmem>> -> memref<64x128xf32, #tpu.memory_space<vmem>>
      %dma_wait3A_308 = tpu.memref_slice %arg7[%dma_wait3A_304, %mul3A_252] : memref<7x512xi32, #tpu.memory_space<vmem>> -> memref<1x64xi32, #tpu.memory_space<vmem>>
      %dma_wait3A_309 = tpu.memref_squeeze %dma_wait3A_308 : memref<1x64xi32, #tpu.memory_space<vmem>> -> memref<64xi32, #tpu.memory_space<vmem>>
      %dma_wait3A_310 = arith.constant 0 : i32
      %dma_wait3A_311 = arith.constant 0 : i32
      %dma_wait3A_312 = tpu.memref_slice %arg4[%dma_wait3A_310, %dma_wait3A_311] : memref<253952x128xf32, #tpu.memory_space<hbm>> -> memref<253952x128xf32, #tpu.memory_space<hbm>>
      tpu.wait_indirect_dma semaphore(%arg15 : memref<!tpu.dma_semaphore, #tpu.memory_space<semaphore_mem>>) src(%dma_wait3A_312 : memref<253952x128xf32, #tpu.memory_space<hbm>>) dst(%dma_wait3A_307 : memref<64x128xf32, #tpu.memory_space<vmem>>)
      %add3A_313 = arith.constant 1 : i32
      %add3A_314 = arith.addi %mul3A_152, %add3A_313 : i32
      %scan3A_315 = arith.constant 0 : i32
      %scan3A_316 = arith.constant 0 : i32
      %scan3A_317 = arith.constant 4 : i32
      %scan3A_318 = arith.addi %scan3A_316, %scan3A_317 : i32
      %scan3A_319 = arith.constant 1 : i32
      %scan3A_320 = scf.for %scan3A_330 = %scan3A_316 to %scan3A_318 step %scan3A_319 iter_args(%scan3A_331 = %scan3A_315) -> (i32)  : i32 {
        %mul3A_332 = arith.constant 16 : i32
        %mul3A_333 = arith.muli %scan3A_330, %mul3A_332 : i32
        %add3A_334 = vector.broadcast %mul3A_333 : i32 to vector<16xi32>
        %add3A_335 = arith.addi %add3A_334, %iota3A : vector<16xi32>
        %mul3A_336 = arith.constant 64 : i32
        %mul3A_337 = arith.muli %add3A_314, %mul3A_336 : i32
        %mul3A_338 = arith.constant 16 : i32
        %mul3A_339 = arith.muli %scan3A_330, %mul3A_338 : i32
        %add3A_340 = arith.addi %mul3A_337, %mul3A_339 : i32
        %get3A = arith.constant 0 : i32
        %get3A_341 = arith.index_cast %get3A : i32 to index
        %get3A_342 = arith.index_cast %add3A_340 : i32 to index
        %get3A_343 = tpu.vector_load %arg8[%get3A_341, %get3A_342] {strides = array<i32>} : memref<7x512xi32, #tpu.memory_space<vmem>>, vector<16xi32>,
        %shift_right_arithmetic3A = arith.constant 1 : i32
        %shift_right_arithmetic3A_344 = vector.broadcast %shift_right_arithmetic3A : i32 to vector<16xi32>
        %shift_right_arithmetic3A_345 = arith.shrsi %get3A_343, %shift_right_arithmetic3A_344 : vector<16xi32>
        %mul3A_346 = arith.constant 64 : i32
        %mul3A_347 = vector.broadcast %mul3A_346 : i32 to vector<16xi32>
        %mul3A_348 = arith.muli %shift_right_arithmetic3A_345, %mul3A_347 : vector<16xi32>
        %and3A = arith.constant 1 : i32
        %and3A_349 = vector.broadcast %and3A : i32 to vector<16xi32>
        %and3A_350 = arith.andi %get3A_343, %and3A_349 : vector<16xi32>
        %eq3A = arith.constant 1 : i32
        %eq3A_351 = vector.broadcast %eq3A : i32 to vector<16xi32>
        %eq3A_352 = arith.cmpi eq, %and3A_350, %eq3A_351 : vector<16xi32>
        %mul3A_353 = arith.constant 64 : i32
        %mul3A_354 = arith.muli %add3A_314, %mul3A_353 : i32
        %mul3A_355 = arith.constant 16 : i32
        %mul3A_356 = arith.muli %scan3A_330, %mul3A_355 : i32
        %add3A_357 = arith.addi %mul3A_354, %mul3A_356 : i32
        %get3A_358 = arith.constant 1 : i32
        %get3A_359 = arith.index_cast %get3A_358 : i32 to index
        %get3A_360 = arith.index_cast %add3A_357 : i32 to index
        %get3A_361 = tpu.vector_load %arg8[%get3A_359, %get3A_360] {strides = array<i32>} : memref<7x512xi32, #tpu.memory_space<vmem>>, vector<16xi32>,
        %add3A_362 = arith.constant 0 : i32
        %add3A_363 = vector.broadcast %add3A_362 : i32 to vector<16xi32>
        %add3A_364 = arith.addi %add3A_363, %add3A_335 : vector<16xi32>
        %shift_right_arithmetic3A_365 = arith.constant 1 : i32
        %shift_right_arithmetic3A_366 = vector.broadcast %shift_right_arithmetic3A_365 : i32 to vector<16xi32>
        %shift_right_arithmetic3A_367 = arith.shrsi %get3A_361, %shift_right_arithmetic3A_366 : vector<16xi32>
        %mul3A_368 = arith.constant 64 : i32
        %mul3A_369 = vector.broadcast %mul3A_368 : i32 to vector<16xi32>
        %mul3A_370 = arith.muli %shift_right_arithmetic3A_367, %mul3A_369 : vector<16xi32>
        %and3A_371 = arith.constant 1 : i32
        %and3A_372 = vector.broadcast %and3A_371 : i32 to vector<16xi32>
        %and3A_373 = arith.andi %get3A_361, %and3A_372 : vector<16xi32>
        %eq3A_374 = arith.constant 1 : i32
        %eq3A_375 = vector.broadcast %eq3A_374 : i32 to vector<16xi32>
        %eq3A_376 = arith.cmpi eq, %and3A_373, %eq3A_375 : vector<16xi32>
        %mul3A_377 = arith.constant 64 : i32
        %mul3A_378 = arith.muli %add3A_314, %mul3A_377 : i32
        %mul3A_379 = arith.constant 16 : i32
        %mul3A_380 = arith.muli %scan3A_330, %mul3A_379 : i32
        %add3A_381 = arith.addi %mul3A_378, %mul3A_380 : i32
        %get3A_382 = arith.constant 2 : i32
        %get3A_383 = arith.index_cast %get3A_382 : i32 to index
        %get3A_384 = arith.index_cast %add3A_381 : i32 to index
        %get3A_385 = tpu.vector_load %arg8[%get3A_383, %get3A_384] {strides = array<i32>} : memref<7x512xi32, #tpu.memory_space<vmem>>, vector<16xi32>,
        %add3A_386 = arith.constant 64 : i32
        %add3A_387 = vector.broadcast %add3A_386 : i32 to vector<16xi32>
        %add3A_388 = arith.addi %add3A_387, %add3A_335 : vector<16xi32>
        %shift_right_arithmetic3A_389 = arith.constant 1 : i32
        %shift_right_arithmetic3A_390 = vector.broadcast %shift_right_arithmetic3A_389 : i32 to vector<16xi32>
        %shift_right_arithmetic3A_391 = arith.shrsi %get3A_385, %shift_right_arithmetic3A_390 : vector<16xi32>
        %mul3A_392 = arith.constant 64 : i32
        %mul3A_393 = vector.broadcast %mul3A_392 : i32 to vector<16xi32>
        %mul3A_394 = arith.muli %shift_right_arithmetic3A_391, %mul3A_393 : vector<16xi32>
        %and3A_395 = arith.constant 1 : i32
        %and3A_396 = vector.broadcast %and3A_395 : i32 to vector<16xi32>
        %and3A_397 = arith.andi %get3A_385, %and3A_396 : vector<16xi32>
        %eq3A_398 = arith.constant 1 : i32
        %eq3A_399 = vector.broadcast %eq3A_398 : i32 to vector<16xi32>
        %eq3A_400 = arith.cmpi eq, %and3A_397, %eq3A_399 : vector<16xi32>
        %mul3A_401 = arith.constant 64 : i32
        %mul3A_402 = arith.muli %add3A_314, %mul3A_401 : i32
        %mul3A_403 = arith.constant 16 : i32
        %mul3A_404 = arith.muli %scan3A_330, %mul3A_403 : i32
        %add3A_405 = arith.addi %mul3A_402, %mul3A_404 : i32
        %get3A_406 = arith.constant 3 : i32
        %get3A_407 = arith.index_cast %get3A_406 : i32 to index
        %get3A_408 = arith.index_cast %add3A_405 : i32 to index
        %get3A_409 = tpu.vector_load %arg8[%get3A_407, %get3A_408] {strides = array<i32>} : memref<7x512xi32, #tpu.memory_space<vmem>>, vector<16xi32>,
        %add3A_410 = arith.constant 128 : i32
        %add3A_411 = vector.broadcast %add3A_410 : i32 to vector<16xi32>
        %add3A_412 = arith.addi %add3A_411, %add3A_335 : vector<16xi32>
        %shift_right_arithmetic3A_413 = arith.constant 1 : i32
        %shift_right_arithmetic3A_414 = vector.broadcast %shift_right_arithmetic3A_413 : i32 to vector<16xi32>
        %shift_right_arithmetic3A_415 = arith.shrsi %get3A_409, %shift_right_arithmetic3A_414 : vector<16xi32>
        %mul3A_416 = arith.constant 64 : i32
        %mul3A_417 = vector.broadcast %mul3A_416 : i32 to vector<16xi32>
        %mul3A_418 = arith.muli %shift_right_arithmetic3A_415, %mul3A_417 : vector<16xi32>
        %and3A_419 = arith.constant 1 : i32
        %and3A_420 = vector.broadcast %and3A_419 : i32 to vector<16xi32>
        %and3A_421 = arith.andi %get3A_409, %and3A_420 : vector<16xi32>
        %eq3A_422 = arith.constant 1 : i32
        %eq3A_423 = vector.broadcast %eq3A_422 : i32 to vector<16xi32>
        %eq3A_424 = arith.cmpi eq, %and3A_421, %eq3A_423 : vector<16xi32>
        %mul3A_425 = arith.constant 64 : i32
        %mul3A_426 = arith.muli %add3A_314, %mul3A_425 : i32
        %mul3A_427 = arith.constant 16 : i32
        %mul3A_428 = arith.muli %scan3A_330, %mul3A_427 : i32
        %add3A_429 = arith.addi %mul3A_426, %mul3A_428 : i32
        %get3A_430 = arith.constant 4 : i32
        %get3A_431 = arith.index_cast %get3A_430 : i32 to index
        %get3A_432 = arith.index_cast %add3A_429 : i32 to index
        %get3A_433 = tpu.vector_load %arg8[%get3A_431, %get3A_432] {strides = array<i32>} : memref<7x512xi32, #tpu.memory_space<vmem>>, vector<16xi32>,
        %add3A_434 = arith.constant 192 : i32
        %add3A_435 = vector.broadcast %add3A_434 : i32 to vector<16xi32>
        %add3A_436 = arith.addi %add3A_435, %add3A_335 : vector<16xi32>
        %shift_right_arithmetic3A_437 = arith.constant 1 : i32
        %shift_right_arithmetic3A_438 = vector.broadcast %shift_right_arithmetic3A_437 : i32 to vector<16xi32>
        %shift_right_arithmetic3A_439 = arith.shrsi %get3A_433, %shift_right_arithmetic3A_438 : vector<16xi32>
        %mul3A_440 = arith.constant 64 : i32
        %mul3A_441 = vector.broadcast %mul3A_440 : i32 to vector<16xi32>
        %mul3A_442 = arith.muli %shift_right_arithmetic3A_439, %mul3A_441 : vector<16xi32>
        %and3A_443 = arith.constant 1 : i32
        %and3A_444 = vector.broadcast %and3A_443 : i32 to vector<16xi32>
        %and3A_445 = arith.andi %get3A_433, %and3A_444 : vector<16xi32>
        %eq3A_446 = arith.constant 1 : i32
        %eq3A_447 = vector.broadcast %eq3A_446 : i32 to vector<16xi32>
        %eq3A_448 = arith.cmpi eq, %and3A_445, %eq3A_447 : vector<16xi32>
        %mul3A_449 = arith.constant 64 : i32
        %mul3A_450 = arith.muli %add3A_314, %mul3A_449 : i32
        %mul3A_451 = arith.constant 16 : i32
        %mul3A_452 = arith.muli %scan3A_330, %mul3A_451 : i32
        %add3A_453 = arith.addi %mul3A_450, %mul3A_452 : i32
        %get3A_454 = arith.constant 5 : i32
        %get3A_455 = arith.index_cast %get3A_454 : i32 to index
        %get3A_456 = arith.index_cast %add3A_453 : i32 to index
        %get3A_457 = tpu.vector_load %arg8[%get3A_455, %get3A_456] {strides = array<i32>} : memref<7x512xi32, #tpu.memory_space<vmem>>, vector<16xi32>,
        %add3A_458 = arith.constant 256 : i32
        %add3A_459 = vector.broadcast %add3A_458 : i32 to vector<16xi32>
        %add3A_460 = arith.addi %add3A_459, %add3A_335 : vector<16xi32>
        %shift_right_arithmetic3A_461 = arith.constant 1 : i32
        %shift_right_arithmetic3A_462 = vector.broadcast %shift_right_arithmetic3A_461 : i32 to vector<16xi32>
        %shift_right_arithmetic3A_463 = arith.shrsi %get3A_457, %shift_right_arithmetic3A_462 : vector<16xi32>
        %mul3A_464 = arith.constant 64 : i32
        %mul3A_465 = vector.broadcast %mul3A_464 : i32 to vector<16xi32>
        %mul3A_466 = arith.muli %shift_right_arithmetic3A_463, %mul3A_465 : vector<16xi32>
        %and3A_467 = arith.constant 1 : i32
        %and3A_468 = vector.broadcast %and3A_467 : i32 to vector<16xi32>
        %and3A_469 = arith.andi %get3A_457, %and3A_468 : vector<16xi32>
        %eq3A_470 = arith.constant 1 : i32
        %eq3A_471 = vector.broadcast %eq3A_470 : i32 to vector<16xi32>
        %eq3A_472 = arith.cmpi eq, %and3A_469, %eq3A_471 : vector<16xi32>
        %mul3A_473 = arith.constant 64 : i32
        %mul3A_474 = arith.muli %add3A_314, %mul3A_473 : i32
        %mul3A_475 = arith.constant 16 : i32
        %mul3A_476 = arith.muli %scan3A_330, %mul3A_475 : i32
        %add3A_477 = arith.addi %mul3A_474, %mul3A_476 : i32
        %get3A_478 = arith.constant 6 : i32
        %get3A_479 = arith.index_cast %get3A_478 : i32 to index
        %get3A_480 = arith.index_cast %add3A_477 : i32 to index
        %get3A_481 = tpu.vector_load %arg8[%get3A_479, %get3A_480] {strides = array<i32>} : memref<7x512xi32, #tpu.memory_space<vmem>>, vector<16xi32>,
        %add3A_482 = arith.constant 320 : i32
        %add3A_483 = vector.broadcast %add3A_482 : i32 to vector<16xi32>
        %add3A_484 = arith.addi %add3A_483, %add3A_335 : vector<16xi32>
        %shift_right_arithmetic3A_485 = arith.constant 1 : i32
        %shift_right_arithmetic3A_486 = vector.broadcast %shift_right_arithmetic3A_485 : i32 to vector<16xi32>
        %shift_right_arithmetic3A_487 = arith.shrsi %get3A_481, %shift_right_arithmetic3A_486 : vector<16xi32>
        %mul3A_488 = arith.constant 64 : i32
        %mul3A_489 = vector.broadcast %mul3A_488 : i32 to vector<16xi32>
        %mul3A_490 = arith.muli %shift_right_arithmetic3A_487, %mul3A_489 : vector<16xi32>
        %and3A_491 = arith.constant 1 : i32
        %and3A_492 = vector.broadcast %and3A_491 : i32 to vector<16xi32>
        %and3A_493 = arith.andi %get3A_481, %and3A_492 : vector<16xi32>
        %eq3A_494 = arith.constant 1 : i32
        %eq3A_495 = vector.broadcast %eq3A_494 : i32 to vector<16xi32>
        %eq3A_496 = arith.cmpi eq, %and3A_493, %eq3A_495 : vector<16xi32>
        %broadcast_in_dim3A = arith.constant 0.000000e+00 : f32
        %broadcast_in_dim3A_497 = vector.broadcast %broadcast_in_dim3A : f32 to vector<16xf32>
        %broadcast_in_dim3A_498 = arith.constant 0.000000e+00 : f32
        %broadcast_in_dim3A_499 = vector.broadcast %broadcast_in_dim3A_498 : f32 to vector<16xf32>
        %broadcast_in_dim3A_500 = arith.constant 0.000000e+00 : f32
        %broadcast_in_dim3A_501 = vector.broadcast %broadcast_in_dim3A_500 : f32 to vector<16xf32>
        %broadcast_in_dim3A_502 = arith.constant 0.000000e+00 : f32
        %broadcast_in_dim3A_503 = vector.broadcast %broadcast_in_dim3A_502 : f32 to vector<16xf32>
        %broadcast_in_dim3A_504 = arith.constant 0.000000e+00 : f32
        %broadcast_in_dim3A_505 = vector.broadcast %broadcast_in_dim3A_504 : f32 to vector<16xf32>
        %broadcast_in_dim3A_506 = arith.constant 0.000000e+00 : f32
        %broadcast_in_dim3A_507 = vector.broadcast %broadcast_in_dim3A_506 : f32 to vector<16xf32>
        %scan3A_508 = arith.constant 0 : i32
        %scan3A_509 = arith.constant 16 : i32
        %scan3A_510 = arith.addi %scan3A_508, %scan3A_509 : i32
        %scan3A_511 = arith.constant 1 : i32
        %scan3A_512:6 = scf.for %scan3A_820 = %scan3A_508 to %scan3A_510 step %scan3A_511 iter_args(%scan3A_821 = %broadcast_in_dim3A_497, %scan3A_822 = %broadcast_in_dim3A_499, %scan3A_823 = %broadcast_in_dim3A_501, %scan3A_824 = %broadcast_in_dim3A_503, %scan3A_825 = %broadcast_in_dim3A_505, %scan3A_826 = %broadcast_in_dim3A_507) -> (vector<16xf32>, vector<16xf32>, vector<16xf32>, vector<16xf32>, vector<16xf32>, vector<16xf32>)  : i32 {
          %mul3A_827 = arith.constant 4 : i32
          %mul3A_828 = arith.muli %scan3A_820, %mul3A_827 : i32
          %add3A_829 = arith.constant 0 : i32
          %add3A_830 = arith.addi %mul3A_828, %add3A_829 : i32
          %add3A_831 = vector.broadcast %add3A_830 : i32 to vector<16xi32>
          %add3A_832 = arith.addi %mul3A_348, %add3A_831 : vector<16xi32>
          %gather3A = tpu.vector_load_idx %arg10[%add3A_335, %add3A_832] : memref<64x128xf32, #tpu.memory_space<vmem>>[vector<16xi32>, vector<16xi32>], vector<16xf32>,
          %bitcast3A = vector.bitcast %gather3A : vector<16xf32> to vector<16xi32>
          %and3A_833 = arith.constant -65536 : i32
          %and3A_834 = vector.broadcast %and3A_833 : i32 to vector<16xi32>
          %and3A_835 = arith.andi %bitcast3A, %and3A_834 : vector<16xi32>
          %shift_left3A = arith.constant 16 : i32
          %shift_left3A_836 = vector.broadcast %shift_left3A : i32 to vector<16xi32>
          %shift_left3A_837 = arith.shli %bitcast3A, %shift_left3A_836 : vector<16xi32>
          %select_n3A = arith.select %eq3A_352, %and3A_835, %shift_left3A_837 : vector<16xi1>, vector<16xi32>
          %bitcast3A_838 = vector.bitcast %select_n3A : vector<16xi32> to vector<16xf32>
          %add3A_839 = vector.broadcast %add3A_830 : i32 to vector<16xi32>
          %add3A_840 = arith.addi %mul3A_370, %add3A_839 : vector<16xi32>
          %gather3A_841 = tpu.vector_load_idx %arg12[%add3A_364, %add3A_840] : memref<384x128xf32, #tpu.memory_space<vmem>>[vector<16xi32>, vector<16xi32>], vector<16xf32>,
          %bitcast3A_842 = vector.bitcast %gather3A_841 : vector<16xf32> to vector<16xi32>
          %and3A_843 = arith.constant -65536 : i32
          %and3A_844 = vector.broadcast %and3A_843 : i32 to vector<16xi32>
          %and3A_845 = arith.andi %bitcast3A_842, %and3A_844 : vector<16xi32>
          %shift_left3A_846 = arith.constant 16 : i32
          %shift_left3A_847 = vector.broadcast %shift_left3A_846 : i32 to vector<16xi32>
          %shift_left3A_848 = arith.shli %bitcast3A_842, %shift_left3A_847 : vector<16xi32>
          %select_n3A_849 = arith.select %eq3A_376, %and3A_845, %shift_left3A_848 : vector<16xi1>, vector<16xi32>
          %bitcast3A_850 = vector.bitcast %select_n3A_849 : vector<16xi32> to vector<16xf32>
          %mul3A_851 = arith.mulf %bitcast3A_838, %bitcast3A_850 : vector<16xf32>
          %add3A_852 = arith.addf %scan3A_821, %mul3A_851 : vector<16xf32>
          %add3A_853 = vector.broadcast %add3A_830 : i32 to vector<16xi32>
          %add3A_854 = arith.addi %mul3A_394, %add3A_853 : vector<16xi32>
          %gather3A_855 = tpu.vector_load_idx %arg12[%add3A_388, %add3A_854] : memref<384x128xf32, #tpu.memory_space<vmem>>[vector<16xi32>, vector<16xi32>], vector<16xf32>,
          %bitcast3A_856 = vector.bitcast %gather3A_855 : vector<16xf32> to vector<16xi32>
          %and3A_857 = arith.constant -65536 : i32
          %and3A_858 = vector.broadcast %and3A_857 : i32 to vector<16xi32>
          %and3A_859 = arith.andi %bitcast3A_856, %and3A_858 : vector<16xi32>
          %shift_left3A_860 = arith.constant 16 : i32
          %shift_left3A_861 = vector.broadcast %shift_left3A_860 : i32 to vector<16xi32>
          %shift_left3A_862 = arith.shli %bitcast3A_856, %shift_left3A_861 : vector<16xi32>
          %select_n3A_863 = arith.select %eq3A_400, %and3A_859, %shift_left3A_862 : vector<16xi1>, vector<16xi32>
          %bitcast3A_864 = vector.bitcast %select_n3A_863 : vector<16xi32> to vector<16xf32>
          %mul3A_865 = arith.mulf %bitcast3A_838, %bitcast3A_864 : vector<16xf32>
          %add3A_866 = arith.addf %scan3A_822, %mul3A_865 : vector<16xf32>
          %add3A_867 = vector.broadcast %add3A_830 : i32 to vector<16xi32>
          %add3A_868 = arith.addi %mul3A_418, %add3A_867 : vector<16xi32>
          %gather3A_869 = tpu.vector_load_idx %arg12[%add3A_412, %add3A_868] : memref<384x128xf32, #tpu.memory_space<vmem>>[vector<16xi32>, vector<16xi32>], vector<16xf32>,
          %bitcast3A_870 = vector.bitcast %gather3A_869 : vector<16xf32> to vector<16xi32>
          %and3A_871 = arith.constant -65536 : i32
          %and3A_872 = vector.broadcast %and3A_871 : i32 to vector<16xi32>
          %and3A_873 = arith.andi %bitcast3A_870, %and3A_872 : vector<16xi32>
          %shift_left3A_874 = arith.constant 16 : i32
          %shift_left3A_875 = vector.broadcast %shift_left3A_874 : i32 to vector<16xi32>
          %shift_left3A_876 = arith.shli %bitcast3A_870, %shift_left3A_875 : vector<16xi32>
          %select_n3A_877 = arith.select %eq3A_424, %and3A_873, %shift_left3A_876 : vector<16xi1>, vector<16xi32>
          %bitcast3A_878 = vector.bitcast %select_n3A_877 : vector<16xi32> to vector<16xf32>
          %mul3A_879 = arith.mulf %bitcast3A_838, %bitcast3A_878 : vector<16xf32>
          %add3A_880 = arith.addf %scan3A_823, %mul3A_879 : vector<16xf32>
          %add3A_881 = vector.broadcast %add3A_830 : i32 to vector<16xi32>
          %add3A_882 = arith.addi %mul3A_442, %add3A_881 : vector<16xi32>
          %gather3A_883 = tpu.vector_load_idx %arg12[%add3A_436, %add3A_882] : memref<384x128xf32, #tpu.memory_space<vmem>>[vector<16xi32>, vector<16xi32>], vector<16xf32>,
          %bitcast3A_884 = vector.bitcast %gather3A_883 : vector<16xf32> to vector<16xi32>
          %and3A_885 = arith.constant -65536 : i32
          %and3A_886 = vector.broadcast %and3A_885 : i32 to vector<16xi32>
          %and3A_887 = arith.andi %bitcast3A_884, %and3A_886 : vector<16xi32>
          %shift_left3A_888 = arith.constant 16 : i32
          %shift_left3A_889 = vector.broadcast %shift_left3A_888 : i32 to vector<16xi32>
          %shift_left3A_890 = arith.shli %bitcast3A_884, %shift_left3A_889 : vector<16xi32>
          %select_n3A_891 = arith.select %eq3A_448, %and3A_887, %shift_left3A_890 : vector<16xi1>, vector<16xi32>
          %bitcast3A_892 = vector.bitcast %select_n3A_891 : vector<16xi32> to vector<16xf32>
          %mul3A_893 = arith.mulf %bitcast3A_838, %bitcast3A_892 : vector<16xf32>
          %add3A_894 = arith.addf %scan3A_824, %mul3A_893 : vector<16xf32>
          %add3A_895 = vector.broadcast %add3A_830 : i32 to vector<16xi32>
          %add3A_896 = arith.addi %mul3A_466, %add3A_895 : vector<16xi32>
          %gather3A_897 = tpu.vector_load_idx %arg12[%add3A_460, %add3A_896] : memref<384x128xf32, #tpu.memory_space<vmem>>[vector<16xi32>, vector<16xi32>], vector<16xf32>,
          %bitcast3A_898 = vector.bitcast %gather3A_897 : vector<16xf32> to vector<16xi32>
          %and3A_899 = arith.constant -65536 : i32
          %and3A_900 = vector.broadcast %and3A_899 : i32 to vector<16xi32>
          %and3A_901 = arith.andi %bitcast3A_898, %and3A_900 : vector<16xi32>
          %shift_left3A_902 = arith.constant 16 : i32
          %shift_left3A_903 = vector.broadcast %shift_left3A_902 : i32 to vector<16xi32>
          %shift_left3A_904 = arith.shli %bitcast3A_898, %shift_left3A_903 : vector<16xi32>
          %select_n3A_905 = arith.select %eq3A_472, %and3A_901, %shift_left3A_904 : vector<16xi1>, vector<16xi32>
          %bitcast3A_906 = vector.bitcast %select_n3A_905 : vector<16xi32> to vector<16xf32>
          %mul3A_907 = arith.mulf %bitcast3A_838, %bitcast3A_906 : vector<16xf32>
          %add3A_908 = arith.addf %scan3A_825, %mul3A_907 : vector<16xf32>
          %add3A_909 = vector.broadcast %add3A_830 : i32 to vector<16xi32>
          %add3A_910 = arith.addi %mul3A_490, %add3A_909 : vector<16xi32>
          %gather3A_911 = tpu.vector_load_idx %arg12[%add3A_484, %add3A_910] : memref<384x128xf32, #tpu.memory_space<vmem>>[vector<16xi32>, vector<16xi32>], vector<16xf32>,
          %bitcast3A_912 = vector.bitcast %gather3A_911 : vector<16xf32> to vector<16xi32>
          %and3A_913 = arith.constant -65536 : i32
          %and3A_914 = vector.broadcast %and3A_913 : i32 to vector<16xi32>
          %and3A_915 = arith.andi %bitcast3A_912, %and3A_914 : vector<16xi32>
          %shift_left3A_916 = arith.constant 16 : i32
          %shift_left3A_917 = vector.broadcast %shift_left3A_916 : i32 to vector<16xi32>
          %shift_left3A_918 = arith.shli %bitcast3A_912, %shift_left3A_917 : vector<16xi32>
          %select_n3A_919 = arith.select %eq3A_496, %and3A_915, %shift_left3A_918 : vector<16xi1>, vector<16xi32>
          %bitcast3A_920 = vector.bitcast %select_n3A_919 : vector<16xi32> to vector<16xf32>
          %mul3A_921 = arith.mulf %bitcast3A_838, %bitcast3A_920 : vector<16xf32>
          %add3A_922 = arith.addf %scan3A_826, %mul3A_921 : vector<16xf32>
          %mul3A_923 = arith.constant 4 : i32
          %mul3A_924 = arith.muli %scan3A_820, %mul3A_923 : i32
          %add3A_925 = arith.constant 1 : i32
          %add3A_926 = arith.addi %mul3A_924, %add3A_925 : i32
          %add3A_927 = vector.broadcast %add3A_926 : i32 to vector<16xi32>
          %add3A_928 = arith.addi %mul3A_348, %add3A_927 : vector<16xi32>
          %gather3A_929 = tpu.vector_load_idx %arg10[%add3A_335, %add3A_928] : memref<64x128xf32, #tpu.memory_space<vmem>>[vector<16xi32>, vector<16xi32>], vector<16xf32>,
          %bitcast3A_930 = vector.bitcast %gather3A_929 : vector<16xf32> to vector<16xi32>
          %and3A_931 = arith.constant -65536 : i32
          %and3A_932 = vector.broadcast %and3A_931 : i32 to vector<16xi32>
          %and3A_933 = arith.andi %bitcast3A_930, %and3A_932 : vector<16xi32>
          %shift_left3A_934 = arith.constant 16 : i32
          %shift_left3A_935 = vector.broadcast %shift_left3A_934 : i32 to vector<16xi32>
          %shift_left3A_936 = arith.shli %bitcast3A_930, %shift_left3A_935 : vector<16xi32>
          %select_n3A_937 = arith.select %eq3A_352, %and3A_933, %shift_left3A_936 : vector<16xi1>, vector<16xi32>
          %bitcast3A_938 = vector.bitcast %select_n3A_937 : vector<16xi32> to vector<16xf32>
          %add3A_939 = vector.broadcast %add3A_926 : i32 to vector<16xi32>
          %add3A_940 = arith.addi %mul3A_370, %add3A_939 : vector<16xi32>
          %gather3A_941 = tpu.vector_load_idx %arg12[%add3A_364, %add3A_940] : memref<384x128xf32, #tpu.memory_space<vmem>>[vector<16xi32>, vector<16xi32>], vector<16xf32>,
          %bitcast3A_942 = vector.bitcast %gather3A_941 : vector<16xf32> to vector<16xi32>
          %and3A_943 = arith.constant -65536 : i32
          %and3A_944 = vector.broadcast %and3A_943 : i32 to vector<16xi32>
          %and3A_945 = arith.andi %bitcast3A_942, %and3A_944 : vector<16xi32>
          %shift_left3A_946 = arith.constant 16 : i32
          %shift_left3A_947 = vector.broadcast %shift_left3A_946 : i32 to vector<16xi32>
          %shift_left3A_948 = arith.shli %bitcast3A_942, %shift_left3A_947 : vector<16xi32>
          %select_n3A_949 = arith.select %eq3A_376, %and3A_945, %shift_left3A_948 : vector<16xi1>, vector<16xi32>
          %bitcast3A_950 = vector.bitcast %select_n3A_949 : vector<16xi32> to vector<16xf32>
          %mul3A_951 = arith.mulf %bitcast3A_938, %bitcast3A_950 : vector<16xf32>
          %add3A_952 = arith.addf %add3A_852, %mul3A_951 : vector<16xf32>
          %add3A_953 = vector.broadcast %add3A_926 : i32 to vector<16xi32>
          %add3A_954 = arith.addi %mul3A_394, %add3A_953 : vector<16xi32>
          %gather3A_955 = tpu.vector_load_idx %arg12[%add3A_388, %add3A_954] : memref<384x128xf32, #tpu.memory_space<vmem>>[vector<16xi32>, vector<16xi32>], vector<16xf32>,
          %bitcast3A_956 = vector.bitcast %gather3A_955 : vector<16xf32> to vector<16xi32>
          %and3A_957 = arith.constant -65536 : i32
          %and3A_958 = vector.broadcast %and3A_957 : i32 to vector<16xi32>
          %and3A_959 = arith.andi %bitcast3A_956, %and3A_958 : vector<16xi32>
          %shift_left3A_960 = arith.constant 16 : i32
          %shift_left3A_961 = vector.broadcast %shift_left3A_960 : i32 to vector<16xi32>
          %shift_left3A_962 = arith.shli %bitcast3A_956, %shift_left3A_961 : vector<16xi32>
          %select_n3A_963 = arith.select %eq3A_400, %and3A_959, %shift_left3A_962 : vector<16xi1>, vector<16xi32>
          %bitcast3A_964 = vector.bitcast %select_n3A_963 : vector<16xi32> to vector<16xf32>
          %mul3A_965 = arith.mulf %bitcast3A_938, %bitcast3A_964 : vector<16xf32>
          %add3A_966 = arith.addf %add3A_866, %mul3A_965 : vector<16xf32>
          %add3A_967 = vector.broadcast %add3A_926 : i32 to vector<16xi32>
          %add3A_968 = arith.addi %mul3A_418, %add3A_967 : vector<16xi32>
          %gather3A_969 = tpu.vector_load_idx %arg12[%add3A_412, %add3A_968] : memref<384x128xf32, #tpu.memory_space<vmem>>[vector<16xi32>, vector<16xi32>], vector<16xf32>,
          %bitcast3A_970 = vector.bitcast %gather3A_969 : vector<16xf32> to vector<16xi32>
          %and3A_971 = arith.constant -65536 : i32
          %and3A_972 = vector.broadcast %and3A_971 : i32 to vector<16xi32>
          %and3A_973 = arith.andi %bitcast3A_970, %and3A_972 : vector<16xi32>
          %shift_left3A_974 = arith.constant 16 : i32
          %shift_left3A_975 = vector.broadcast %shift_left3A_974 : i32 to vector<16xi32>
          %shift_left3A_976 = arith.shli %bitcast3A_970, %shift_left3A_975 : vector<16xi32>
          %select_n3A_977 = arith.select %eq3A_424, %and3A_973, %shift_left3A_976 : vector<16xi1>, vector<16xi32>
          %bitcast3A_978 = vector.bitcast %select_n3A_977 : vector<16xi32> to vector<16xf32>
          %mul3A_979 = arith.mulf %bitcast3A_938, %bitcast3A_978 : vector<16xf32>
          %add3A_980 = arith.addf %add3A_880, %mul3A_979 : vector<16xf32>
          %add3A_981 = vector.broadcast %add3A_926 : i32 to vector<16xi32>
          %add3A_982 = arith.addi %mul3A_442, %add3A_981 : vector<16xi32>
          %gather3A_983 = tpu.vector_load_idx %arg12[%add3A_436, %add3A_982] : memref<384x128xf32, #tpu.memory_space<vmem>>[vector<16xi32>, vector<16xi32>], vector<16xf32>,
          %bitcast3A_984 = vector.bitcast %gather3A_983 : vector<16xf32> to vector<16xi32>
          %and3A_985 = arith.constant -65536 : i32
          %and3A_986 = vector.broadcast %and3A_985 : i32 to vector<16xi32>
          %and3A_987 = arith.andi %bitcast3A_984, %and3A_986 : vector<16xi32>
          %shift_left3A_988 = arith.constant 16 : i32
          %shift_left3A_989 = vector.broadcast %shift_left3A_988 : i32 to vector<16xi32>
          %shift_left3A_990 = arith.shli %bitcast3A_984, %shift_left3A_989 : vector<16xi32>
          %select_n3A_991 = arith.select %eq3A_448, %and3A_987, %shift_left3A_990 : vector<16xi1>, vector<16xi32>
          %bitcast3A_992 = vector.bitcast %select_n3A_991 : vector<16xi32> to vector<16xf32>
          %mul3A_993 = arith.mulf %bitcast3A_938, %bitcast3A_992 : vector<16xf32>
          %add3A_994 = arith.addf %add3A_894, %mul3A_993 : vector<16xf32>
          %add3A_995 = vector.broadcast %add3A_926 : i32 to vector<16xi32>
          %add3A_996 = arith.addi %mul3A_466, %add3A_995 : vector<16xi32>
          %gather3A_997 = tpu.vector_load_idx %arg12[%add3A_460, %add3A_996] : memref<384x128xf32, #tpu.memory_space<vmem>>[vector<16xi32>, vector<16xi32>], vector<16xf32>,
          %bitcast3A_998 = vector.bitcast %gather3A_997 : vector<16xf32> to vector<16xi32>
          %and3A_999 = arith.constant -65536 : i32
          %and3A_1000 = vector.broadcast %and3A_999 : i32 to vector<16xi32>
          %and3A_1001 = arith.andi %bitcast3A_998, %and3A_1000 : vector<16xi32>
          %shift_left3A_1002 = arith.constant 16 : i32
          %shift_left3A_1003 = vector.broadcast %shift_left3A_1002 : i32 to vector<16xi32>
          %shift_left3A_1004 = arith.shli %bitcast3A_998, %shift_left3A_1003 : vector<16xi32>
          %select_n3A_1005 = arith.select %eq3A_472, %and3A_1001, %shift_left3A_1004 : vector<16xi1>, vector<16xi32>
          %bitcast3A_1006 = vector.bitcast %select_n3A_1005 : vector<16xi32> to vector<16xf32>
          %mul3A_1007 = arith.mulf %bitcast3A_938, %bitcast3A_1006 : vector<16xf32>
          %add3A_1008 = arith.addf %add3A_908, %mul3A_1007 : vector<16xf32>
          %add3A_1009 = vector.broadcast %add3A_926 : i32 to vector<16xi32>
          %add3A_1010 = arith.addi %mul3A_490, %add3A_1009 : vector<16xi32>
          %gather3A_1011 = tpu.vector_load_idx %arg12[%add3A_484, %add3A_1010] : memref<384x128xf32, #tpu.memory_space<vmem>>[vector<16xi32>, vector<16xi32>], vector<16xf32>,
          %bitcast3A_1012 = vector.bitcast %gather3A_1011 : vector<16xf32> to vector<16xi32>
          %and3A_1013 = arith.constant -65536 : i32
          %and3A_1014 = vector.broadcast %and3A_1013 : i32 to vector<16xi32>
          %and3A_1015 = arith.andi %bitcast3A_1012, %and3A_1014 : vector<16xi32>
          %shift_left3A_1016 = arith.constant 16 : i32
          %shift_left3A_1017 = vector.broadcast %shift_left3A_1016 : i32 to vector<16xi32>
          %shift_left3A_1018 = arith.shli %bitcast3A_1012, %shift_left3A_1017 : vector<16xi32>
          %select_n3A_1019 = arith.select %eq3A_496, %and3A_1015, %shift_left3A_1018 : vector<16xi1>, vector<16xi32>
          %bitcast3A_1020 = vector.bitcast %select_n3A_1019 : vector<16xi32> to vector<16xf32>
          %mul3A_1021 = arith.mulf %bitcast3A_938, %bitcast3A_1020 : vector<16xf32>
          %add3A_1022 = arith.addf %add3A_922, %mul3A_1021 : vector<16xf32>
          %mul3A_1023 = arith.constant 4 : i32
          %mul3A_1024 = arith.muli %scan3A_820, %mul3A_1023 : i32
          %add3A_1025 = arith.constant 2 : i32
          %add3A_1026 = arith.addi %mul3A_1024, %add3A_1025 : i32
          %add3A_1027 = vector.broadcast %add3A_1026 : i32 to vector<16xi32>
          %add3A_1028 = arith.addi %mul3A_348, %add3A_1027 : vector<16xi32>
          %gather3A_1029 = tpu.vector_load_idx %arg10[%add3A_335, %add3A_1028] : memref<64x128xf32, #tpu.memory_space<vmem>>[vector<16xi32>, vector<16xi32>], vector<16xf32>,
          %bitcast3A_1030 = vector.bitcast %gather3A_1029 : vector<16xf32> to vector<16xi32>
          %and3A_1031 = arith.constant -65536 : i32
          %and3A_1032 = vector.broadcast %and3A_1031 : i32 to vector<16xi32>
          %and3A_1033 = arith.andi %bitcast3A_1030, %and3A_1032 : vector<16xi32>
          %shift_left3A_1034 = arith.constant 16 : i32
          %shift_left3A_1035 = vector.broadcast %shift_left3A_1034 : i32 to vector<16xi32>
          %shift_left3A_1036 = arith.shli %bitcast3A_1030, %shift_left3A_1035 : vector<16xi32>
          %select_n3A_1037 = arith.select %eq3A_352, %and3A_1033, %shift_left3A_1036 : vector<16xi1>, vector<16xi32>
          %bitcast3A_1038 = vector.bitcast %select_n3A_1037 : vector<16xi32> to vector<16xf32>
          %add3A_1039 = vector.broadcast %add3A_1026 : i32 to vector<16xi32>
          %add3A_1040 = arith.addi %mul3A_370, %add3A_1039 : vector<16xi32>
          %gather3A_1041 = tpu.vector_load_idx %arg12[%add3A_364, %add3A_1040] : memref<384x128xf32, #tpu.memory_space<vmem>>[vector<16xi32>, vector<16xi32>], vector<16xf32>,
          %bitcast3A_1042 = vector.bitcast %gather3A_1041 : vector<16xf32> to vector<16xi32>
          %and3A_1043 = arith.constant -65536 : i32
          %and3A_1044 = vector.broadcast %and3A_1043 : i32 to vector<16xi32>
          %and3A_1045 = arith.andi %bitcast3A_1042, %and3A_1044 : vector<16xi32>
          %shift_left3A_1046 = arith.constant 16 : i32
          %shift_left3A_1047 = vector.broadcast %shift_left3A_1046 : i32 to vector<16xi32>
          %shift_left3A_1048 = arith.shli %bitcast3A_1042, %shift_left3A_1047 : vector<16xi32>
          %select_n3A_1049 = arith.select %eq3A_376, %and3A_1045, %shift_left3A_1048 : vector<16xi1>, vector<16xi32>
          %bitcast3A_1050 = vector.bitcast %select_n3A_1049 : vector<16xi32> to vector<16xf32>
          %mul3A_1051 = arith.mulf %bitcast3A_1038, %bitcast3A_1050 : vector<16xf32>
          %add3A_1052 = arith.addf %add3A_952, %mul3A_1051 : vector<16xf32>
          %add3A_1053 = vector.broadcast %add3A_1026 : i32 to vector<16xi32>
          %add3A_1054 = arith.addi %mul3A_394, %add3A_1053 : vector<16xi32>
          %gather3A_1055 = tpu.vector_load_idx %arg12[%add3A_388, %add3A_1054] : memref<384x128xf32, #tpu.memory_space<vmem>>[vector<16xi32>, vector<16xi32>], vector<16xf32>,
          %bitcast3A_1056 = vector.bitcast %gather3A_1055 : vector<16xf32> to vector<16xi32>
          %and3A_1057 = arith.constant -65536 : i32
          %and3A_1058 = vector.broadcast %and3A_1057 : i32 to vector<16xi32>
          %and3A_1059 = arith.andi %bitcast3A_1056, %and3A_1058 : vector<16xi32>
          %shift_left3A_1060 = arith.constant 16 : i32
          %shift_left3A_1061 = vector.broadcast %shift_left3A_1060 : i32 to vector<16xi32>
          %shift_left3A_1062 = arith.shli %bitcast3A_1056, %shift_left3A_1061 : vector<16xi32>
          %select_n3A_1063 = arith.select %eq3A_400, %and3A_1059, %shift_left3A_1062 : vector<16xi1>, vector<16xi32>
          %bitcast3A_1064 = vector.bitcast %select_n3A_1063 : vector<16xi32> to vector<16xf32>
          %mul3A_1065 = arith.mulf %bitcast3A_1038, %bitcast3A_1064 : vector<16xf32>
          %add3A_1066 = arith.addf %add3A_966, %mul3A_1065 : vector<16xf32>
          %add3A_1067 = vector.broadcast %add3A_1026 : i32 to vector<16xi32>
          %add3A_1068 = arith.addi %mul3A_418, %add3A_1067 : vector<16xi32>
          %gather3A_1069 = tpu.vector_load_idx %arg12[%add3A_412, %add3A_1068] : memref<384x128xf32, #tpu.memory_space<vmem>>[vector<16xi32>, vector<16xi32>], vector<16xf32>,
          %bitcast3A_1070 = vector.bitcast %gather3A_1069 : vector<16xf32> to vector<16xi32>
          %and3A_1071 = arith.constant -65536 : i32
          %and3A_1072 = vector.broadcast %and3A_1071 : i32 to vector<16xi32>
          %and3A_1073 = arith.andi %bitcast3A_1070, %and3A_1072 : vector<16xi32>
          %shift_left3A_1074 = arith.constant 16 : i32
          %shift_left3A_1075 = vector.broadcast %shift_left3A_1074 : i32 to vector<16xi32>
          %shift_left3A_1076 = arith.shli %bitcast3A_1070, %shift_left3A_1075 : vector<16xi32>
          %select_n3A_1077 = arith.select %eq3A_424, %and3A_1073, %shift_left3A_1076 : vector<16xi1>, vector<16xi32>
          %bitcast3A_1078 = vector.bitcast %select_n3A_1077 : vector<16xi32> to vector<16xf32>
          %mul3A_1079 = arith.mulf %bitcast3A_1038, %bitcast3A_1078 : vector<16xf32>
          %add3A_1080 = arith.addf %add3A_980, %mul3A_1079 : vector<16xf32>
          %add3A_1081 = vector.broadcast %add3A_1026 : i32 to vector<16xi32>
          %add3A_1082 = arith.addi %mul3A_442, %add3A_1081 : vector<16xi32>
          %gather3A_1083 = tpu.vector_load_idx %arg12[%add3A_436, %add3A_1082] : memref<384x128xf32, #tpu.memory_space<vmem>>[vector<16xi32>, vector<16xi32>], vector<16xf32>,
          %bitcast3A_1084 = vector.bitcast %gather3A_1083 : vector<16xf32> to vector<16xi32>
          %and3A_1085 = arith.constant -65536 : i32
          %and3A_1086 = vector.broadcast %and3A_1085 : i32 to vector<16xi32>
          %and3A_1087 = arith.andi %bitcast3A_1084, %and3A_1086 : vector<16xi32>
          %shift_left3A_1088 = arith.constant 16 : i32
          %shift_left3A_1089 = vector.broadcast %shift_left3A_1088 : i32 to vector<16xi32>
          %shift_left3A_1090 = arith.shli %bitcast3A_1084, %shift_left3A_1089 : vector<16xi32>
          %select_n3A_1091 = arith.select %eq3A_448, %and3A_1087, %shift_left3A_1090 : vector<16xi1>, vector<16xi32>
          %bitcast3A_1092 = vector.bitcast %select_n3A_1091 : vector<16xi32> to vector<16xf32>
          %mul3A_1093 = arith.mulf %bitcast3A_1038, %bitcast3A_1092 : vector<16xf32>
          %add3A_1094 = arith.addf %add3A_994, %mul3A_1093 : vector<16xf32>
          %add3A_1095 = vector.broadcast %add3A_1026 : i32 to vector<16xi32>
          %add3A_1096 = arith.addi %mul3A_466, %add3A_1095 : vector<16xi32>
          %gather3A_1097 = tpu.vector_load_idx %arg12[%add3A_460, %add3A_1096] : memref<384x128xf32, #tpu.memory_space<vmem>>[vector<16xi32>, vector<16xi32>], vector<16xf32>,
          %bitcast3A_1098 = vector.bitcast %gather3A_1097 : vector<16xf32> to vector<16xi32>
          %and3A_1099 = arith.constant -65536 : i32
          %and3A_1100 = vector.broadcast %and3A_1099 : i32 to vector<16xi32>
          %and3A_1101 = arith.andi %bitcast3A_1098, %and3A_1100 : vector<16xi32>
          %shift_left3A_1102 = arith.constant 16 : i32
          %shift_left3A_1103 = vector.broadcast %shift_left3A_1102 : i32 to vector<16xi32>
          %shift_left3A_1104 = arith.shli %bitcast3A_1098, %shift_left3A_1103 : vector<16xi32>
          %select_n3A_1105 = arith.select %eq3A_472, %and3A_1101, %shift_left3A_1104 : vector<16xi1>, vector<16xi32>
          %bitcast3A_1106 = vector.bitcast %select_n3A_1105 : vector<16xi32> to vector<16xf32>
          %mul3A_1107 = arith.mulf %bitcast3A_1038, %bitcast3A_1106 : vector<16xf32>
          %add3A_1108 = arith.addf %add3A_1008, %mul3A_1107 : vector<16xf32>
          %add3A_1109 = vector.broadcast %add3A_1026 : i32 to vector<16xi32>
          %add3A_1110 = arith.addi %mul3A_490, %add3A_1109 : vector<16xi32>
          %gather3A_1111 = tpu.vector_load_idx %arg12[%add3A_484, %add3A_1110] : memref<384x128xf32, #tpu.memory_space<vmem>>[vector<16xi32>, vector<16xi32>], vector<16xf32>,
          %bitcast3A_1112 = vector.bitcast %gather3A_1111 : vector<16xf32> to vector<16xi32>
          %and3A_1113 = arith.constant -65536 : i32
          %and3A_1114 = vector.broadcast %and3A_1113 : i32 to vector<16xi32>
          %and3A_1115 = arith.andi %bitcast3A_1112, %and3A_1114 : vector<16xi32>
          %shift_left3A_1116 = arith.constant 16 : i32
          %shift_left3A_1117 = vector.broadcast %shift_left3A_1116 : i32 to vector<16xi32>
          %shift_left3A_1118 = arith.shli %bitcast3A_1112, %shift_left3A_1117 : vector<16xi32>
          %select_n3A_1119 = arith.select %eq3A_496, %and3A_1115, %shift_left3A_1118 : vector<16xi1>, vector<16xi32>
          %bitcast3A_1120 = vector.bitcast %select_n3A_1119 : vector<16xi32> to vector<16xf32>
          %mul3A_1121 = arith.mulf %bitcast3A_1038, %bitcast3A_1120 : vector<16xf32>
          %add3A_1122 = arith.addf %add3A_1022, %mul3A_1121 : vector<16xf32>
          %mul3A_1123 = arith.constant 4 : i32
          %mul3A_1124 = arith.muli %scan3A_820, %mul3A_1123 : i32
          %add3A_1125 = arith.constant 3 : i32
          %add3A_1126 = arith.addi %mul3A_1124, %add3A_1125 : i32
          %add3A_1127 = vector.broadcast %add3A_1126 : i32 to vector<16xi32>
          %add3A_1128 = arith.addi %mul3A_348, %add3A_1127 : vector<16xi32>
          %gather3A_1129 = tpu.vector_load_idx %arg10[%add3A_335, %add3A_1128] : memref<64x128xf32, #tpu.memory_space<vmem>>[vector<16xi32>, vector<16xi32>], vector<16xf32>,
          %bitcast3A_1130 = vector.bitcast %gather3A_1129 : vector<16xf32> to vector<16xi32>
          %and3A_1131 = arith.constant -65536 : i32
          %and3A_1132 = vector.broadcast %and3A_1131 : i32 to vector<16xi32>
          %and3A_1133 = arith.andi %bitcast3A_1130, %and3A_1132 : vector<16xi32>
          %shift_left3A_1134 = arith.constant 16 : i32
          %shift_left3A_1135 = vector.broadcast %shift_left3A_1134 : i32 to vector<16xi32>
          %shift_left3A_1136 = arith.shli %bitcast3A_1130, %shift_left3A_1135 : vector<16xi32>
          %select_n3A_1137 = arith.select %eq3A_352, %and3A_1133, %shift_left3A_1136 : vector<16xi1>, vector<16xi32>
          %bitcast3A_1138 = vector.bitcast %select_n3A_1137 : vector<16xi32> to vector<16xf32>
          %add3A_1139 = vector.broadcast %add3A_1126 : i32 to vector<16xi32>
          %add3A_1140 = arith.addi %mul3A_370, %add3A_1139 : vector<16xi32>
          %gather3A_1141 = tpu.vector_load_idx %arg12[%add3A_364, %add3A_1140] : memref<384x128xf32, #tpu.memory_space<vmem>>[vector<16xi32>, vector<16xi32>], vector<16xf32>,
          %bitcast3A_1142 = vector.bitcast %gather3A_1141 : vector<16xf32> to vector<16xi32>
          %and3A_1143 = arith.constant -65536 : i32
          %and3A_1144 = vector.broadcast %and3A_1143 : i32 to vector<16xi32>
          %and3A_1145 = arith.andi %bitcast3A_1142, %and3A_1144 : vector<16xi32>
          %shift_left3A_1146 = arith.constant 16 : i32
          %shift_left3A_1147 = vector.broadcast %shift_left3A_1146 : i32 to vector<16xi32>
          %shift_left3A_1148 = arith.shli %bitcast3A_1142, %shift_left3A_1147 : vector<16xi32>
          %select_n3A_1149 = arith.select %eq3A_376, %and3A_1145, %shift_left3A_1148 : vector<16xi1>, vector<16xi32>
          %bitcast3A_1150 = vector.bitcast %select_n3A_1149 : vector<16xi32> to vector<16xf32>
          %mul3A_1151 = arith.mulf %bitcast3A_1138, %bitcast3A_1150 : vector<16xf32>
          %add3A_1152 = arith.addf %add3A_1052, %mul3A_1151 : vector<16xf32>
          %add3A_1153 = vector.broadcast %add3A_1126 : i32 to vector<16xi32>
          %add3A_1154 = arith.addi %mul3A_394, %add3A_1153 : vector<16xi32>
          %gather3A_1155 = tpu.vector_load_idx %arg12[%add3A_388, %add3A_1154] : memref<384x128xf32, #tpu.memory_space<vmem>>[vector<16xi32>, vector<16xi32>], vector<16xf32>,
          %bitcast3A_1156 = vector.bitcast %gather3A_1155 : vector<16xf32> to vector<16xi32>
          %and3A_1157 = arith.constant -65536 : i32
          %and3A_1158 = vector.broadcast %and3A_1157 : i32 to vector<16xi32>
          %and3A_1159 = arith.andi %bitcast3A_1156, %and3A_1158 : vector<16xi32>
          %shift_left3A_1160 = arith.constant 16 : i32
          %shift_left3A_1161 = vector.broadcast %shift_left3A_1160 : i32 to vector<16xi32>
          %shift_left3A_1162 = arith.shli %bitcast3A_1156, %shift_left3A_1161 : vector<16xi32>
          %select_n3A_1163 = arith.select %eq3A_400, %and3A_1159, %shift_left3A_1162 : vector<16xi1>, vector<16xi32>
          %bitcast3A_1164 = vector.bitcast %select_n3A_1163 : vector<16xi32> to vector<16xf32>
          %mul3A_1165 = arith.mulf %bitcast3A_1138, %bitcast3A_1164 : vector<16xf32>
          %add3A_1166 = arith.addf %add3A_1066, %mul3A_1165 : vector<16xf32>
          %add3A_1167 = vector.broadcast %add3A_1126 : i32 to vector<16xi32>
          %add3A_1168 = arith.addi %mul3A_418, %add3A_1167 : vector<16xi32>
          %gather3A_1169 = tpu.vector_load_idx %arg12[%add3A_412, %add3A_1168] : memref<384x128xf32, #tpu.memory_space<vmem>>[vector<16xi32>, vector<16xi32>], vector<16xf32>,
          %bitcast3A_1170 = vector.bitcast %gather3A_1169 : vector<16xf32> to vector<16xi32>
          %and3A_1171 = arith.constant -65536 : i32
          %and3A_1172 = vector.broadcast %and3A_1171 : i32 to vector<16xi32>
          %and3A_1173 = arith.andi %bitcast3A_1170, %and3A_1172 : vector<16xi32>
          %shift_left3A_1174 = arith.constant 16 : i32
          %shift_left3A_1175 = vector.broadcast %shift_left3A_1174 : i32 to vector<16xi32>
          %shift_left3A_1176 = arith.shli %bitcast3A_1170, %shift_left3A_1175 : vector<16xi32>
          %select_n3A_1177 = arith.select %eq3A_424, %and3A_1173, %shift_left3A_1176 : vector<16xi1>, vector<16xi32>
          %bitcast3A_1178 = vector.bitcast %select_n3A_1177 : vector<16xi32> to vector<16xf32>
          %mul3A_1179 = arith.mulf %bitcast3A_1138, %bitcast3A_1178 : vector<16xf32>
          %add3A_1180 = arith.addf %add3A_1080, %mul3A_1179 : vector<16xf32>
          %add3A_1181 = vector.broadcast %add3A_1126 : i32 to vector<16xi32>
          %add3A_1182 = arith.addi %mul3A_442, %add3A_1181 : vector<16xi32>
          %gather3A_1183 = tpu.vector_load_idx %arg12[%add3A_436, %add3A_1182] : memref<384x128xf32, #tpu.memory_space<vmem>>[vector<16xi32>, vector<16xi32>], vector<16xf32>,
          %bitcast3A_1184 = vector.bitcast %gather3A_1183 : vector<16xf32> to vector<16xi32>
          %and3A_1185 = arith.constant -65536 : i32
          %and3A_1186 = vector.broadcast %and3A_1185 : i32 to vector<16xi32>
          %and3A_1187 = arith.andi %bitcast3A_1184, %and3A_1186 : vector<16xi32>
          %shift_left3A_1188 = arith.constant 16 : i32
          %shift_left3A_1189 = vector.broadcast %shift_left3A_1188 : i32 to vector<16xi32>
          %shift_left3A_1190 = arith.shli %bitcast3A_1184, %shift_left3A_1189 : vector<16xi32>
          %select_n3A_1191 = arith.select %eq3A_448, %and3A_1187, %shift_left3A_1190 : vector<16xi1>, vector<16xi32>
          %bitcast3A_1192 = vector.bitcast %select_n3A_1191 : vector<16xi32> to vector<16xf32>
          %mul3A_1193 = arith.mulf %bitcast3A_1138, %bitcast3A_1192 : vector<16xf32>
          %add3A_1194 = arith.addf %add3A_1094, %mul3A_1193 : vector<16xf32>
          %add3A_1195 = vector.broadcast %add3A_1126 : i32 to vector<16xi32>
          %add3A_1196 = arith.addi %mul3A_466, %add3A_1195 : vector<16xi32>
          %gather3A_1197 = tpu.vector_load_idx %arg12[%add3A_460, %add3A_1196] : memref<384x128xf32, #tpu.memory_space<vmem>>[vector<16xi32>, vector<16xi32>], vector<16xf32>,
          %bitcast3A_1198 = vector.bitcast %gather3A_1197 : vector<16xf32> to vector<16xi32>
          %and3A_1199 = arith.constant -65536 : i32
          %and3A_1200 = vector.broadcast %and3A_1199 : i32 to vector<16xi32>
          %and3A_1201 = arith.andi %bitcast3A_1198, %and3A_1200 : vector<16xi32>
          %shift_left3A_1202 = arith.constant 16 : i32
          %shift_left3A_1203 = vector.broadcast %shift_left3A_1202 : i32 to vector<16xi32>
          %shift_left3A_1204 = arith.shli %bitcast3A_1198, %shift_left3A_1203 : vector<16xi32>
          %select_n3A_1205 = arith.select %eq3A_472, %and3A_1201, %shift_left3A_1204 : vector<16xi1>, vector<16xi32>
          %bitcast3A_1206 = vector.bitcast %select_n3A_1205 : vector<16xi32> to vector<16xf32>
          %mul3A_1207 = arith.mulf %bitcast3A_1138, %bitcast3A_1206 : vector<16xf32>
          %add3A_1208 = arith.addf %add3A_1108, %mul3A_1207 : vector<16xf32>
          %add3A_1209 = vector.broadcast %add3A_1126 : i32 to vector<16xi32>
          %add3A_1210 = arith.addi %mul3A_490, %add3A_1209 : vector<16xi32>
          %gather3A_1211 = tpu.vector_load_idx %arg12[%add3A_484, %add3A_1210] : memref<384x128xf32, #tpu.memory_space<vmem>>[vector<16xi32>, vector<16xi32>], vector<16xf32>,
          %bitcast3A_1212 = vector.bitcast %gather3A_1211 : vector<16xf32> to vector<16xi32>
          %and3A_1213 = arith.constant -65536 : i32
          %and3A_1214 = vector.broadcast %and3A_1213 : i32 to vector<16xi32>
          %and3A_1215 = arith.andi %bitcast3A_1212, %and3A_1214 : vector<16xi32>
          %shift_left3A_1216 = arith.constant 16 : i32
          %shift_left3A_1217 = vector.broadcast %shift_left3A_1216 : i32 to vector<16xi32>
          %shift_left3A_1218 = arith.shli %bitcast3A_1212, %shift_left3A_1217 : vector<16xi32>
          %select_n3A_1219 = arith.select %eq3A_496, %and3A_1215, %shift_left3A_1218 : vector<16xi1>, vector<16xi32>
          %bitcast3A_1220 = vector.bitcast %select_n3A_1219 : vector<16xi32> to vector<16xf32>
          %mul3A_1221 = arith.mulf %bitcast3A_1138, %bitcast3A_1220 : vector<16xf32>
          %add3A_1222 = arith.addf %add3A_1122, %mul3A_1221 : vector<16xf32>
          scf.yield %add3A_1152, %add3A_1166, %add3A_1180, %add3A_1194, %add3A_1208, %add3A_1222 : vector<16xf32>, vector<16xf32>, vector<16xf32>, vector<16xf32>, vector<16xf32>, vector<16xf32>
        }
        %scan3A_513 = arith.constant 16 : i32
        %neg3A = arith.constant 0.000000e+00 : f32
        %neg3A_514 = vector.broadcast %neg3A : f32 to vector<16xf32>
        %neg3A_515 = arith.subf %neg3A_514, %scan3A_512#0 : vector<16xf32>
        %min3A = arith.constant 0.000000e+00 : f32
        %min3A_516 = vector.broadcast %min3A : f32 to vector<16xf32>
        %min3A_517 = arith.minimumf %neg3A_515, %min3A_516 : vector<16xf32>
        %abs3A = math.absf %neg3A_515 : vector<16xf32>
        %neg3A_518 = arith.constant 0.000000e+00 : f32
        %neg3A_519 = vector.broadcast %neg3A_518 : f32 to vector<16xf32>
        %neg3A_520 = arith.subf %neg3A_519, %abs3A : vector<16xf32>
        %exp3A = math.exp %neg3A_520 : vector<16xf32>
        %add3A_521 = arith.constant 2.000000e+00 : f32
        %add3A_522 = vector.broadcast %add3A_521 : f32 to vector<16xf32>
        %add3A_523 = arith.addf %exp3A, %add3A_522 : vector<16xf32>
        %div3A = arith.divf %exp3A, %add3A_523 : vector<16xf32>
        %mul3A_524 = arith.mulf %div3A, %div3A : vector<16xf32>
        %mul3A_525 = arith.constant 0.0909090936 : f32
        %mul3A_526 = vector.broadcast %mul3A_525 : f32 to vector<16xf32>
        %mul3A_527 = arith.mulf %mul3A_524, %mul3A_526 : vector<16xf32>
        %add3A_528 = arith.constant 0.111111112 : f32
        %add3A_529 = vector.broadcast %add3A_528 : f32 to vector<16xf32>
        %add3A_530 = arith.addf %add3A_529, %mul3A_527 : vector<16xf32>
        %mul3A_531 = arith.mulf %mul3A_524, %add3A_530 : vector<16xf32>
        %add3A_532 = arith.constant 0.142857149 : f32
        %add3A_533 = vector.broadcast %add3A_532 : f32 to vector<16xf32>
        %add3A_534 = arith.addf %add3A_533, %mul3A_531 : vector<16xf32>
        %mul3A_535 = arith.mulf %mul3A_524, %add3A_534 : vector<16xf32>
        %add3A_536 = arith.constant 2.000000e-01 : f32
        %add3A_537 = vector.broadcast %add3A_536 : f32 to vector<16xf32>
        %add3A_538 = arith.addf %add3A_537, %mul3A_535 : vector<16xf32>
        %mul3A_539 = arith.mulf %mul3A_524, %add3A_538 : vector<16xf32>
        %add3A_540 = arith.constant 0.333333343 : f32
        %add3A_541 = vector.broadcast %add3A_540 : f32 to vector<16xf32>
        %add3A_542 = arith.addf %add3A_541, %mul3A_539 : vector<16xf32>
        %mul3A_543 = arith.mulf %mul3A_524, %add3A_542 : vector<16xf32>
        %add3A_544 = arith.constant 1.000000e+00 : f32
        %add3A_545 = vector.broadcast %add3A_544 : f32 to vector<16xf32>
        %add3A_546 = arith.addf %add3A_545, %mul3A_543 : vector<16xf32>
        %mul3A_547 = arith.constant 2.000000e+00 : f32
        %mul3A_548 = vector.broadcast %mul3A_547 : f32 to vector<16xf32>
        %mul3A_549 = arith.mulf %mul3A_548, %div3A : vector<16xf32>
        %mul3A_550 = arith.mulf %mul3A_549, %add3A_546 : vector<16xf32>
        %sub3A = arith.subf %min3A_517, %mul3A_550 : vector<16xf32>
        %mul3A_551 = arith.constant 64 : i32
        %mul3A_552 = arith.muli %add3A_314, %mul3A_551 : i32
        %mul3A_553 = arith.constant 16 : i32
        %mul3A_554 = arith.muli %scan3A_330, %mul3A_553 : i32
        %add3A_555 = arith.addi %mul3A_552, %mul3A_554 : i32
        %swap3A = arith.constant 0 : i32
        %swap3A_556 = arith.index_cast %swap3A : i32 to index
        %swap3A_557 = arith.index_cast %add3A_555 : i32 to index
        %swap3A_558 = tpu.vector_load %arg13[%swap3A_556, %swap3A_557] {strides = array<i32>} : memref<6x512xf32, #tpu.memory_space<vmem>>, vector<16xf32>,
        tpu.vector_store %arg13[%swap3A_556, %swap3A_557], %sub3A {strides = array<i32>} : memref<6x512xf32, #tpu.memory_space<vmem>>, vector<16xf32>,
        %neg3A_559 = arith.constant 0.000000e+00 : f32
        %neg3A_560 = vector.broadcast %neg3A_559 : f32 to vector<16xf32>
        %neg3A_561 = arith.subf %neg3A_560, %scan3A_512#1 : vector<16xf32>
        %min3A_562 = arith.constant 0.000000e+00 : f32
        %min3A_563 = vector.broadcast %min3A_562 : f32 to vector<16xf32>
        %min3A_564 = arith.minimumf %neg3A_561, %min3A_563 : vector<16xf32>
        %abs3A_565 = math.absf %neg3A_561 : vector<16xf32>
        %neg3A_566 = arith.constant 0.000000e+00 : f32
        %neg3A_567 = vector.broadcast %neg3A_566 : f32 to vector<16xf32>
        %neg3A_568 = arith.subf %neg3A_567, %abs3A_565 : vector<16xf32>
        %exp3A_569 = math.exp %neg3A_568 : vector<16xf32>
        %add3A_570 = arith.constant 2.000000e+00 : f32
        %add3A_571 = vector.broadcast %add3A_570 : f32 to vector<16xf32>
        %add3A_572 = arith.addf %exp3A_569, %add3A_571 : vector<16xf32>
        %div3A_573 = arith.divf %exp3A_569, %add3A_572 : vector<16xf32>
        %mul3A_574 = arith.mulf %div3A_573, %div3A_573 : vector<16xf32>
        %mul3A_575 = arith.constant 0.0909090936 : f32
        %mul3A_576 = vector.broadcast %mul3A_575 : f32 to vector<16xf32>
        %mul3A_577 = arith.mulf %mul3A_574, %mul3A_576 : vector<16xf32>
        %add3A_578 = arith.constant 0.111111112 : f32
        %add3A_579 = vector.broadcast %add3A_578 : f32 to vector<16xf32>
        %add3A_580 = arith.addf %add3A_579, %mul3A_577 : vector<16xf32>
        %mul3A_581 = arith.mulf %mul3A_574, %add3A_580 : vector<16xf32>
        %add3A_582 = arith.constant 0.142857149 : f32
        %add3A_583 = vector.broadcast %add3A_582 : f32 to vector<16xf32>
        %add3A_584 = arith.addf %add3A_583, %mul3A_581 : vector<16xf32>
        %mul3A_585 = arith.mulf %mul3A_574, %add3A_584 : vector<16xf32>
        %add3A_586 = arith.constant 2.000000e-01 : f32
        %add3A_587 = vector.broadcast %add3A_586 : f32 to vector<16xf32>
        %add3A_588 = arith.addf %add3A_587, %mul3A_585 : vector<16xf32>
        %mul3A_589 = arith.mulf %mul3A_574, %add3A_588 : vector<16xf32>
        %add3A_590 = arith.constant 0.333333343 : f32
        %add3A_591 = vector.broadcast %add3A_590 : f32 to vector<16xf32>
        %add3A_592 = arith.addf %add3A_591, %mul3A_589 : vector<16xf32>
        %mul3A_593 = arith.mulf %mul3A_574, %add3A_592 : vector<16xf32>
        %add3A_594 = arith.constant 1.000000e+00 : f32
        %add3A_595 = vector.broadcast %add3A_594 : f32 to vector<16xf32>
        %add3A_596 = arith.addf %add3A_595, %mul3A_593 : vector<16xf32>
        %mul3A_597 = arith.constant 2.000000e+00 : f32
        %mul3A_598 = vector.broadcast %mul3A_597 : f32 to vector<16xf32>
        %mul3A_599 = arith.mulf %mul3A_598, %div3A_573 : vector<16xf32>
        %mul3A_600 = arith.mulf %mul3A_599, %add3A_596 : vector<16xf32>
        %sub3A_601 = arith.subf %min3A_564, %mul3A_600 : vector<16xf32>
        %mul3A_602 = arith.constant 64 : i32
        %mul3A_603 = arith.muli %add3A_314, %mul3A_602 : i32
        %mul3A_604 = arith.constant 16 : i32
        %mul3A_605 = arith.muli %scan3A_330, %mul3A_604 : i32
        %add3A_606 = arith.addi %mul3A_603, %mul3A_605 : i32
        %swap3A_607 = arith.constant 1 : i32
        %swap3A_608 = arith.index_cast %swap3A_607 : i32 to index
        %swap3A_609 = arith.index_cast %add3A_606 : i32 to index
        %swap3A_610 = tpu.vector_load %arg13[%swap3A_608, %swap3A_609] {strides = array<i32>} : memref<6x512xf32, #tpu.memory_space<vmem>>, vector<16xf32>,
        tpu.vector_store %arg13[%swap3A_608, %swap3A_609], %sub3A_601 {strides = array<i32>} : memref<6x512xf32, #tpu.memory_space<vmem>>, vector<16xf32>,
        %neg3A_611 = arith.constant 0.000000e+00 : f32
        %neg3A_612 = vector.broadcast %neg3A_611 : f32 to vector<16xf32>
        %neg3A_613 = arith.subf %neg3A_612, %scan3A_512#2 : vector<16xf32>
        %min3A_614 = arith.constant 0.000000e+00 : f32
        %min3A_615 = vector.broadcast %min3A_614 : f32 to vector<16xf32>
        %min3A_616 = arith.minimumf %neg3A_613, %min3A_615 : vector<16xf32>
        %abs3A_617 = math.absf %neg3A_613 : vector<16xf32>
        %neg3A_618 = arith.constant 0.000000e+00 : f32
        %neg3A_619 = vector.broadcast %neg3A_618 : f32 to vector<16xf32>
        %neg3A_620 = arith.subf %neg3A_619, %abs3A_617 : vector<16xf32>
        %exp3A_621 = math.exp %neg3A_620 : vector<16xf32>
        %add3A_622 = arith.constant 2.000000e+00 : f32
        %add3A_623 = vector.broadcast %add3A_622 : f32 to vector<16xf32>
        %add3A_624 = arith.addf %exp3A_621, %add3A_623 : vector<16xf32>
        %div3A_625 = arith.divf %exp3A_621, %add3A_624 : vector<16xf32>
        %mul3A_626 = arith.mulf %div3A_625, %div3A_625 : vector<16xf32>
        %mul3A_627 = arith.constant 0.0909090936 : f32
        %mul3A_628 = vector.broadcast %mul3A_627 : f32 to vector<16xf32>
        %mul3A_629 = arith.mulf %mul3A_626, %mul3A_628 : vector<16xf32>
        %add3A_630 = arith.constant 0.111111112 : f32
        %add3A_631 = vector.broadcast %add3A_630 : f32 to vector<16xf32>
        %add3A_632 = arith.addf %add3A_631, %mul3A_629 : vector<16xf32>
        %mul3A_633 = arith.mulf %mul3A_626, %add3A_632 : vector<16xf32>
        %add3A_634 = arith.constant 0.142857149 : f32
        %add3A_635 = vector.broadcast %add3A_634 : f32 to vector<16xf32>
        %add3A_636 = arith.addf %add3A_635, %mul3A_633 : vector<16xf32>
        %mul3A_637 = arith.mulf %mul3A_626, %add3A_636 : vector<16xf32>
        %add3A_638 = arith.constant 2.000000e-01 : f32
        %add3A_639 = vector.broadcast %add3A_638 : f32 to vector<16xf32>
        %add3A_640 = arith.addf %add3A_639, %mul3A_637 : vector<16xf32>
        %mul3A_641 = arith.mulf %mul3A_626, %add3A_640 : vector<16xf32>
        %add3A_642 = arith.constant 0.333333343 : f32
        %add3A_643 = vector.broadcast %add3A_642 : f32 to vector<16xf32>
        %add3A_644 = arith.addf %add3A_643, %mul3A_641 : vector<16xf32>
        %mul3A_645 = arith.mulf %mul3A_626, %add3A_644 : vector<16xf32>
        %add3A_646 = arith.constant 1.000000e+00 : f32
        %add3A_647 = vector.broadcast %add3A_646 : f32 to vector<16xf32>
        %add3A_648 = arith.addf %add3A_647, %mul3A_645 : vector<16xf32>
        %mul3A_649 = arith.constant 2.000000e+00 : f32
        %mul3A_650 = vector.broadcast %mul3A_649 : f32 to vector<16xf32>
        %mul3A_651 = arith.mulf %mul3A_650, %div3A_625 : vector<16xf32>
        %mul3A_652 = arith.mulf %mul3A_651, %add3A_648 : vector<16xf32>
        %sub3A_653 = arith.subf %min3A_616, %mul3A_652 : vector<16xf32>
        %mul3A_654 = arith.constant 64 : i32
        %mul3A_655 = arith.muli %add3A_314, %mul3A_654 : i32
        %mul3A_656 = arith.constant 16 : i32
        %mul3A_657 = arith.muli %scan3A_330, %mul3A_656 : i32
        %add3A_658 = arith.addi %mul3A_655, %mul3A_657 : i32
        %swap3A_659 = arith.constant 2 : i32
        %swap3A_660 = arith.index_cast %swap3A_659 : i32 to index
        %swap3A_661 = arith.index_cast %add3A_658 : i32 to index
        %swap3A_662 = tpu.vector_load %arg13[%swap3A_660, %swap3A_661] {strides = array<i32>} : memref<6x512xf32, #tpu.memory_space<vmem>>, vector<16xf32>,
        tpu.vector_store %arg13[%swap3A_660, %swap3A_661], %sub3A_653 {strides = array<i32>} : memref<6x512xf32, #tpu.memory_space<vmem>>, vector<16xf32>,
        %neg3A_663 = arith.constant 0.000000e+00 : f32
        %neg3A_664 = vector.broadcast %neg3A_663 : f32 to vector<16xf32>
        %neg3A_665 = arith.subf %neg3A_664, %scan3A_512#3 : vector<16xf32>
        %min3A_666 = arith.constant 0.000000e+00 : f32
        %min3A_667 = vector.broadcast %min3A_666 : f32 to vector<16xf32>
        %min3A_668 = arith.minimumf %neg3A_665, %min3A_667 : vector<16xf32>
        %abs3A_669 = math.absf %neg3A_665 : vector<16xf32>
        %neg3A_670 = arith.constant 0.000000e+00 : f32
        %neg3A_671 = vector.broadcast %neg3A_670 : f32 to vector<16xf32>
        %neg3A_672 = arith.subf %neg3A_671, %abs3A_669 : vector<16xf32>
        %exp3A_673 = math.exp %neg3A_672 : vector<16xf32>
        %add3A_674 = arith.constant 2.000000e+00 : f32
        %add3A_675 = vector.broadcast %add3A_674 : f32 to vector<16xf32>
        %add3A_676 = arith.addf %exp3A_673, %add3A_675 : vector<16xf32>
        %div3A_677 = arith.divf %exp3A_673, %add3A_676 : vector<16xf32>
        %mul3A_678 = arith.mulf %div3A_677, %div3A_677 : vector<16xf32>
        %mul3A_679 = arith.constant 0.0909090936 : f32
        %mul3A_680 = vector.broadcast %mul3A_679 : f32 to vector<16xf32>
        %mul3A_681 = arith.mulf %mul3A_678, %mul3A_680 : vector<16xf32>
        %add3A_682 = arith.constant 0.111111112 : f32
        %add3A_683 = vector.broadcast %add3A_682 : f32 to vector<16xf32>
        %add3A_684 = arith.addf %add3A_683, %mul3A_681 : vector<16xf32>
        %mul3A_685 = arith.mulf %mul3A_678, %add3A_684 : vector<16xf32>
        %add3A_686 = arith.constant 0.142857149 : f32
        %add3A_687 = vector.broadcast %add3A_686 : f32 to vector<16xf32>
        %add3A_688 = arith.addf %add3A_687, %mul3A_685 : vector<16xf32>
        %mul3A_689 = arith.mulf %mul3A_678, %add3A_688 : vector<16xf32>
        %add3A_690 = arith.constant 2.000000e-01 : f32
        %add3A_691 = vector.broadcast %add3A_690 : f32 to vector<16xf32>
        %add3A_692 = arith.addf %add3A_691, %mul3A_689 : vector<16xf32>
        %mul3A_693 = arith.mulf %mul3A_678, %add3A_692 : vector<16xf32>
        %add3A_694 = arith.constant 0.333333343 : f32
        %add3A_695 = vector.broadcast %add3A_694 : f32 to vector<16xf32>
        %add3A_696 = arith.addf %add3A_695, %mul3A_693 : vector<16xf32>
        %mul3A_697 = arith.mulf %mul3A_678, %add3A_696 : vector<16xf32>
        %add3A_698 = arith.constant 1.000000e+00 : f32
        %add3A_699 = vector.broadcast %add3A_698 : f32 to vector<16xf32>
        %add3A_700 = arith.addf %add3A_699, %mul3A_697 : vector<16xf32>
        %mul3A_701 = arith.constant 2.000000e+00 : f32
        %mul3A_702 = vector.broadcast %mul3A_701 : f32 to vector<16xf32>
        %mul3A_703 = arith.mulf %mul3A_702, %div3A_677 : vector<16xf32>
        %mul3A_704 = arith.mulf %mul3A_703, %add3A_700 : vector<16xf32>
        %sub3A_705 = arith.subf %min3A_668, %mul3A_704 : vector<16xf32>
        %mul3A_706 = arith.constant 64 : i32
        %mul3A_707 = arith.muli %add3A_314, %mul3A_706 : i32
        %mul3A_708 = arith.constant 16 : i32
        %mul3A_709 = arith.muli %scan3A_330, %mul3A_708 : i32
        %add3A_710 = arith.addi %mul3A_707, %mul3A_709 : i32
        %swap3A_711 = arith.constant 3 : i32
        %swap3A_712 = arith.index_cast %swap3A_711 : i32 to index
        %swap3A_713 = arith.index_cast %add3A_710 : i32 to index
        %swap3A_714 = tpu.vector_load %arg13[%swap3A_712, %swap3A_713] {strides = array<i32>} : memref<6x512xf32, #tpu.memory_space<vmem>>, vector<16xf32>,
        tpu.vector_store %arg13[%swap3A_712, %swap3A_713], %sub3A_705 {strides = array<i32>} : memref<6x512xf32, #tpu.memory_space<vmem>>, vector<16xf32>,
        %neg3A_715 = arith.constant 0.000000e+00 : f32
        %neg3A_716 = vector.broadcast %neg3A_715 : f32 to vector<16xf32>
        %neg3A_717 = arith.subf %neg3A_716, %scan3A_512#4 : vector<16xf32>
        %min3A_718 = arith.constant 0.000000e+00 : f32
        %min3A_719 = vector.broadcast %min3A_718 : f32 to vector<16xf32>
        %min3A_720 = arith.minimumf %neg3A_717, %min3A_719 : vector<16xf32>
        %abs3A_721 = math.absf %neg3A_717 : vector<16xf32>
        %neg3A_722 = arith.constant 0.000000e+00 : f32
        %neg3A_723 = vector.broadcast %neg3A_722 : f32 to vector<16xf32>
        %neg3A_724 = arith.subf %neg3A_723, %abs3A_721 : vector<16xf32>
        %exp3A_725 = math.exp %neg3A_724 : vector<16xf32>
        %add3A_726 = arith.constant 2.000000e+00 : f32
        %add3A_727 = vector.broadcast %add3A_726 : f32 to vector<16xf32>
        %add3A_728 = arith.addf %exp3A_725, %add3A_727 : vector<16xf32>
        %div3A_729 = arith.divf %exp3A_725, %add3A_728 : vector<16xf32>
        %mul3A_730 = arith.mulf %div3A_729, %div3A_729 : vector<16xf32>
        %mul3A_731 = arith.constant 0.0909090936 : f32
        %mul3A_732 = vector.broadcast %mul3A_731 : f32 to vector<16xf32>
        %mul3A_733 = arith.mulf %mul3A_730, %mul3A_732 : vector<16xf32>
        %add3A_734 = arith.constant 0.111111112 : f32
        %add3A_735 = vector.broadcast %add3A_734 : f32 to vector<16xf32>
        %add3A_736 = arith.addf %add3A_735, %mul3A_733 : vector<16xf32>
        %mul3A_737 = arith.mulf %mul3A_730, %add3A_736 : vector<16xf32>
        %add3A_738 = arith.constant 0.142857149 : f32
        %add3A_739 = vector.broadcast %add3A_738 : f32 to vector<16xf32>
        %add3A_740 = arith.addf %add3A_739, %mul3A_737 : vector<16xf32>
        %mul3A_741 = arith.mulf %mul3A_730, %add3A_740 : vector<16xf32>
        %add3A_742 = arith.constant 2.000000e-01 : f32
        %add3A_743 = vector.broadcast %add3A_742 : f32 to vector<16xf32>
        %add3A_744 = arith.addf %add3A_743, %mul3A_741 : vector<16xf32>
        %mul3A_745 = arith.mulf %mul3A_730, %add3A_744 : vector<16xf32>
        %add3A_746 = arith.constant 0.333333343 : f32
        %add3A_747 = vector.broadcast %add3A_746 : f32 to vector<16xf32>
        %add3A_748 = arith.addf %add3A_747, %mul3A_745 : vector<16xf32>
        %mul3A_749 = arith.mulf %mul3A_730, %add3A_748 : vector<16xf32>
        %add3A_750 = arith.constant 1.000000e+00 : f32
        %add3A_751 = vector.broadcast %add3A_750 : f32 to vector<16xf32>
        %add3A_752 = arith.addf %add3A_751, %mul3A_749 : vector<16xf32>
        %mul3A_753 = arith.constant 2.000000e+00 : f32
        %mul3A_754 = vector.broadcast %mul3A_753 : f32 to vector<16xf32>
        %mul3A_755 = arith.mulf %mul3A_754, %div3A_729 : vector<16xf32>
        %mul3A_756 = arith.mulf %mul3A_755, %add3A_752 : vector<16xf32>
        %sub3A_757 = arith.subf %min3A_720, %mul3A_756 : vector<16xf32>
        %mul3A_758 = arith.constant 64 : i32
        %mul3A_759 = arith.muli %add3A_314, %mul3A_758 : i32
        %mul3A_760 = arith.constant 16 : i32
        %mul3A_761 = arith.muli %scan3A_330, %mul3A_760 : i32
        %add3A_762 = arith.addi %mul3A_759, %mul3A_761 : i32
        %swap3A_763 = arith.constant 4 : i32
        %swap3A_764 = arith.index_cast %swap3A_763 : i32 to index
        %swap3A_765 = arith.index_cast %add3A_762 : i32 to index
        %swap3A_766 = tpu.vector_load %arg13[%swap3A_764, %swap3A_765] {strides = array<i32>} : memref<6x512xf32, #tpu.memory_space<vmem>>, vector<16xf32>,
        tpu.vector_store %arg13[%swap3A_764, %swap3A_765], %sub3A_757 {strides = array<i32>} : memref<6x512xf32, #tpu.memory_space<vmem>>, vector<16xf32>,
        %neg3A_767 = arith.constant 0.000000e+00 : f32
        %neg3A_768 = vector.broadcast %neg3A_767 : f32 to vector<16xf32>
        %neg3A_769 = arith.subf %neg3A_768, %scan3A_512#5 : vector<16xf32>
        %min3A_770 = arith.constant 0.000000e+00 : f32
        %min3A_771 = vector.broadcast %min3A_770 : f32 to vector<16xf32>
        %min3A_772 = arith.minimumf %neg3A_769, %min3A_771 : vector<16xf32>
        %abs3A_773 = math.absf %neg3A_769 : vector<16xf32>
        %neg3A_774 = arith.constant 0.000000e+00 : f32
        %neg3A_775 = vector.broadcast %neg3A_774 : f32 to vector<16xf32>
        %neg3A_776 = arith.subf %neg3A_775, %abs3A_773 : vector<16xf32>
        %exp3A_777 = math.exp %neg3A_776 : vector<16xf32>
        %add3A_778 = arith.constant 2.000000e+00 : f32
        %add3A_779 = vector.broadcast %add3A_778 : f32 to vector<16xf32>
        %add3A_780 = arith.addf %exp3A_777, %add3A_779 : vector<16xf32>
        %div3A_781 = arith.divf %exp3A_777, %add3A_780 : vector<16xf32>
        %mul3A_782 = arith.mulf %div3A_781, %div3A_781 : vector<16xf32>
        %mul3A_783 = arith.constant 0.0909090936 : f32
        %mul3A_784 = vector.broadcast %mul3A_783 : f32 to vector<16xf32>
        %mul3A_785 = arith.mulf %mul3A_782, %mul3A_784 : vector<16xf32>
        %add3A_786 = arith.constant 0.111111112 : f32
        %add3A_787 = vector.broadcast %add3A_786 : f32 to vector<16xf32>
        %add3A_788 = arith.addf %add3A_787, %mul3A_785 : vector<16xf32>
        %mul3A_789 = arith.mulf %mul3A_782, %add3A_788 : vector<16xf32>
        %add3A_790 = arith.constant 0.142857149 : f32
        %add3A_791 = vector.broadcast %add3A_790 : f32 to vector<16xf32>
        %add3A_792 = arith.addf %add3A_791, %mul3A_789 : vector<16xf32>
        %mul3A_793 = arith.mulf %mul3A_782, %add3A_792 : vector<16xf32>
        %add3A_794 = arith.constant 2.000000e-01 : f32
        %add3A_795 = vector.broadcast %add3A_794 : f32 to vector<16xf32>
        %add3A_796 = arith.addf %add3A_795, %mul3A_793 : vector<16xf32>
        %mul3A_797 = arith.mulf %mul3A_782, %add3A_796 : vector<16xf32>
        %add3A_798 = arith.constant 0.333333343 : f32
        %add3A_799 = vector.broadcast %add3A_798 : f32 to vector<16xf32>
        %add3A_800 = arith.addf %add3A_799, %mul3A_797 : vector<16xf32>
        %mul3A_801 = arith.mulf %mul3A_782, %add3A_800 : vector<16xf32>
        %add3A_802 = arith.constant 1.000000e+00 : f32
        %add3A_803 = vector.broadcast %add3A_802 : f32 to vector<16xf32>
        %add3A_804 = arith.addf %add3A_803, %mul3A_801 : vector<16xf32>
        %mul3A_805 = arith.constant 2.000000e+00 : f32
        %mul3A_806 = vector.broadcast %mul3A_805 : f32 to vector<16xf32>
        %mul3A_807 = arith.mulf %mul3A_806, %div3A_781 : vector<16xf32>
        %mul3A_808 = arith.mulf %mul3A_807, %add3A_804 : vector<16xf32>
        %sub3A_809 = arith.subf %min3A_772, %mul3A_808 : vector<16xf32>
        %mul3A_810 = arith.constant 64 : i32
        %mul3A_811 = arith.muli %add3A_314, %mul3A_810 : i32
        %mul3A_812 = arith.constant 16 : i32
        %mul3A_813 = arith.muli %scan3A_330, %mul3A_812 : i32
        %add3A_814 = arith.addi %mul3A_811, %mul3A_813 : i32
        %swap3A_815 = arith.constant 5 : i32
        %swap3A_816 = arith.index_cast %swap3A_815 : i32 to index
        %swap3A_817 = arith.index_cast %add3A_814 : i32 to index
        %swap3A_818 = tpu.vector_load %arg13[%swap3A_816, %swap3A_817] {strides = array<i32>} : memref<6x512xf32, #tpu.memory_space<vmem>>, vector<16xf32>,
        tpu.vector_store %arg13[%swap3A_816, %swap3A_817], %sub3A_809 {strides = array<i32>} : memref<6x512xf32, #tpu.memory_space<vmem>>, vector<16xf32>,
        %scan3A_819 = arith.constant 0 : i32
        scf.yield %scan3A_819 : i32
      }
      %scan3A_321 = arith.constant 4 : i32
      %add3A_322 = arith.constant 3 : i32
      %add3A_323 = arith.addi %mul3A_152, %add3A_322 : i32
      %lt3A_324 = arith.constant 8 : i32
      %lt3A_325 = arith.cmpi slt, %add3A_323, %lt3A_324 : i32
      %convert_element_type3A_326 = arith.extui %lt3A_325 : i1 to i32
      %cond3A_327 = arith.constant 0 : i32
      %cond3A_328 = arith.cmpi ne, %convert_element_type3A_326, %cond3A_327 : i32
      scf.if %cond3A_328 {
        %add3A_330 = arith.constant 3 : i32
        %add3A_331 = arith.addi %mul3A_152, %add3A_330 : i32
        %mul3A_332 = arith.constant 64 : i32
        %mul3A_333 = arith.muli %add3A_331, %mul3A_332 : i32
        %mul3A_334 = arith.constant 64 : i32
        %mul3A_335 = arith.muli %add3A_331, %mul3A_334 : i32
        %mul3A_336 = arith.constant 64 : i32
        %mul3A_337 = arith.muli %add3A_331, %mul3A_336 : i32
        %mul3A_338 = arith.constant 64 : i32
        %mul3A_339 = arith.muli %add3A_331, %mul3A_338 : i32
        %mul3A_340 = arith.constant 64 : i32
        %mul3A_341 = arith.muli %add3A_331, %mul3A_340 : i32
        %mul3A_342 = arith.constant 64 : i32
        %mul3A_343 = arith.muli %add3A_331, %mul3A_342 : i32
        %mul3A_344 = arith.constant 64 : i32
        %mul3A_345 = arith.muli %add3A_331, %mul3A_344 : i32
        %dma_start3A_346 = arith.constant 0 : i32
        %dma_start3A_347 = tpu.memref_slice %arg7[%dma_start3A_346, %mul3A_333] : memref<7x512xi32, #tpu.memory_space<vmem>> -> memref<1x64xi32, #tpu.memory_space<vmem>>
        %dma_start3A_348 = tpu.memref_squeeze %dma_start3A_347 : memref<1x64xi32, #tpu.memory_space<vmem>> -> memref<64xi32, #tpu.memory_space<vmem>>
        %dma_start3A_349 = arith.constant 0 : i32
        %dma_start3A_350 = arith.constant 0 : i32
        %dma_start3A_351 = tpu.memref_slice %arg3[%dma_start3A_349, %dma_start3A_350] : memref<253952x128xf32, #tpu.memory_space<hbm>> -> memref<253952x128xf32, #tpu.memory_space<hbm>>
        tpu.enqueue_indirect_dma source(%dma_start3A_351 : memref<253952x128xf32, #tpu.memory_space<hbm>>) target(%arg10 : memref<64x128xf32, #tpu.memory_space<vmem>>) offsets(%dma_start3A_348 : memref<64xi32, #tpu.memory_space<vmem>>) semaphore(%arg15 : memref<!tpu.dma_semaphore, #tpu.memory_space<semaphore_mem>>)
        %dma_start3A_352 = arith.constant 1 : i32
        %dma_start3A_353 = arith.constant 0 : i32
        %dma_start3A_354 = arith.constant 0 : i32
        %dma_start3A_355 = tpu.memref_slice %arg12[%dma_start3A_353, %dma_start3A_354] : memref<384x128xf32, #tpu.memory_space<vmem>> -> memref<64x128xf32, #tpu.memory_space<vmem>>
        %dma_start3A_356 = tpu.memref_slice %arg7[%dma_start3A_352, %mul3A_335] : memref<7x512xi32, #tpu.memory_space<vmem>> -> memref<1x64xi32, #tpu.memory_space<vmem>>
        %dma_start3A_357 = tpu.memref_squeeze %dma_start3A_356 : memref<1x64xi32, #tpu.memory_space<vmem>> -> memref<64xi32, #tpu.memory_space<vmem>>
        %dma_start3A_358 = arith.constant 0 : i32
        %dma_start3A_359 = arith.constant 0 : i32
        %dma_start3A_360 = tpu.memref_slice %arg4[%dma_start3A_358, %dma_start3A_359] : memref<253952x128xf32, #tpu.memory_space<hbm>> -> memref<253952x128xf32, #tpu.memory_space<hbm>>
        tpu.enqueue_indirect_dma source(%dma_start3A_360 : memref<253952x128xf32, #tpu.memory_space<hbm>>) target(%dma_start3A_355 : memref<64x128xf32, #tpu.memory_space<vmem>>) offsets(%dma_start3A_357 : memref<64xi32, #tpu.memory_space<vmem>>) semaphore(%arg15 : memref<!tpu.dma_semaphore, #tpu.memory_space<semaphore_mem>>)
        %dma_start3A_361 = arith.constant 2 : i32
        %dma_start3A_362 = arith.constant 64 : i32
        %dma_start3A_363 = arith.constant 0 : i32
        %dma_start3A_364 = tpu.memref_slice %arg12[%dma_start3A_362, %dma_start3A_363] : memref<384x128xf32, #tpu.memory_space<vmem>> -> memref<64x128xf32, #tpu.memory_space<vmem>>
        %dma_start3A_365 = tpu.memref_slice %arg7[%dma_start3A_361, %mul3A_337] : memref<7x512xi32, #tpu.memory_space<vmem>> -> memref<1x64xi32, #tpu.memory_space<vmem>>
        %dma_start3A_366 = tpu.memref_squeeze %dma_start3A_365 : memref<1x64xi32, #tpu.memory_space<vmem>> -> memref<64xi32, #tpu.memory_space<vmem>>
        %dma_start3A_367 = arith.constant 0 : i32
        %dma_start3A_368 = arith.constant 0 : i32
        %dma_start3A_369 = tpu.memref_slice %arg4[%dma_start3A_367, %dma_start3A_368] : memref<253952x128xf32, #tpu.memory_space<hbm>> -> memref<253952x128xf32, #tpu.memory_space<hbm>>
        tpu.enqueue_indirect_dma source(%dma_start3A_369 : memref<253952x128xf32, #tpu.memory_space<hbm>>) target(%dma_start3A_364 : memref<64x128xf32, #tpu.memory_space<vmem>>) offsets(%dma_start3A_366 : memref<64xi32, #tpu.memory_space<vmem>>) semaphore(%arg15 : memref<!tpu.dma_semaphore, #tpu.memory_space<semaphore_mem>>)
        %dma_start3A_370 = arith.constant 3 : i32
        %dma_start3A_371 = arith.constant 128 : i32
        %dma_start3A_372 = arith.constant 0 : i32
        %dma_start3A_373 = tpu.memref_slice %arg12[%dma_start3A_371, %dma_start3A_372] : memref<384x128xf32, #tpu.memory_space<vmem>> -> memref<64x128xf32, #tpu.memory_space<vmem>>
        %dma_start3A_374 = tpu.memref_slice %arg7[%dma_start3A_370, %mul3A_339] : memref<7x512xi32, #tpu.memory_space<vmem>> -> memref<1x64xi32, #tpu.memory_space<vmem>>
        %dma_start3A_375 = tpu.memref_squeeze %dma_start3A_374 : memref<1x64xi32, #tpu.memory_space<vmem>> -> memref<64xi32, #tpu.memory_space<vmem>>
        %dma_start3A_376 = arith.constant 0 : i32
        %dma_start3A_377 = arith.constant 0 : i32
        %dma_start3A_378 = tpu.memref_slice %arg4[%dma_start3A_376, %dma_start3A_377] : memref<253952x128xf32, #tpu.memory_space<hbm>> -> memref<253952x128xf32, #tpu.memory_space<hbm>>
        tpu.enqueue_indirect_dma source(%dma_start3A_378 : memref<253952x128xf32, #tpu.memory_space<hbm>>) target(%dma_start3A_373 : memref<64x128xf32, #tpu.memory_space<vmem>>) offsets(%dma_start3A_375 : memref<64xi32, #tpu.memory_space<vmem>>) semaphore(%arg15 : memref<!tpu.dma_semaphore, #tpu.memory_space<semaphore_mem>>)
        %dma_start3A_379 = arith.constant 4 : i32
        %dma_start3A_380 = arith.constant 192 : i32
        %dma_start3A_381 = arith.constant 0 : i32
        %dma_start3A_382 = tpu.memref_slice %arg12[%dma_start3A_380, %dma_start3A_381] : memref<384x128xf32, #tpu.memory_space<vmem>> -> memref<64x128xf32, #tpu.memory_space<vmem>>
        %dma_start3A_383 = tpu.memref_slice %arg7[%dma_start3A_379, %mul3A_341] : memref<7x512xi32, #tpu.memory_space<vmem>> -> memref<1x64xi32, #tpu.memory_space<vmem>>
        %dma_start3A_384 = tpu.memref_squeeze %dma_start3A_383 : memref<1x64xi32, #tpu.memory_space<vmem>> -> memref<64xi32, #tpu.memory_space<vmem>>
        %dma_start3A_385 = arith.constant 0 : i32
        %dma_start3A_386 = arith.constant 0 : i32
        %dma_start3A_387 = tpu.memref_slice %arg4[%dma_start3A_385, %dma_start3A_386] : memref<253952x128xf32, #tpu.memory_space<hbm>> -> memref<253952x128xf32, #tpu.memory_space<hbm>>
        tpu.enqueue_indirect_dma source(%dma_start3A_387 : memref<253952x128xf32, #tpu.memory_space<hbm>>) target(%dma_start3A_382 : memref<64x128xf32, #tpu.memory_space<vmem>>) offsets(%dma_start3A_384 : memref<64xi32, #tpu.memory_space<vmem>>) semaphore(%arg15 : memref<!tpu.dma_semaphore, #tpu.memory_space<semaphore_mem>>)
        %dma_start3A_388 = arith.constant 5 : i32
        %dma_start3A_389 = arith.constant 256 : i32
        %dma_start3A_390 = arith.constant 0 : i32
        %dma_start3A_391 = tpu.memref_slice %arg12[%dma_start3A_389, %dma_start3A_390] : memref<384x128xf32, #tpu.memory_space<vmem>> -> memref<64x128xf32, #tpu.memory_space<vmem>>
        %dma_start3A_392 = tpu.memref_slice %arg7[%dma_start3A_388, %mul3A_343] : memref<7x512xi32, #tpu.memory_space<vmem>> -> memref<1x64xi32, #tpu.memory_space<vmem>>
        %dma_start3A_393 = tpu.memref_squeeze %dma_start3A_392 : memref<1x64xi32, #tpu.memory_space<vmem>> -> memref<64xi32, #tpu.memory_space<vmem>>
        %dma_start3A_394 = arith.constant 0 : i32
        %dma_start3A_395 = arith.constant 0 : i32
        %dma_start3A_396 = tpu.memref_slice %arg4[%dma_start3A_394, %dma_start3A_395] : memref<253952x128xf32, #tpu.memory_space<hbm>> -> memref<253952x128xf32, #tpu.memory_space<hbm>>
        tpu.enqueue_indirect_dma source(%dma_start3A_396 : memref<253952x128xf32, #tpu.memory_space<hbm>>) target(%dma_start3A_391 : memref<64x128xf32, #tpu.memory_space<vmem>>) offsets(%dma_start3A_393 : memref<64xi32, #tpu.memory_space<vmem>>) semaphore(%arg15 : memref<!tpu.dma_semaphore, #tpu.memory_space<semaphore_mem>>)
        %dma_start3A_397 = arith.constant 6 : i32
        %dma_start3A_398 = arith.constant 320 : i32
        %dma_start3A_399 = arith.constant 0 : i32
        %dma_start3A_400 = tpu.memref_slice %arg12[%dma_start3A_398, %dma_start3A_399] : memref<384x128xf32, #tpu.memory_space<vmem>> -> memref<64x128xf32, #tpu.memory_space<vmem>>
        %dma_start3A_401 = tpu.memref_slice %arg7[%dma_start3A_397, %mul3A_345] : memref<7x512xi32, #tpu.memory_space<vmem>> -> memref<1x64xi32, #tpu.memory_space<vmem>>
        %dma_start3A_402 = tpu.memref_squeeze %dma_start3A_401 : memref<1x64xi32, #tpu.memory_space<vmem>> -> memref<64xi32, #tpu.memory_space<vmem>>
        %dma_start3A_403 = arith.constant 0 : i32
        %dma_start3A_404 = arith.constant 0 : i32
        %dma_start3A_405 = tpu.memref_slice %arg4[%dma_start3A_403, %dma_start3A_404] : memref<253952x128xf32, #tpu.memory_space<hbm>> -> memref<253952x128xf32, #tpu.memory_space<hbm>>
        tpu.enqueue_indirect_dma source(%dma_start3A_405 : memref<253952x128xf32, #tpu.memory_space<hbm>>) target(%dma_start3A_400 : memref<64x128xf32, #tpu.memory_space<vmem>>) offsets(%dma_start3A_402 : memref<64xi32, #tpu.memory_space<vmem>>) semaphore(%arg15 : memref<!tpu.dma_semaphore, #tpu.memory_space<semaphore_mem>>)
      } else {
      }
      %scan3A_329 = arith.constant 0 : i32
      scf.yield %scan3A_329 : i32
    }
    %scan3A_148 = arith.constant 4 : i32
    "tpu.region"() ({
      %run_scoped3A = tpu.sem_alloc : memref<!tpu.dma_semaphore, #tpu.memory_space<semaphore_mem>>
      %dma_start3A_149 = arith.constant 0 : i32
      %dma_start3A_150 = tpu.memref_slice %arg5[%dma_start3A_149, %mul3A_2] : memref<6x16384xf32, #tpu.memory_space<hbm>> -> memref<6x512xf32, #tpu.memory_space<hbm>>
      %dma_start3A_151 = arith.constant 0 : i32
      %dma_start3A_152 = tpu.memref_slice %arg5[%dma_start3A_151, %mul3A_2] : memref<6x16384xf32, #tpu.memory_space<hbm>> -> memref<6x512xf32, #tpu.memory_space<hbm>>
      tpu.enqueue_dma source(%arg13 : memref<6x512xf32, #tpu.memory_space<vmem>>) target(%dma_start3A_152 : memref<6x512xf32, #tpu.memory_space<hbm>>) target_semaphore(%run_scoped3A : memref<!tpu.dma_semaphore, #tpu.memory_space<semaphore_mem>>)
      %dma_wait3A = arith.constant 0 : i32
      %dma_wait3A_153 = tpu.memref_slice %arg5[%dma_wait3A, %mul3A_2] : memref<6x16384xf32, #tpu.memory_space<hbm>> -> memref<6x512xf32, #tpu.memory_space<hbm>>
      %dma_wait3A_154 = arith.constant 0 : i32
      %dma_wait3A_155 = tpu.memref_slice %arg5[%dma_wait3A_154, %mul3A_2] : memref<6x16384xf32, #tpu.memory_space<hbm>> -> memref<6x512xf32, #tpu.memory_space<hbm>>
      tpu.wait_dma2 semaphore(%run_scoped3A : memref<!tpu.dma_semaphore, #tpu.memory_space<semaphore_mem>>) src(%arg13 : memref<6x512xf32, #tpu.memory_space<vmem>>) dst(%dma_wait3A_155 : memref<6x512xf32, #tpu.memory_space<hbm>>)
      tpu.yield
    }) : () -> ()
    return
  }
}

</mosaic_0001>

<sc_bundles>
// kernel: _sc_call.3.cloned.1.call-start
scs
__scs_entry_jumppad:
0x0: {  	(pc) =	sbr.rel $0x88, $3  }
0x1: {  	(tag) =	ssettag $0x0;
	lr =	simm.s32 $0x1  }
0x2: {  	[smem:$0x3F9E] =	sst lr;
	_ =	strace $0xD0000000  }
0x3: {  	_ = 	snop  }
0x4: {  	_ = 	snop  }
0x5: {  	_ = 	snop  }
0x6: {  	_ = 	snop  }
0x7: {  	_ = 	snop  }
__scs_overlays_trampoline_lowered:
0x8: {  	[smem:$0x3FAD] =	sst s0  }
0x9: {  	[smem:$0x3FAE] =	sst s1  }
0xa: {  	[smem:$0x3FAF] =	sst s2  }
0xb: {  	[smem:$0x3FB0] =	sst s3  }
0xc: {  	[smem:$0x3FB1] =	sst s4  }
0xd: {  	[smem:$0x3FB2] =	sst s5  }
0xe: {  	[smem:$0x3FB3] =	sst s6  }
0xf: {  	[smem:$0x3FB4] =	sst s7  }
0x10: {  	[smem:$0x3FB5] =	sst s8  }
0x11: {  	[smem:$0x3FB6] =	sst s9;
	s0 =	simm.s32 @!p0 $0x0  }
0x12: {  	s1 =	sld [smem:$0x3F9C];
	s0 =	simm.s32 @p0 $0x1  }
0x13: {  	[smem:$0x3FB7] =	sst s0;
	s0 =	simm.s32 @!p1 $0x0  }
0x14: {  	s2 =	sld [smem:$0x3F9B];
	s0 =	simm.s32 @p1 $0x1  }
0x15: {  	[smem:$0x3FB8] =	sst s0;
	s0 =	simm.s32 @!p2 $0x0  }
0x16: {  	s3 =	sld [smem:$0x3FDB];
	s0 =	simm.s32 @p2 $0x1  }
0x17: {  	s4 =	simm.s32 $0x1BF5;
	[smem:$0x3FBA] =	sst s0  }
0x18: {  	s0 =	sld [smem:$0x3F9D];
	_ =	swait.ge [sflag:s4], $0x0  }
0x19: {  	s7 =	sld [smem:$0x3F9E]  }
0x1a: {  	s8 =	sadd.s32 $0xFFFFE003, lr  }
0x1b: {  	s9 =	sadd.s32 $0xFFFFFEF7, lr;
	s5 =	simm.s32 $0xFFFFFFFF;
	p2 =	slt.u32 s8, $0xFFFFF086  }
0x1c: {  	p1 =	slt.u32 s9, $0xF7A;
	s5 =	simm.s32 @!p2 $0x0  }
0x1d: {  	s5 =	simm.s32 @p1 $0x1;
	p0 =	seq.s32 s7, s2  }
0x1e: {  	s7 =	smul.u32 @!p0 $0xF7A, s2;
	p2 =	seq.s32 @!p0 s5, $0x0  }
0x1f: {  	s9 =	smul.u32 $0xF7A, s1;
	s8 =	simm.s32 @!p0 $0x1BF5;
	p2 =	por !p2, p0  }
0x20: {  	[sflag:s8] =	ssyncset.s32 @!p0 $0xFFFFF086;
	s6 =	sadd.s32 @!p0 s3, s7;
	s7 =	simm.s32 @!p0 $0x108  }
0x21: {  	s3 =	sadd.s32 s3, s9;
	s6 =	sadd.s32 @!p0 $0x88, s6;
	s7 =	simm.s32 @p2 $0x1082  }
0x22: {  	[simem:s7], [sflag:s8] =	dma.local @!p0 [hbm:s6], $0xF7A  }
0x23: {  	s9 =	sor.u32 $0xD0000000, s2;
	s6 =	simm.s32 $0x108;
	_ =	swait.ge @!p0 [sflag:s8], $0x0  }
0x24: {  	s3 =	sadd.s32 $0x88, s3;
	s6 =	simm.s32 @!p1 $0x1082;
	[sflag:s4] =	ssyncset.s32 $0xFFFFF086  }
0x25: {  	[simem:s6], [sflag:s4] =	dma.local [hbm:s3], $0xF7A  }
0x26: {  	[smem:$0x3F9E] =	sst s1;
	(tag) =	ssettag s2;
	_ =	strace s9  }
0x27: {  	s1 =	sld [smem:$0x3FAE]  }
0x28: {  	s2 =	sld [smem:$0x3FAF]  }
0x29: {  	s4 =	sld [smem:$0x3FB1]  }
0x2a: {  	p0 =	seq.s32 s5, $0x0;
	s5 =	sld [smem:$0x3FB2]  }
0x2b: {  	s6 =	sld [smem:$0x3FB3]  }
0x2c: {  	s7 =	sld [smem:$0x3FB4]  }
0x2d: {  	s3 =	simm.s32 $0x108;
	s8 =	sld [smem:$0x3FB5]  }
0x2e: {  	s3 =	simm.s32 @!p0 $0x1082;
	s9 =	sld [smem:$0x3FB6]  }
0x2f: {  	lr =	sadd.s32 s0, s3;
	s0 =	sld [smem:$0x3FAD]  }
0x30: {  	s3 =	sld [smem:$0x3FB0]  }
0x31: {  	[smem:$0x3FB9] =	sst s10  }
0x32: {  	s10 =	sld [smem:$0x3FB7];
	_ =	sdelay $0x3  }
0x33: {  	p0 =	seq.s32 s10, $0x1;
	s10 =	sld [smem:$0x3FB9];
	_ =	sdelay $0x3  }
0x34: {  	[smem:$0x3FB9] =	sst s10  }
0x35: {  	s10 =	sld [smem:$0x3FB8];
	_ =	sdelay $0x3  }
0x36: {  	p1 =	seq.s32 s10, $0x1;
	s10 =	sld [smem:$0x3FB9];
	_ =	sdelay $0x3  }
0x37: {  	[smem:$0x3FB9] =	sst s10  }
0x38: {  	s10 =	sld [smem:$0x3FBA]  }
0x39: {  	_ = 	snop;
	(pc) =	sbr.ind lr, $3  }
0x3a: {  	_ = 	snop  }
0x3b: {  	_ = 	snop  }
0x3c: {  	p2 =	seq.s32 s10, $0x1;
	s10 =	sld [smem:$0x3FB9]  }
0x3d: {  	_ =	shalt  }
0x3e: {  	_ =	shalt  }
0x3f: {  	_ =	shalt  }
0x40: {  	_ =	shalt  }
0x41: {  	_ =	shalt  }
0x42: {  	_ =	shalt  }
0x43: {  	_ =	shalt  }
0x44: {  	_ =	shalt  }
0x45: {  	_ =	shalt  }
0x46: {  	_ =	shalt  }
0x47: {  	_ =	shalt  }
0x48: {  	_ =	shalt  }
0x49: {  	_ =	shalt  }
0x4a: {  	_ =	shalt  }
0x4b: {  	_ =	shalt  }
0x4c: {  	_ =	shalt  }
0x4d: {  	_ =	shalt  }
0x4e: {  	_ =	shalt  }
0x4f: {  	_ =	shalt  }
0x50: {  	_ =	shalt  }
0x51: {  	_ =	shalt  }
0x52: {  	_ =	shalt  }
0x53: {  	_ =	shalt  }
0x54: {  	_ =	shalt  }
0x55: {  	_ =	shalt  }
0x56: {  	_ =	shalt  }
0x57: {  	_ =	shalt  }
0x58: {  	_ =	shalt  }
0x59: {  	_ =	shalt  }
0x5a: {  	_ =	shalt  }
0x5b: {  	_ =	shalt  }
0x5c: {  	_ =	shalt  }
0x5d: {  	_ =	shalt  }
0x5e: {  	_ =	shalt  }
0x5f: {  	_ =	shalt  }
0x60: {  	_ =	shalt  }
0x61: {  	_ =	shalt  }
0x62: {  	_ =	shalt  }
0x63: {  	_ =	shalt  }
0x64: {  	_ =	shalt  }
0x65: {  	_ =	shalt  }
0x66: {  	_ =	shalt  }
0x67: {  	_ =	shalt  }
0x68: {  	_ =	shalt  }
0x69: {  	_ =	shalt  }
0x6a: {  	_ =	shalt  }
0x6b: {  	_ =	shalt  }
0x6c: {  	_ =	shalt  }
0x6d: {  	_ =	shalt  }
0x6e: {  	_ =	shalt  }
0x6f: {  	_ =	shalt  }
0x70: {  	_ =	shalt  }
0x71: {  	_ =	shalt  }
0x72: {  	_ =	shalt  }
0x73: {  	_ =	shalt  }
0x74: {  	_ =	shalt  }
0x75: {  	_ =	shalt  }
0x76: {  	_ =	shalt  }
0x77: {  	_ =	shalt  }
0x78: {  	_ =	shalt  }
0x79: {  	_ =	shalt  }
0x7a: {  	_ =	shalt  }
0x7b: {  	_ =	shalt  }
0x7c: {  	_ =	shalt  }
0x7d: {  	_ =	shalt  }
0x7e: {  	_ =	shalt  }
0x7f: {  	_ =	shalt  }
0x80: {  	_ =	shalt  }
0x81: {  	_ =	shalt  }
0x82: {  	_ =	shalt  }
0x83: {  	_ =	shalt  }
0x84: {  	_ =	shalt  }
0x85: {  	_ =	shalt  }
0x86: {  	_ =	shalt  }
0x87: {  	_ =	shalt  }
.Lfunc_end0:
.L_simem_size_0:
called_computation_lowered:
.L_overlay_start_0:
0x88: {  	s2 =	sld [smem:$0x3FD9]  }
0x89: {  	s3 =	sld [smem:$0x3FFE];
	_ =	sdelay $0x1  }
0x8a: {  	s1 =	srdreg.scid  }
0x8b: {  	s0 =	sand.u32 $0x1, s1  }
0x8c: {  	s17 =	sshll.u32 s0, $0xA;
	s2 =	sadd.s32 s3, s2  }
0x8d: {  	s2 =	sadd.s32 s2, s17  }
0x8e: {  	[smem:$0x3FC5] =	sst s2  }
0x8f: {  	_ = 	snop  }
0x90: {  	s2 =	sld [smem:$0x3FC8]  }
0x91: {  	s18 =	sld [smem:$0x3FC7]  }
0x92: {  	s4 =	sld [smem:$0x3FD0];
	(tm) =	ssettm $0x1  }
0x93: {  	s5 =	sld [smem:$0x3FFB];
	_ =	sdelay $0x3  }
0x94: {  	_ =	strace s5  }
0x95: {  	s5 =	sld [smem:$0x3FFC];
	_ =	sdelay $0x3  }
0x96: {  	_ =	strace s5  }
0x97: {  	s5 =	sld [smem:$0x3FFD];
	_ =	sdelay $0x3  }
0x98: {  	_ =	strace s5  }
0x99: {  	_ =	strace $0x8FFFFFFF  }
0x9a: {  	s19 =	sld [smem:$0x3FDB];
	_ =	sdelay $0x1  }
0x9b: {  	s6 =	simm.s32 $_scs_section_size  }
0x9c: {  	s7 =	simm.s32 $_size__tile_overlayer_lowered;
	s8 =	simm.s32 $_tile_overlayer_lowered  }
0x9d: {  	s22 =	simm.s32 $0x1BFF;
	s21 =	sshll.u32 s8, $0x1;
	s5 =	sadd.s32 s6, s19  }
0x9e: {  	s9 =	simm.s32 $0x0;
	s20 =	sshll.u32 s7, $0x1;
	s7 =	sadd.s32 s21, s5  }
0x9f: {  	[timem:s9], [sflag:s22] =	dma.local [hbm:s7], s20  }
0xa0: {  	_ =	swait.ge [sflag:s22], s20  }
0xa1: {  	s6 =	ssub.s32 $0x0, s20;
	[sflag:s22] =	ssyncset.done $0x0  }
0xa2: {  	[sflag:s22] =	ssyncadd.s32 s6;
	_ =	sdelay $0x1  }
0xa3: {  	s23 =	simm.s32 $0x1B8B  }
0xa4: {  	_ =	swait.ge [sflag:s23], $0x1  }
0xa5: {  	[sflag:s23] =	ssyncset.done $0x0  }
0xa6: {  	s25 =	simm.s32 $0x1B8E;
	s24 =	sld [smem:$0x3FFE];
	[sflag:s23] =	ssyncadd.s32 $0xFFFFFFFF  }
0xa7: {  	s26 =	simm.s32 $execute0_lowered;
	[smem:$0x3FD2] =	sst s25  }
0xa8: {  	s7 =	sshll.u32 s26, $0x1;
	_ =	strace $0x80000046;
	[dreg:$0x1] =	wrdreg $0xFFFFFFFF  }
0xa9: {  	s28 =	simm.s32 $_size_execute0_lowered;
	s5 =	sadd.s32 s5, s7;
	[dreg:$0x0] =	wrdreg $0x0  }
0xaa: {  	s7 =	sshll.u32 s28, $0x1;
	[dreg:$0x2] =	wrdreg s5  }
0xab: {  	[dreg:$0x3] =	wrdreg s7  }
0xac: {  	[dreg:$0x4] =	wrdreg $0xC0  }
0xad: {  	_ =	task [dreg:s9], $0x5FFFF  }
0xae: {  	[dreg:$0x1] =	wrdreg $0xFFFFFFFF  }
0xaf: {  	[dreg:$0x0] =	wrdreg $0x60  }
0xb0: {  	[dreg:$0x2] =	wrdreg s4  }
0xb1: {  	[dreg:$0x3] =	wrdreg s2  }
0xb2: {  	[dreg:$0x4] =	wrdreg s18  }
0xb3: {  	[dreg:$0x5] =	wrdreg s24  }
0xb4: {  	[dreg:$0x6] =	wrdreg $0x9  }
0xb5: {  	_ =	task.clear_ibuf [dreg:s9], $0x7FFFF;
	_ =	strace $0x90000046  }
0xb6: {  	s29 =	simm.s32 $0x9;
	_ =	strace $0x80000048  }
0xb7: {  	_ =	swait.ge [sflag:s29], $0x1  }
0xb8: {  	[sflag:s29] =	ssyncadd.s32 $0xFFFFFFFF  }
0xb9: {  	_ =	strace $0x90000048  }
0xba: {  	_ =	sfence  }
0xbb: {  	s30 =	sld [smem:$0x0];
	_ =	sdelay $0x2  }
0xbc: {  	s31 =	sshll.u32 s1, $0xD;
	s1 =	sshrl.u32 s1, $0x2  }
0xbd: {  	s3 =	sand.u32 $0x4000, s31;
	s1 =	sadd.s32 s1, s30  }
0xbe: {  	s0 =	sor.u32 s3, s0;
	s1 =	sshll.u32 s1, $0x11  }
0xbf: {  	s0 =	sor.u32 s1, s0  }
0xc0: {  	s0 =	sadd.s32 $0x8F2B, s0  }
0xc1: {  	[sflag:s0] =	ssyncadd.remote.s32 $0x1  }
0xc2: {  	_ =	sfence.sel $0xFFFF  }
0xc3: {  	[dreg:$0x0] =	wrdreg $0xFFFFFFFF;
	(pc) =	sbr.abs _section_cstart, $3  }
0xc4: {  	[dreg:$0x1] =	wrdreg $0xFFFFFFFF  }
0xc5: {  	_ =	task.clear_ibuf [dreg:s9], $0x2FFFF;
	_ =	strace $0x9FFFFFFF  }
0xc6: {  	(tm) =	ssettm $0x7FFFFFFF  }
0xc7: {  	_ =	shalt  }
tec
execute0_lowered:
.L_overlay_start_1:
0x0: {  	(tag) =	ssettag $0x1  }
0x1: {  	s0 =	rddreg [dreg:$0x0]  }
0x2: {  	s2 =	rddreg [dreg:$0x1]  }
0x3: {  	s3 =	rddreg [dreg:$0x2];
	s1 =	srdreg.scid  }
0x4: {  	s5 =	rddreg [dreg:$0x3];
	s4 =	stileid.u32;
	s9 =	simm.s32 $0x40  }
0x5: {  	s11 =	simm.s32 $0x2C00;
	s13 =	simm.s32 $0x6C00;
	s16 =	simm.s32 $0x1600  }
0x6: {  	s25 =	simm.s32 $0x4C00;
	s28 =	simm.s32 $0x12C00;
	v0 =	vlaneseq.u32;
	s30 =	simm.s32 $0x14C00  }
0x7: {  	s10 =	simm.s32 $0x18C00;
	s6 =	sshll.u32 s4, $0xA;
	s4 =	simm.s32 $0x0;
	v1 =	vmul.u32 $0x80, v0  }
0x8: {  	s14 =	simm.s32 $0x1AC00;
	s17 =	simm.s32 $0x1CC00;
	v2 =	vmul.u32 $0x8, v0;
	[smem:$0x7FF] =	sst s4  }
0x9: {  	s18 =	simm.s32 $0x1;
	s1 =	sand.u32 $0x1, s1;
	_ =	strace $0x80000047;
	[tilespmem:$0x1FFD0] =	vst v1  }
0xa: {  	s19 =	simm.s32 $0x2;
	s7 =	sshll.u32 s1, $0x9;
	s1 =	ssub.s32 $0x2, s1;
	v0 =	vor.u32 $0xA000, v1;
	[tilespmem:$0x1FFF0] =	vst v2  }
.Ltmp0:
0xb: {  	s6 =	sor.u32 s7, s6;
	s8 =	sshrl.u32 s1, $0x1;
	[tilespmem:$0x1FF90] =	vst v0;
	v0 =	vor.u32 $0x8000, v1;
	(pc) =	sbr.rel .LBB2_1-.Ltmp0, $4  }
0xc: {  	s7 =	sshrl.u32 s6, $0x3;
	s1 =	ssub.s32 s1, s8;
	s0 =	sadd.s32 s0, s6;
	[tilespmem:$0x1FFA0] =	vst v0;
	v0 =	vor.u32 $0x6000, v1  }
0xd: {  	s5 =	sadd.s32 s7, s5;
	[dreg:$0x5] =	wrdreg s0;
	s31 =	smax.u32 s1, $0x1;
	[tilespmem:$0x1FFB0] =	vst v0;
	v0 =	vor.u32 $0x4000, v1  }
0xe: {  	s23 =	simm.s32 $0x0;
	s29 =	sadd.s32 $0x400, s5;
	[dreg:$0x7] =	wrdreg s31;
	[tilespmem:$0x1FFC0] =	vst v0;
	v0 =	vor.u32 $0x2000, v1  }
0xf: {  	v6 =	vimm.s32 $0x0;
	s0 =	simm.s32 $0x16C00;
	s5 =	simm.s32 $0x3;
	[dreg:$0x6] =	wrdreg s29;
	[tilespmem:$0x1FFE0] =	vst v0  }
.LBB2_14:
0x10: {  	s1 =	rddreg [dreg:$0x6]  }
0x11: {  	s5 =	simm.s32 $0x200;
	s6 =	simm.s32 $0x4000;
	s7 =	simm.s32 $0x1EC00  }
0x12: {  	[hbm4b:s1+s5] =	stream.strided.scatter [tilespmem:s7], [sflag:$0x3], $0xC00, s6, s5, $0x38;
	[tilespmem:$0x1F800] =	vst v63  }
0x13: {  	s5 =	simm.s32 $0x3  }
0x14: {  	_ =	swait.ge [sflag:s5], $0xC00  }
0x15: {  	s23 =	sadd.s32 $0x1, s23;
	s31 =	rddreg [dreg:$0x7]  }
0x16: {  	p0 =	sne.s32 s23, s31  }
.Ltmp1:
0x17: {  	_ = 	snop;
	(pc) =	sbr.rel @!p0 .LBB2_15-.Ltmp1, $3  }
0x18: {  	_ =	sdelay $0x1  }
0x19: {  	[sflag:s5] =	ssyncset.done $0x0  }
0x1a: {  	v2 =	vld [tilespmem:$0x1FFF0];
	[sflag:s5] =	ssyncadd.s32 $0xFFFFF400  }
.LBB2_1:
0x1b: {  	_ =	sdelay $0x1  }
0x1c: {  	v0 =	vmov s4  }
0x1d: {  	v0 =	vshll.u32 v0, $0x3  }
0x1e: {  	s1 =	rddreg [dreg:$0x5];
	v0 =	vor.u32 v2, v0  }
0x1f: {  	[tilespmem:s4], [sflag:$0x3] =	stream.linear.gather [hbm4b:s1+s4], $0x1000, $0x38;
	[tilespmem:$0x1F800] =	vst v63  }
0x20: {  	_ =	swait.ge [sflag:s5], $0x1000  }
0x21: {  	[sflag:s5] =	ssyncset.done $0x0  }
0x22: {  	[sflag:s5] =	ssyncadd.s32 $0xFFFFF000  }
0x23: {  	v1 =	vld.idx.msk [tilespmem:v0+s4+$0x0], $0xffff;
	_ =	sdelay $0x4  }
0x24: {  	vm0 =	vgt.s32 v1, $0x3DFFF;
	vm1 =	vgt.s32 v1, $0x7BFFF  }
0x25: {  	vm2 =	vgt.s32 v1, $0xB9FFF;
	v3 =	vsel vm0, $0x1, v6;
	v4 =	vsel vm1, $0x1, v6  }
0x26: {  	v3 =	vadd.s32 v4, v3;
	v4 =	vsel vm2, $0x1, v6  }
0x27: {  	v3 =	vadd.s32 v4, v3  }
0x28: {  	v5 =	vor.u32 $0x1, v0;
	v4 =	vmul.u32 $0xFFFC2000, v3;
	_ =	sdelay $0x1  }
0x29: {  	v1 =	vadd.s32 v1, v4  }
0x2a: {  	s1 =	simm.s32 $0x2400;
	[tilespmem:s16+$0xFFFFFA00] =	vst v1  }
0x2b: {  	[tilespmem:s1+$0xFFFFFA00] =	vst v3  }
0x2c: {  	v1 =	vld.idx.msk [tilespmem:v5+s4+$0x0], $0xffff;
	_ =	sdelay $0x4  }
0x2d: {  	vm10 =	vgt.s32 v1, $0x3DFFF;
	vm11 =	vgt.s32 v1, $0x7BFFF  }
0x2e: {  	vm12 =	vgt.s32 v1, $0xB9FFF;
	v3 =	vsel vm10, $0x1, v6;
	v4 =	vsel vm11, $0x1, v6  }
0x2f: {  	v3 =	vadd.s32 v4, v3;
	v4 =	vsel vm12, $0x1, v6  }
0x30: {  	v3 =	vadd.s32 v4, v3  }
0x31: {  	v5 =	vor.u32 $0x2, v0;
	v4 =	vmul.u32 $0xFFFC2000, v3;
	_ =	sdelay $0x1  }
0x32: {  	v1 =	vadd.s32 v1, v4  }
0x33: {  	[tilespmem:s16+$0xFFFFFC00] =	vst v1  }
0x34: {  	[tilespmem:s1+$0xFFFFFC00] =	vst v3  }
0x35: {  	v1 =	vld.idx.msk [tilespmem:v5+s4+$0x0], $0xffff;
	_ =	sdelay $0x4  }
0x36: {  	vm13 =	vgt.s32 v1, $0x3DFFF;
	vm14 =	vgt.s32 v1, $0x7BFFF  }
0x37: {  	vm15 =	vgt.s32 v1, $0xB9FFF;
	v3 =	vsel vm13, $0x1, v6;
	v4 =	vsel vm14, $0x1, v6  }
0x38: {  	v3 =	vadd.s32 v4, v3;
	v4 =	vsel vm15, $0x1, v6  }
0x39: {  	v3 =	vadd.s32 v4, v3  }
0x3a: {  	v5 =	vor.u32 $0x3, v0;
	v4 =	vmul.u32 $0xFFFC2000, v3;
	_ =	sdelay $0x1  }
0x3b: {  	v1 =	vadd.s32 v1, v4  }
0x3c: {  	[tilespmem:s16+$0xFFFFFE00] =	vst v1  }
0x3d: {  	[tilespmem:s1+$0xFFFFFE00] =	vst v3  }
0x3e: {  	v1 =	vld.idx.msk [tilespmem:v5+s4+$0x0], $0xffff;
	_ =	sdelay $0x4  }
0x3f: {  	vm4 =	vgt.s32 v1, $0x3DFFF;
	vm5 =	vgt.s32 v1, $0x7BFFF  }
0x40: {  	vm6 =	vgt.s32 v1, $0xB9FFF;
	v3 =	vsel vm4, $0x1, v6;
	v4 =	vsel vm5, $0x1, v6  }
0x41: {  	v3 =	vadd.s32 v4, v3;
	v4 =	vsel vm6, $0x1, v6  }
0x42: {  	v3 =	vadd.s32 v4, v3  }
0x43: {  	v5 =	vor.u32 $0x4, v0;
	v4 =	vmul.u32 $0xFFFC2000, v3;
	_ =	sdelay $0x1  }
0x44: {  	v1 =	vadd.s32 v1, v4  }
0x45: {  	[tilespmem:s16+$0x0] =	vst v1  }
0x46: {  	[tilespmem:s1+$0x0] =	vst v3  }
0x47: {  	v1 =	vld.idx.msk [tilespmem:v5+s4+$0x0], $0xffff;
	_ =	sdelay $0x4  }
0x48: {  	vm7 =	vgt.s32 v1, $0x3DFFF;
	vm8 =	vgt.s32 v1, $0x7BFFF  }
0x49: {  	vm9 =	vgt.s32 v1, $0xB9FFF;
	v3 =	vsel vm7, $0x1, v6;
	v4 =	vsel vm8, $0x1, v6  }
0x4a: {  	v3 =	vadd.s32 v4, v3;
	v4 =	vsel vm9, $0x1, v6  }
0x4b: {  	v3 =	vadd.s32 v4, v3  }
0x4c: {  	v5 =	vor.u32 $0x5, v0;
	v4 =	vmul.u32 $0xFFFC2000, v3;
	_ =	sdelay $0x1  }
0x4d: {  	v1 =	vadd.s32 v1, v4  }
0x4e: {  	[tilespmem:s16+$0x200] =	vst v1  }
0x4f: {  	[tilespmem:s1+$0x200] =	vst v3  }
0x50: {  	v1 =	vld.idx.msk [tilespmem:v5+s4+$0x0], $0xffff;
	_ =	sdelay $0x4  }
0x51: {  	vm10 =	vgt.s32 v1, $0x3DFFF;
	vm11 =	vgt.s32 v1, $0x7BFFF  }
0x52: {  	vm12 =	vgt.s32 v1, $0xB9FFF;
	v3 =	vsel vm10, $0x1, v6;
	v4 =	vsel vm11, $0x1, v6  }
0x53: {  	v3 =	vadd.s32 v4, v3;
	v4 =	vsel vm12, $0x1, v6  }
0x54: {  	v3 =	vadd.s32 v4, v3  }
0x55: {  	v0 =	vor.u32 $0x6, v0;
	v4 =	vmul.u32 $0xFFFC2000, v3;
	_ =	sdelay $0x1  }
0x56: {  	v1 =	vadd.s32 v1, v4  }
0x57: {  	[tilespmem:s16+$0x400] =	vst v1  }
0x58: {  	[tilespmem:s1+$0x400] =	vst v3  }
0x59: {  	v1 =	vld.idx.msk [tilespmem:v0+s4+$0x0], $0xffff;
	_ =	sdelay $0x4  }
0x5a: {  	vm13 =	vgt.s32 v1, $0x3DFFF;
	vm14 =	vgt.s32 v1, $0x7BFFF  }
0x5b: {  	vm15 =	vgt.s32 v1, $0xB9FFF;
	v0 =	vsel vm13, $0x1, v6;
	v3 =	vsel vm14, $0x1, v6  }
0x5c: {  	s31 =	simm.s32 $0x10;
	v0 =	vadd.s32 v3, v0;
	v3 =	vsel vm15, $0x1, v6  }
0x5d: {  	v4 =	vmov s31;
	v0 =	vadd.s32 v3, v0  }
0x5e: {  	v4 =	vshll.u32 v4, $0x3;
	v3 =	vmul.u32 $0xFFFC2000, v0  }
0x5f: {  	v8 =	vor.u32 v2, v4  }
0x60: {  	v1 =	vadd.s32 v1, v3  }
0x61: {  	s20 =	simm.s32 $0x20;
	s5 =	simm.s32 $0x1600;
	[tilespmem:s16+$0x600] =	vst v1  }
.LBB2_2:
0x62: {  	s5 =	sadd.s32 $0x10, s5  }
0x63: {  	[tilespmem:s1+$0x600] =	vst v0;
	s1 =	sadd.s32 $0x10, s1;
	s15 =	smov.u32 s20;
	s12 =	sadd.s32 $0x10, s20  }
0x64: {  	p0 =	sne.s32 s20, $0x1F0;
	v0 =	vld.idx.msk [tilespmem:v8+s4+$0x0], $0xffff;
	_ =	sdelay $0x5  }
0x65: {  	vm0 =	vgt.s32 v0, $0x3DFFF;
	vm1 =	vgt.s32 v0, $0x7BFFF;
	vm2 =	vgt.s32 v0, $0xB9FFF  }
0x66: {  	v1 =	vsel vm0, $0x1, v6;
	v3 =	vsel vm1, $0x1, v6  }
0x67: {  	v1 =	vadd.s32 v3, v1;
	v3 =	vsel vm2, $0x1, v6  }
0x68: {  	v1 =	vadd.s32 v3, v1  }
0x69: {  	v4 =	vor.u32 $0x1, v8;
	v3 =	vmul.u32 $0xFFFC2000, v1;
	_ =	sdelay $0x1  }
0x6a: {  	v0 =	vadd.s32 v0, v3  }
0x6b: {  	[tilespmem:s5+$0xFFFFFA00] =	vst v0  }
0x6c: {  	[tilespmem:s1+$0xFFFFFA00] =	vst v1  }
0x6d: {  	v0 =	vld.idx.msk [tilespmem:v4+s4+$0x0], $0xffff;
	_ =	sdelay $0x5  }
0x6e: {  	vm0 =	vgt.s32 v0, $0x3DFFF;
	vm1 =	vgt.s32 v0, $0x7BFFF;
	vm2 =	vgt.s32 v0, $0xB9FFF  }
0x6f: {  	v1 =	vsel vm0, $0x1, v6;
	v3 =	vsel vm1, $0x1, v6  }
0x70: {  	v1 =	vadd.s32 v3, v1;
	v3 =	vsel vm2, $0x1, v6  }
0x71: {  	v1 =	vadd.s32 v3, v1  }
0x72: {  	v4 =	vor.u32 $0x2, v8;
	v3 =	vmul.u32 $0xFFFC2000, v1;
	_ =	sdelay $0x1  }
0x73: {  	v0 =	vadd.s32 v0, v3  }
0x74: {  	[tilespmem:s5+$0xFFFFFC00] =	vst v0  }
0x75: {  	[tilespmem:s1+$0xFFFFFC00] =	vst v1  }
0x76: {  	v0 =	vld.idx.msk [tilespmem:v4+s4+$0x0], $0xffff;
	_ =	sdelay $0x5  }
0x77: {  	vm0 =	vgt.s32 v0, $0x3DFFF;
	vm1 =	vgt.s32 v0, $0x7BFFF;
	vm2 =	vgt.s32 v0, $0xB9FFF  }
0x78: {  	v1 =	vsel vm0, $0x1, v6;
	v3 =	vsel vm1, $0x1, v6  }
0x79: {  	v1 =	vadd.s32 v3, v1;
	v3 =	vsel vm2, $0x1, v6  }
0x7a: {  	v1 =	vadd.s32 v3, v1  }
0x7b: {  	v4 =	vor.u32 $0x3, v8;
	v3 =	vmul.u32 $0xFFFC2000, v1;
	_ =	sdelay $0x1  }
0x7c: {  	v0 =	vadd.s32 v0, v3  }
0x7d: {  	[tilespmem:s5+$0xFFFFFE00] =	vst v0  }
0x7e: {  	[tilespmem:s1+$0xFFFFFE00] =	vst v1  }
0x7f: {  	v0 =	vld.idx.msk [tilespmem:v4+s4+$0x0], $0xffff;
	_ =	sdelay $0x5  }
0x80: {  	vm0 =	vgt.s32 v0, $0x3DFFF;
	vm1 =	vgt.s32 v0, $0x7BFFF;
	vm2 =	vgt.s32 v0, $0xB9FFF  }
0x81: {  	v1 =	vsel vm0, $0x1, v6;
	v3 =	vsel vm1, $0x1, v6  }
0x82: {  	v1 =	vadd.s32 v3, v1;
	v3 =	vsel vm2, $0x1, v6  }
0x83: {  	v1 =	vadd.s32 v3, v1  }
0x84: {  	v4 =	vor.u32 $0x4, v8;
	v3 =	vmul.u32 $0xFFFC2000, v1;
	_ =	sdelay $0x1  }
0x85: {  	v0 =	vadd.s32 v0, v3  }
0x86: {  	[tilespmem:s5+$0x0] =	vst v0  }
0x87: {  	[tilespmem:s1+$0x0] =	vst v1  }
0x88: {  	v0 =	vld.idx.msk [tilespmem:v4+s4+$0x0], $0xffff;
	_ =	sdelay $0x5  }
0x89: {  	vm0 =	vgt.s32 v0, $0x3DFFF;
	vm1 =	vgt.s32 v0, $0x7BFFF;
	vm2 =	vgt.s32 v0, $0xB9FFF  }
0x8a: {  	v1 =	vsel vm0, $0x1, v6;
	v3 =	vsel vm1, $0x1, v6  }
0x8b: {  	v1 =	vadd.s32 v3, v1;
	v3 =	vsel vm2, $0x1, v6  }
0x8c: {  	v1 =	vadd.s32 v3, v1  }
0x8d: {  	v4 =	vor.u32 $0x5, v8;
	v3 =	vmul.u32 $0xFFFC2000, v1;
	_ =	sdelay $0x1  }
0x8e: {  	v0 =	vadd.s32 v0, v3  }
0x8f: {  	[tilespmem:s5+$0x200] =	vst v0  }
0x90: {  	[tilespmem:s1+$0x200] =	vst v1  }
0x91: {  	v0 =	vld.idx.msk [tilespmem:v4+s4+$0x0], $0xffff;
	_ =	sdelay $0x5  }
0x92: {  	vm0 =	vgt.s32 v0, $0x3DFFF;
	vm1 =	vgt.s32 v0, $0x7BFFF;
	vm2 =	vgt.s32 v0, $0xB9FFF  }
0x93: {  	v1 =	vsel vm0, $0x1, v6;
	v3 =	vsel vm1, $0x1, v6  }
0x94: {  	v1 =	vadd.s32 v3, v1;
	v3 =	vsel vm2, $0x1, v6  }
0x95: {  	v1 =	vadd.s32 v3, v1  }
0x96: {  	v4 =	vor.u32 $0x6, v8;
	v3 =	vmul.u32 $0xFFFC2000, v1;
	_ =	sdelay $0x1  }
0x97: {  	v0 =	vadd.s32 v0, v3  }
0x98: {  	[tilespmem:s5+$0x400] =	vst v0  }
0x99: {  	[tilespmem:s1+$0x400] =	vst v1  }
0x9a: {  	v1 =	vld.idx.msk [tilespmem:v4+s4+$0x0], $0xffff;
	_ =	sdelay $0x5  }
0x9b: {  	vm0 =	vgt.s32 v1, $0x3DFFF;
	vm1 =	vgt.s32 v1, $0x7BFFF;
	vm2 =	vgt.s32 v1, $0xB9FFF  }
0x9c: {  	v0 =	vsel vm0, $0x1, v6;
	v3 =	vsel vm1, $0x1, v6  }
0x9d: {  	v4 =	vmov s15;
	v0 =	vadd.s32 v3, v0;
	v3 =	vsel vm2, $0x1, v6  }
.Ltmp2:
0x9e: {  	v4 =	vshll.u32 v4, $0x3;
	v0 =	vadd.s32 v3, v0;
	(pc) =	sbr.rel @p0 .LBB2_2-.Ltmp2, $3  }
0x9f: {  	v8 =	vor.u32 v2, v4;
	v3 =	vmul.u32 $0xFFFC2000, v0;
	_ =	sdelay $0x1  }
0xa0: {  	v1 =	vadd.s32 v1, v3  }
0xa1: {  	s20 =	smov.u32 s12;
	[tilespmem:s5+$0x600] =	vst v1  }
0xa2: {  	_ =	sdelay $0x2  }
0xa3: {  	[tilespmem:s1+$0x600] =	vst v0  }
0xa4: {  	v0 =	vld.idx.msk [tilespmem:v8+s4+$0x0], $0xffff;
	_ =	sdelay $0x4  }
0xa5: {  	vm0 =	vgt.s32 v0, $0x3DFFF;
	vm1 =	vgt.s32 v0, $0x7BFFF  }
0xa6: {  	vm2 =	vgt.s32 v0, $0xB9FFF;
	v1 =	vsel vm0, $0x1, v6;
	v3 =	vsel vm1, $0x1, v6  }
0xa7: {  	v40 =	vsel vm2, $0x1, v6;
	v1 =	vadd.s32 v3, v1  }
0xa8: {  	v1 =	vadd.s32 v40, v1  }
0xa9: {  	v4 =	vor.u32 $0x1, v8;
	v3 =	vmul.u32 $0xFFFC2000, v1;
	_ =	sdelay $0x1  }
0xaa: {  	s5 =	sadd.s32 $0x10, s5;
	v0 =	vadd.s32 v0, v3  }
0xab: {  	s21 =	sadd.s32 $0x10, s1;
	[tilespmem:s5+$0xFFFFFA00] =	vst v0  }
0xac: {  	[tilespmem:s21+$0xFFFFFA00] =	vst v1  }
0xad: {  	v0 =	vld.idx.msk [tilespmem:v4+s4+$0x0], $0xffff;
	_ =	sdelay $0x4  }
0xae: {  	vm10 =	vgt.s32 v0, $0x3DFFF;
	vm11 =	vgt.s32 v0, $0x7BFFF  }
0xaf: {  	vm12 =	vgt.s32 v0, $0xB9FFF;
	v41 =	vsel vm10, $0x1, v6;
	v42 =	vsel vm11, $0x1, v6  }
0xb0: {  	v43 =	vsel vm12, $0x1, v6;
	v1 =	vadd.s32 v42, v41  }
0xb1: {  	v1 =	vadd.s32 v43, v1  }
0xb2: {  	v44 =	vor.u32 $0x2, v8;
	v3 =	vmul.u32 $0xFFFC2000, v1;
	_ =	sdelay $0x1  }
0xb3: {  	v0 =	vadd.s32 v0, v3  }
0xb4: {  	[tilespmem:s5+$0xFFFFFC00] =	vst v0  }
0xb5: {  	[tilespmem:s21+$0xFFFFFC00] =	vst v1  }
0xb6: {  	v0 =	vld.idx.msk [tilespmem:v44+s4+$0x0], $0xffff;
	_ =	sdelay $0x4  }
0xb7: {  	vm13 =	vgt.s32 v0, $0x3DFFF;
	vm14 =	vgt.s32 v0, $0x7BFFF  }
0xb8: {  	vm15 =	vgt.s32 v0, $0xB9FFF;
	v45 =	vsel vm13, $0x1, v6;
	v46 =	vsel vm14, $0x1, v6  }
0xb9: {  	v47 =	vsel vm15, $0x1, v6;
	v1 =	vadd.s32 v46, v45  }
0xba: {  	v1 =	vadd.s32 v47, v1  }
0xbb: {  	v48 =	vor.u32 $0x3, v8;
	v3 =	vmul.u32 $0xFFFC2000, v1;
	_ =	sdelay $0x1  }
0xbc: {  	v0 =	vadd.s32 v0, v3  }
0xbd: {  	[tilespmem:s5+$0xFFFFFE00] =	vst v0  }
0xbe: {  	[tilespmem:s21+$0xFFFFFE00] =	vst v1  }
0xbf: {  	v0 =	vld.idx.msk [tilespmem:v48+s4+$0x0], $0xffff;
	_ =	sdelay $0x4  }
0xc0: {  	vm4 =	vgt.s32 v0, $0x3DFFF;
	vm5 =	vgt.s32 v0, $0x7BFFF  }
0xc1: {  	vm6 =	vgt.s32 v0, $0xB9FFF;
	v49 =	vsel vm4, $0x1, v6;
	v50 =	vsel vm5, $0x1, v6  }
0xc2: {  	v51 =	vsel vm6, $0x1, v6;
	v1 =	vadd.s32 v50, v49  }
0xc3: {  	v1 =	vadd.s32 v51, v1  }
0xc4: {  	v52 =	vor.u32 $0x4, v8;
	v3 =	vmul.u32 $0xFFFC2000, v1;
	_ =	sdelay $0x1  }
0xc5: {  	v0 =	vadd.s32 v0, v3  }
0xc6: {  	[tilespmem:s5+$0x0] =	vst v0  }
0xc7: {  	[tilespmem:s21+$0x0] =	vst v1  }
0xc8: {  	v0 =	vld.idx.msk [tilespmem:v52+s4+$0x0], $0xffff;
	_ =	sdelay $0x4  }
0xc9: {  	vm7 =	vgt.s32 v0, $0x3DFFF;
	vm8 =	vgt.s32 v0, $0x7BFFF  }
0xca: {  	vm9 =	vgt.s32 v0, $0xB9FFF;
	v53 =	vsel vm7, $0x1, v6;
	v54 =	vsel vm8, $0x1, v6  }
0xcb: {  	v55 =	vsel vm9, $0x1, v6;
	v1 =	vadd.s32 v54, v53  }
0xcc: {  	v1 =	vadd.s32 v55, v1  }
0xcd: {  	v56 =	vor.u32 $0x5, v8;
	v3 =	vmul.u32 $0xFFFC2000, v1;
	_ =	sdelay $0x1  }
0xce: {  	v0 =	vadd.s32 v0, v3  }
0xcf: {  	[tilespmem:s5+$0x200] =	vst v0  }
0xd0: {  	[tilespmem:s21+$0x200] =	vst v1  }
0xd1: {  	v0 =	vld.idx.msk [tilespmem:v56+s4+$0x0], $0xffff;
	_ =	sdelay $0x4  }
0xd2: {  	vm10 =	vgt.s32 v0, $0x3DFFF;
	vm11 =	vgt.s32 v0, $0x7BFFF  }
0xd3: {  	vm12 =	vgt.s32 v0, $0xB9FFF;
	v57 =	vsel vm10, $0x1, v6;
	v58 =	vsel vm11, $0x1, v6  }
0xd4: {  	v59 =	vsel vm12, $0x1, v6;
	v1 =	vadd.s32 v58, v57  }
0xd5: {  	v1 =	vadd.s32 v59, v1  }
0xd6: {  	v60 =	vor.u32 $0x6, v8;
	v3 =	vmul.u32 $0xFFFC2000, v1;
	_ =	sdelay $0x1  }
0xd7: {  	v0 =	vadd.s32 v0, v3  }
0xd8: {  	[tilespmem:s5+$0x400] =	vst v0  }
0xd9: {  	[tilespmem:s21+$0x400] =	vst v1  }
0xda: {  	v0 =	vld.idx.msk [tilespmem:v60+s4+$0x0], $0xffff;
	_ =	sdelay $0x4  }
0xdb: {  	vm13 =	vgt.s32 v0, $0x3DFFF;
	vm14 =	vgt.s32 v0, $0x7BFFF  }
0xdc: {  	vm15 =	vgt.s32 v0, $0xB9FFF;
	v61 =	vsel vm13, $0x1, v6;
	v62 =	vsel vm14, $0x1, v6  }
0xdd: {  	v63 =	vsel vm15, $0x1, v6;
	v1 =	vadd.s32 v62, v61  }
0xde: {  	v1 =	vadd.s32 v63, v1  }
0xdf: {  	v3 =	vmul.u32 $0xFFFC2000, v1;
	_ =	sdelay $0x1  }
0xe0: {  	v0 =	vadd.s32 v0, v3  }
0xe1: {  	[tilespmem:s5+$0x600] =	vst v0  }
0xe2: {  	s22 =	simm.s32 $0x1000;
	[tilespmem:s21+$0x600] =	vst v1  }
0xe3: {  	[tilespmem:s11], [sflag:$0x1] =	stream.indirect.gather [hbm4b:s2+s9], $0x80, s22, s9, $0xb8;
	[tilespmem:$0x1F800] =	vst v63  }
0xe4: {  	s24 =	simm.s32 $0x1200  }
0xe5: {  	[tilespmem:s13], [sflag:$0x1] =	stream.indirect.gather [hbm4b:s3+s9], $0x80, s24, s9, $0xb8;
	[tilespmem:$0x1F800] =	vst v63  }
0xe6: {  	s26 =	simm.s32 $0x1400;
	s29 =	simm.s32 $0x8C00  }
0xe7: {  	[tilespmem:s29], [sflag:$0x1] =	stream.indirect.gather [hbm4b:s3+s9], $0x80, s26, s9, $0xb8;
	[tilespmem:$0x1F800] =	vst v63  }
0xe8: {  	s31 =	simm.s32 $0xAC00  }
0xe9: {  	[tilespmem:s31], [sflag:$0x1] =	stream.indirect.gather [hbm4b:s3+s9], $0x80, s16, s9, $0xb8;
	[tilespmem:$0x1F800] =	vst v63  }
0xea: {  	s6 =	simm.s32 $0xCC00;
	s5 =	simm.s32 $0x1800  }
0xeb: {  	[tilespmem:s6], [sflag:$0x1] =	stream.indirect.gather [hbm4b:s3+s9], $0x80, s5, s9, $0xb8;
	[tilespmem:$0x1F800] =	vst v63  }
0xec: {  	s7 =	simm.s32 $0x1A00;
	s8 =	simm.s32 $0xEC00  }
0xed: {  	[tilespmem:s8], [sflag:$0x1] =	stream.indirect.gather [hbm4b:s3+s9], $0x80, s7, s9, $0xb8;
	[tilespmem:$0x1F800] =	vst v63  }
0xee: {  	s12 =	simm.s32 $0x1C00;
	s15 =	simm.s32 $0x10C00  }
0xef: {  	[tilespmem:s15], [sflag:$0x1] =	stream.indirect.gather [hbm4b:s3+s9], $0x80, s12, s9, $0xb8;
	[tilespmem:$0x1F800] =	vst v63  }
0xf0: {  	s20 =	simm.s32 $0x1040  }
0xf1: {  	[tilespmem:s25], [sflag:$0x2] =	stream.indirect.gather [hbm4b:s2+s9], $0x80, s20, s9, $0xb8;
	[tilespmem:$0x1F800] =	vst v63  }
0xf2: {  	s21 =	simm.s32 $0x1240  }
0xf3: {  	[tilespmem:s28], [sflag:$0x2] =	stream.indirect.gather [hbm4b:s3+s9], $0x80, s21, s9, $0xb8;
	[tilespmem:$0x1F800] =	vst v63  }
0xf4: {  	s22 =	simm.s32 $0x1440  }
0xf5: {  	[tilespmem:s30], [sflag:$0x2] =	stream.indirect.gather [hbm4b:s3+s9], $0x80, s22, s9, $0xb8;
	[tilespmem:$0x1F800] =	vst v63  }
0xf6: {  	s24 =	simm.s32 $0x1640  }
0xf7: {  	[tilespmem:s0], [sflag:$0x2] =	stream.indirect.gather [hbm4b:s3+s9], $0x80, s24, s9, $0xb8;
	[tilespmem:$0x1F800] =	vst v63  }
0xf8: {  	s26 =	simm.s32 $0x1840  }
0xf9: {  	[tilespmem:s10], [sflag:$0x2] =	stream.indirect.gather [hbm4b:s3+s9], $0x80, s26, s9, $0xb8;
	[tilespmem:$0x1F800] =	vst v63  }
0xfa: {  	s29 =	simm.s32 $0x1A40  }
0xfb: {  	[tilespmem:s14], [sflag:$0x2] =	stream.indirect.gather [hbm4b:s3+s9], $0x80, s29, s9, $0xb8;
	[tilespmem:$0x1F800] =	vst v63  }
0xfc: {  	s31 =	simm.s32 $0x1C40;
	s24 =	simm.s32 $0x0  }
0xfd: {  	[tilespmem:s17], [sflag:$0x2] =	stream.indirect.gather [hbm4b:s3+s9], $0x80, s31, s9, $0xb8;
	[tilespmem:$0x1F800] =	vst v63  }
.LBB2_4:
0xfe: {  	_ =	swait.ge [sflag:s18], $0x2000  }
0xff: {  	[sflag:s18] =	ssyncset.done $0x0  }
0x100: {  	[sflag:s18] =	ssyncadd.s32 $0xFFFFE000  }
0x101: {  	_ =	swait.ge [sflag:s18], $0x2000  }
0x102: {  	[sflag:s18] =	ssyncset.done $0x0  }
0x103: {  	[sflag:s18] =	ssyncadd.s32 $0xFFFFE000  }
0x104: {  	_ =	swait.ge [sflag:s18], $0x2000  }
0x105: {  	[sflag:s18] =	ssyncset.done $0x0  }
0x106: {  	[sflag:s18] =	ssyncadd.s32 $0xFFFFE000  }
0x107: {  	_ =	swait.ge [sflag:s18], $0x2000  }
0x108: {  	[sflag:s18] =	ssyncset.done $0x0  }
0x109: {  	[sflag:s18] =	ssyncadd.s32 $0xFFFFE000  }
0x10a: {  	_ =	swait.ge [sflag:s18], $0x2000  }
0x10b: {  	[sflag:s18] =	ssyncset.done $0x0  }
0x10c: {  	[sflag:s18] =	ssyncadd.s32 $0xFFFFE000  }
0x10d: {  	_ =	swait.ge [sflag:s18], $0x2000  }
0x10e: {  	[sflag:s18] =	ssyncset.done $0x0  }
0x10f: {  	[sflag:s18] =	ssyncadd.s32 $0xFFFFE000  }
0x110: {  	_ =	swait.ge [sflag:s18], $0x2000  }
0x111: {  	[sflag:s18] =	ssyncset.done $0x0  }
0x112: {  	s26 =	sshll.u32 s24, $0x7;
	s29 =	simm.s32 $0x0;
	[sflag:s18] =	ssyncadd.s32 $0xFFFFE000  }
.LBB2_5:
0x113: {  	s1 =	sshll.u32 s29, $0x4  }
0x114: {  	v2 =	vld [tilespmem:$0x1FFD0];
	s31 =	sor.u32 s26, s1  }
0x115: {  	v0 =	vld [tilespmem:s31+$0x1E00]  }
0x116: {  	v1 =	vld [tilespmem:s31+$0x2000]  }
0x117: {  	v3 =	vld [tilespmem:s31+$0x2200]  }
0x118: {  	v4 =	vld [tilespmem:s31+$0x2400]  }
0x119: {  	v5 =	vld [tilespmem:s31+$0x2600]  }
0x11a: {  	v6 =	vmov s1;
	v8 =	vld [tilespmem:s31+$0x2800]  }
0x11b: {  	v6 =	vshll.u32 v6, $0x7  }
0x11c: {  	v17 =	vor.u32 v2, v6;
	v7 =	vshll.u32 v0, $0x5;
	v0 =	vand.u32 $0x1, v0  }
0x11d: {  	v9 =	vshll.u32 v1, $0x5;
	v1 =	vand.u32 $0x1, v1;
	v11 =	vshll.u32 v3, $0x5  }
0x11e: {  	v3 =	vand.u32 $0x1, v3;
	v12 =	vshll.u32 v4, $0x5;
	v4 =	vand.u32 $0x1, v4  }
0x11f: {  	v13 =	vshll.u32 v5, $0x5;
	v5 =	vand.u32 $0x1, v5;
	v14 =	vshll.u32 v8, $0x5  }
0x120: {  	v16 =	vand.u32 $0x1, v8;
	v7 =	vand.u32 $0xFFFFFFC0, v7;
	v9 =	vand.u32 $0xFFFFFFC0, v9  }
0x121: {  	s20 =	simm.s32 $0x0;
	v2 =	vld [tilespmem:$0x1FFE0];
	vm1 =	veq.s32 v16, $0x0;
	vm2 =	veq.s32 v5, $0x0;
	vm3 =	veq.s32 v4, $0x0  }
0x122: {  	s21 =	simm.s32 $0x2;
	s5 =	simm.s32 $0x3;
	vm4 =	veq.s32 v3, $0x0;
	vm5 =	veq.s32 v1, $0x0;
	v1 =	vmov s20  }
0x123: {  	vm6 =	veq.s32 v0, $0x0;
	v3 =	vmov s21;
	v4 =	vmov s5  }
0x124: {  	v8 =	vadd.s32 v17, v7;
	v9 =	vadd.s32 v17, v9;
	v0 =	vand.u32 $0x38, v1  }
0x125: {  	v1 =	vand.u32 $0x4, v1;
	v16 =	vand.u32 $0x7, v4;
	v4 =	vand.u32 $0x38, v4  }
0x126: {  	v19 =	vand.u32 $0x6, v3;
	v7 =	vor.u32 v2, v6;
	v2 =	vld [tilespmem:$0x1FFC0];
	v5 =	vor.u32 v0, v8  }
0x127: {  	v10 =	vld [tilespmem:s31+$0x2A00];
	v3 =	vand.u32 $0x38, v3;
	v23 =	vor.u32 v4, v9;
	v5 =	vor.u32 v1, v5  }
0x128: {  	v11 =	vand.u32 $0xFFFFFFC0, v11;
	v28 =	vor.u32 v3, v8;
	v23 =	vor.u32 v16, v23  }
0x129: {  	v29 =	vor.u32 v3, v9;
	v56 =	vadd.s32 v7, v11;
	v28 =	vor.u32 v19, v28  }
0x12a: {  	v29 =	vor.u32 v19, v29;
	v24 =	vor.u32 v4, v56  }
0x12b: {  	v24 =	vor.u32 v16, v24;
	v7 =	vor.u32 v2, v6;
	v2 =	vld [tilespmem:$0x1FFB0]  }
0x12c: {  	v15 =	vshll.u32 v10, $0x5;
	v30 =	vor.u32 v3, v56;
	v5 =	vld.idx.msk [tilespmem:v5+s11+$0x0], $0xffff  }
0x12d: {  	v18 =	vand.u32 $0x1, v10;
	v12 =	vand.u32 $0xFFFFFFC0, v12;
	v30 =	vor.u32 v19, v30;
	v23 =	vld.idx.msk [tilespmem:v23+s13+$0x0], $0xffff  }
0x12e: {  	v13 =	vand.u32 $0xFFFFFFC0, v13;
	v14 =	vand.u32 $0xFFFFFFC0, v14;
	v57 =	vadd.s32 v7, v12;
	v45 =	vld.idx.msk [tilespmem:v28+s11+$0x0], $0xffff  }
0x12f: {  	v15 =	vand.u32 $0xFFFFFFC0, v15;
	vm0 =	veq.s32 v18, $0x0;
	v29 =	vld.idx.msk [tilespmem:v29+s13+$0x0], $0xffff;
	v18 =	vor.u32 v0, v57  }
0x130: {  	v25 =	vor.u32 v4, v57;
	v31 =	vor.u32 v3, v57;
	v18 =	vor.u32 v1, v18;
	v24 =	vld.idx.msk [tilespmem:v24+s13+$0x0], $0xffff  }
0x131: {  	v25 =	vor.u32 v16, v25;
	v31 =	vor.u32 v19, v31;
	v7 =	vor.u32 v2, v6;
	v2 =	vld [tilespmem:$0x1FFA0]  }
0x132: {  	v30 =	vld.idx.msk [tilespmem:v30+s13+$0x0], $0xffff;
	v12 =	vadd.s32 v7, v13;
	v7 =	vor.u32 v0, v9;
	v43 =	vshll.u32 v5, $0x10  }
0x133: {  	v46 =	vand.u32 $0xFFFF0000, v23;
	v47 =	vshll.u32 v23, $0x10;
	v54 =	vand.u32 $0xFFFF0000, v45  }
0x134: {  	v59 =	vshll.u32 v45, $0x10;
	v60 =	vshll.u32 v29, $0x10;
	v7 =	vor.u32 v1, v7  }
0x135: {  	v20 =	vor.u32 v0, v12;
	v26 =	vor.u32 v4, v12;
	v32 =	vor.u32 v3, v12  }
0x136: {  	v20 =	vor.u32 v1, v20;
	v26 =	vor.u32 v16, v26;
	v17 =	vor.u32 v2, v6;
	v2 =	vld [tilespmem:$0x1FF90]  }
0x137: {  	v32 =	vor.u32 v19, v32;
	v31 =	vld.idx.msk [tilespmem:v31+s13+$0x0], $0xffff;
	v39 =	vshll.u32 v24, $0x10;
	v52 =	vand.u32 $0xFFFF0000, v30  }
0x138: {  	v53 =	vshll.u32 v30, $0x10;
	v13 =	vadd.s32 v17, v14;
	v17 =	vor.u32 v0, v56  }
0x139: {  	v14 =	vimm.f32 $0.0e+00;
	v17 =	vor.u32 v1, v17;
	v21 =	vor.u32 v0, v13  }
0x13a: {  	v27 =	vor.u32 v4, v13;
	v33 =	vor.u32 v3, v13;
	v21 =	vor.u32 v1, v21  }
0x13b: {  	s22 =	simm.s32 $0x1;
	v18 =	vld.idx.msk [tilespmem:v18+s13+$0x0], $0xffff;
	v27 =	vor.u32 v16, v27;
	v33 =	vor.u32 v19, v33;
	v6 =	vor.u32 v2, v6  }
0x13c: {  	v25 =	vld.idx.msk [tilespmem:v25+s13+$0x0], $0xffff;
	v48 =	vand.u32 $0xFFFF0000, v31;
	v2 =	vadd.s32 v6, v15;
	v6 =	vmov s22  }
0x13d: {  	v7 =	vld.idx.msk [tilespmem:v7+s13+$0x0], $0xffff;
	v51 =	vshll.u32 v31, $0x10;
	v22 =	vand.u32 $0x5, v6;
	v0 =	vor.u32 v0, v2  }
0x13e: {  	[tilespmem:$0x1FF10] =	vst v8;
	v20 =	vld.idx.msk [tilespmem:v20+s13+$0x0], $0xffff;
	v6 =	vand.u32 $0x38, v6;
	v3 =	vor.u32 v3, v2;
	v0 =	vor.u32 v1, v0  }
0x13f: {  	v26 =	vld.idx.msk [tilespmem:v26+s13+$0x0], $0xffff;
	v1 =	vor.u32 v4, v8;
	v4 =	vor.u32 v4, v2;
	v34 =	vor.u32 v6, v8  }
0x140: {  	v32 =	vld.idx.msk [tilespmem:v32+s13+$0x0], $0xffff;
	v35 =	vor.u32 v6, v9;
	v36 =	vor.u32 v6, v57;
	v3 =	vor.u32 v19, v3  }
0x141: {  	v17 =	vld.idx.msk [tilespmem:v17+s13+$0x0], $0xffff;
	v37 =	vor.u32 v6, v12;
	v38 =	vor.u32 v6, v13;
	v1 =	vor.u32 v16, v1  }
0x142: {  	[tilespmem:$0x1FF20] =	vst v9;
	v21 =	vld.idx.msk [tilespmem:v21+s13+$0x0], $0xffff;
	v8 =	vand.u32 $0xFFFF0000, v5;
	v9 =	vand.u32 $0xFFFF0000, v7;
	v4 =	vor.u32 v16, v4  }
0x143: {  	v40 =	vld.idx.msk [tilespmem:v27+s13+$0x0], $0xffff;
	v7 =	vshll.u32 v7, $0x10;
	v5 =	vand.u32 $0xFFFF0000, v18;
	v19 =	vor.u32 v22, v34  }
0x144: {  	v18 =	vshll.u32 v18, $0x10;
	v27 =	vand.u32 $0xFFFF0000, v26;
	v35 =	vor.u32 v22, v35;
	v0 =	vld.idx.msk [tilespmem:v0+s13+$0x0], $0xffff  }
0x145: {  	[tilespmem:$0x1FF40] =	vst v57;
	v28 =	vshll.u32 v26, $0x10;
	v57 =	vand.u32 $0xFFFF0000, v29;
	v36 =	vor.u32 v22, v36;
	v3 =	vld.idx.msk [tilespmem:v3+s13+$0x0], $0xffff  }
0x146: {  	v45 =	vshll.u32 v32, $0x10;
	v16 =	vor.u32 v6, v56;
	v41 =	vor.u32 v22, v37;
	v1 =	vld.idx.msk [tilespmem:v1+s11+$0x0], $0xffff  }
0x147: {  	[tilespmem:$0x1FF70] =	vst v2;
	v6 =	vor.u32 v6, v2;
	v38 =	vor.u32 v22, v38;
	v2 =	vand.u32 $0xFFFF0000, v20;
	v4 =	vld.idx.msk [tilespmem:v4+s13+$0x0], $0xffff  }
0x148: {  	v20 =	vshll.u32 v20, $0x10;
	v37 =	vand.u32 $0xFFFF0000, v24;
	v16 =	vor.u32 v22, v16;
	v19 =	vld.idx.msk [tilespmem:v19+s11+$0x0], $0xffff  }
0x149: {  	v34 =	vshll.u32 v25, $0x10;
	v43 =	vsel vm6, v43, v8;
	v7 =	vsel vm5, v7, v9;
	v49 =	vld.idx.msk [tilespmem:v35+s13+$0x0], $0xffff  }
0x14a: {  	v5 =	vsel vm3, v18, v5;
	v18 =	vimm.f32 $0.0e+00;
	v6 =	vor.u32 v22, v6;
	v58 =	vld.idx.msk [tilespmem:v36+s13+$0x0], $0xffff  }
0x14b: {  	[tilespmem:$0x1FF30] =	vst v56;
	v10 =	vand.u32 $0xFFFF0000, v17;
	v63 =	vshll.u32 v17, $0x10;
	v56 =	vand.u32 $0xFFFF0000, v21;
	v30 =	vld.idx.msk [tilespmem:v41+s13+$0x0], $0xffff  }
0x14c: {  	v17 =	vshll.u32 v21, $0x10;
	v26 =	vshll.u32 v40, $0x10;
	v41 =	vand.u32 $0xFFFF0000, v32;
	v31 =	vld.idx.msk [tilespmem:v38+s13+$0x0], $0xffff  }
0x14d: {  	v56 =	vsel vm1, v17, v56;
	v17 =	vimm.f32 $0.0e+00;
	v16 =	vld.idx.msk [tilespmem:v16+s13+$0x0], $0xffff;
	v21 =	vand.u32 $0xFFFF0000, v0  }
0x14e: {  	v22 =	vshll.u32 v0, $0x10;
	v0 =	vld.idx.msk [tilespmem:v33+s13+$0x0], $0xffff;
	v33 =	vand.u32 $0xFFFF0000, v25;
	v25 =	vand.u32 $0xFFFF0000, v40  }
0x14f: {  	v6 =	vld.idx.msk [tilespmem:v6+s13+$0x0], $0xffff;
	v29 =	vand.u32 $0xFFFF0000, v3;
	v32 =	vshll.u32 v3, $0x10;
	v42 =	vand.u32 $0xFFFF0000, v1  }
0x150: {  	v44 =	vshll.u32 v1, $0x10;
	v23 =	vand.u32 $0xFFFF0000, v4;
	v24 =	vshll.u32 v4, $0x10  }
0x151: {  	v1 =	vand.u32 $0xFFFF0000, v19;
	v3 =	vand.u32 $0xFFFF0000, v49;
	v4 =	vshll.u32 v49, $0x10  }
0x152: {  	v55 =	vand.u32 $0xFFFF0000, v58;
	v58 =	vshll.u32 v58, $0x10;
	v49 =	vand.u32 $0xFFFF0000, v30  }
0x153: {  	v50 =	vshll.u32 v30, $0x10;
	v38 =	vand.u32 $0xFFFF0000, v31;
	v40 =	vshll.u32 v31, $0x10  }
0x154: {  	v61 =	vand.u32 $0xFFFF0000, v16;
	v62 =	vshll.u32 v16, $0x10;
	v30 =	vand.u32 $0xFFFF0000, v6  }
0x155: {  	[tilespmem:$0x1FF50] =	vst v12;
	v31 =	vshll.u32 v6, $0x10;
	v6 =	vsel vm4, v63, v10;
	v63 =	vsel vm2, v20, v2  }
0x156: {  	s1 =	sor.u32 $0x600, s31;
	s15 =	sor.u32 $0x800, s31;
	s12 =	sor.u32 $0xA00, s31;
	[tilespmem:$0x1FF60] =	vst v13;
	v20 =	vimm.f32 $0.0e+00;
	v2 =	vimm.f32 $0.0e+00;
	v35 =	vand.u32 $0xFFFF0000, v0  }
0x157: {  	s21 =	sor.u32 $0x200, s31;
	s20 =	sor.u32 $0x400, s31;
	s22 =	simm.s32 $0x4;
	[tilespmem:$0x1FF80] =	vst v2;
	v36 =	vshll.u32 v0, $0x10;
	v0 =	vshll.u32 v19, $0x10;
	v19 =	vimm.f32 $0.0e+00  }
.LBB2_6:
0x158: {  	v2 =	vsel vm0, v22, v21;
	v21 =	vsel vm6, v44, v42  }
0x159: {  	v22 =	vsel vm5, v47, v46;
	v37 =	vsel vm4, v39, v37;
	v33 =	vsel vm3, v34, v33  }
0x15a: {  	v27 =	vsel vm2, v28, v27;
	v28 =	vsel vm6, v59, v54;
	v25 =	vsel vm1, v26, v25  }
0x15b: {  	v23 =	vsel vm0, v24, v23;
	v24 =	vsel vm5, v60, v57;
	v26 =	vsel vm4, v53, v52  }
0x15c: {  	v51 =	vsel vm3, v51, v48;
	v52 =	vsel vm2, v45, v41;
	v35 =	vsel vm1, v36, v35  }
0x15d: {  	v29 =	vsel vm0, v32, v29;
	v7 =	vmul.f32 v7, v43;
	v6 =	vmul.f32 v6, v43  }
0x15e: {  	v0 =	vsel vm6, v0, v1;
	v1 =	vmul.f32 v5, v43;
	v3 =	vsel vm5, v4, v3  }
0x15f: {  	v5 =	vmul.f32 v63, v43;
	v53 =	vsel vm4, v62, v61;
	v3 =	vmul.f32 v3, v0  }
0x160: {  	v15 =	vmul.f32 v53, v0;
	v6 =	vadd.f32 v6, v20;
	v7 =	vadd.f32 v7, v14  }
0x161: {  	v4 =	vmul.f32 v56, v43;
	v54 =	vsel vm3, v58, v55;
	v24 =	vmul.f32 v24, v28  }
0x162: {  	v6 =	vadd.f32 v15, v6;
	v3 =	vadd.f32 v3, v7;
	v7 =	vmul.f32 v26, v28  }
0x163: {  	v30 =	vsel vm0, v31, v30;
	v22 =	vmul.f32 v22, v21;
	v55 =	vmul.f32 v37, v21  }
0x164: {  	v20 =	vsel vm2, v50, v49;
	v3 =	vadd.f32 v24, v3;
	v6 =	vadd.f32 v7, v6  }
0x165: {  	v2 =	vmul.f32 v2, v43;
	v1 =	vadd.f32 v1, v19;
	v56 =	vmul.f32 v20, v0  }
0x166: {  	v24 =	vmul.f32 v54, v0;
	v3 =	vadd.f32 v22, v3;
	v20 =	vadd.f32 v55, v6;
	v6 =	vld [tilespmem:$0x1FF80]  }
0x167: {  	v33 =	vmul.f32 v33, v21;
	v27 =	vmul.f32 v27, v21;
	v26 =	vsel vm1, v40, v38  }
0x168: {  	v7 =	vmul.f32 v51, v28;
	v1 =	vadd.f32 v24, v1;
	[tilespmem:$0x1FF00] =	vst v3;
	v3 =	vadd.f32 v5, v18  }
0x169: {  	v31 =	vmul.f32 v52, v28;
	v4 =	vadd.f32 v4, v17;
	v5 =	vmul.f32 v26, v0  }
0x16a: {  	v9 =	vld [tilespmem:$0x1FF20];
	v0 =	vmul.f32 v30, v0;
	v1 =	vadd.f32 v7, v1;
	v3 =	vadd.f32 v56, v3  }
0x16b: {  	v10 =	vld [tilespmem:$0x1FF30];
	v4 =	vadd.f32 v5, v4;
	v2 =	vadd.f32 v2, v6;
	v6 =	vmul.f32 v35, v28  }
0x16c: {  	v11 =	vld [tilespmem:$0x1FF40];
	v5 =	vmul.f32 v25, v21;
	v19 =	vadd.f32 v33, v1;
	v3 =	vadd.f32 v31, v3  }
0x16d: {  	s6 =	sadd.s32 $0x3, s22;
	v12 =	vld [tilespmem:$0x1FF50];
	v0 =	vadd.f32 v0, v2;
	v2 =	vmul.f32 v29, v28;
	v4 =	vadd.f32 v6, v4  }
0x16e: {  	v13 =	vld [tilespmem:$0x1FF60];
	v1 =	vmov s22;
	v18 =	vadd.f32 v27, v3;
	v3 =	vmov s6  }
0x16f: {  	s7 =	sadd.s32 $0x1, s22;
	v0 =	vadd.f32 v2, v0;
	v2 =	vmul.f32 v23, v21;
	v17 =	vadd.f32 v5, v4  }
0x170: {  	v8 =	vld [tilespmem:$0x1FF10];
	v5 =	vmov s7;
	v7 =	vand.u32 $0x7, v3;
	v3 =	vand.u32 $0x38, v3  }
0x171: {  	v26 =	vand.u32 $0x5, v5;
	v5 =	vand.u32 $0x38, v5;
	v27 =	vor.u32 v3, v9  }
0x172: {  	v28 =	vor.u32 v3, v10;
	v29 =	vor.u32 v3, v11;
	v30 =	vor.u32 v3, v12  }
0x173: {  	s5 =	sadd.s32 $0x2, s22;
	v31 =	vor.u32 v3, v13;
	v0 =	vadd.f32 v2, v0;
	v27 =	vor.u32 v7, v27  }
0x174: {  	v2 =	vmov s5;
	v28 =	vor.u32 v7, v28;
	v29 =	vor.u32 v7, v29  }
0x175: {  	v30 =	vor.u32 v7, v30;
	v31 =	vor.u32 v7, v31;
	v63 =	vor.u32 v5, v8  }
0x176: {  	v14 =	vld [tilespmem:$0x1FF70];
	v45 =	vor.u32 v5, v11;
	v23 =	vand.u32 $0x6, v2;
	v2 =	vand.u32 $0x38, v2  }
0x177: {  	v46 =	vor.u32 v5, v12;
	[tilespmem:$0x1FF80] =	vst v0;
	v0 =	vand.u32 $0x38, v1;
	v57 =	vor.u32 v2, v8  }
0x178: {  	v1 =	vand.u32 $0x4, v1;
	v59 =	vor.u32 v2, v10;
	v32 =	vor.u32 v23, v57;
	v27 =	vld.idx.msk [tilespmem:v27+s13+$0x0], $0xffff  }
0x179: {  	v58 =	vor.u32 v2, v9;
	v60 =	vor.u32 v2, v11;
	v34 =	vor.u32 v23, v59;
	v28 =	vld.idx.msk [tilespmem:v28+s13+$0x0], $0xffff  }
0x17a: {  	v61 =	vor.u32 v2, v12;
	v62 =	vor.u32 v2, v13;
	v35 =	vor.u32 v23, v60;
	v29 =	vld.idx.msk [tilespmem:v29+s13+$0x0], $0xffff  }
0x17b: {  	v2 =	vor.u32 v2, v14;
	v4 =	vor.u32 v0, v8;
	v36 =	vor.u32 v23, v61;
	v30 =	vld.idx.msk [tilespmem:v30+s13+$0x0], $0xffff  }
0x17c: {  	v33 =	vor.u32 v23, v58;
	v37 =	vor.u32 v23, v62;
	v2 =	vor.u32 v23, v2;
	v23 =	vld.idx.msk [tilespmem:v31+s13+$0x0], $0xffff  }
0x17d: {  	v47 =	vor.u32 v5, v13;
	v6 =	vor.u32 v0, v9;
	v4 =	vor.u32 v1, v4;
	v32 =	vld.idx.msk [tilespmem:v32+s11+$0x0], $0xffff  }
0x17e: {  	v40 =	vor.u32 v26, v45;
	v21 =	vor.u32 v0, v10;
	v6 =	vor.u32 v1, v6;
	v50 =	vld.idx.msk [tilespmem:v34+s13+$0x0], $0xffff  }
0x17f: {  	v41 =	vor.u32 v26, v46;
	v22 =	vor.u32 v0, v11;
	v21 =	vor.u32 v1, v21;
	v35 =	vld.idx.msk [tilespmem:v35+s13+$0x0], $0xffff  }
0x180: {  	v49 =	vor.u32 v26, v47;
	v24 =	vor.u32 v0, v12;
	v22 =	vor.u32 v1, v22;
	v36 =	vld.idx.msk [tilespmem:v36+s13+$0x0], $0xffff  }
0x181: {  	v25 =	vor.u32 v0, v13;
	v0 =	vor.u32 v0, v14;
	v24 =	vor.u32 v1, v24;
	v2 =	vld.idx.msk [tilespmem:v2+s13+$0x0], $0xffff  }
0x182: {  	v9 =	vor.u32 v5, v9;
	v25 =	vor.u32 v1, v25;
	v0 =	vor.u32 v1, v0;
	v4 =	vld.idx.msk [tilespmem:v4+s11+$0x0], $0xffff  }
0x183: {  	v1 =	vor.u32 v3, v8;
	v3 =	vor.u32 v3, v14;
	v48 =	vor.u32 v26, v9;
	v6 =	vld.idx.msk [tilespmem:v6+s13+$0x0], $0xffff  }
0x184: {  	v1 =	vor.u32 v7, v1;
	v3 =	vor.u32 v7, v3;
	v7 =	vor.u32 v5, v10;
	v21 =	vld.idx.msk [tilespmem:v21+s13+$0x0], $0xffff  }
0x185: {  	v5 =	vor.u32 v5, v14;
	v31 =	vor.u32 v26, v63;
	v7 =	vor.u32 v26, v7;
	v22 =	vld.idx.msk [tilespmem:v22+s13+$0x0], $0xffff  }
0x186: {  	v24 =	vld.idx.msk [tilespmem:v24+s13+$0x0], $0xffff;
	v46 =	vand.u32 $0xFFFF0000, v27;
	v47 =	vshll.u32 v27, $0x10;
	v39 =	vshll.u32 v28, $0x10  }
0x187: {  	v25 =	vld.idx.msk [tilespmem:v25+s13+$0x0], $0xffff;
	v34 =	vshll.u32 v29, $0x10;
	v27 =	vand.u32 $0xFFFF0000, v30;
	v54 =	vand.u32 $0xFFFF0000, v32  }
0x188: {  	v0 =	vld.idx.msk [tilespmem:v0+s13+$0x0], $0xffff;
	v59 =	vshll.u32 v32, $0x10;
	v52 =	vand.u32 $0xFFFF0000, v50;
	v53 =	vshll.u32 v50, $0x10  }
0x189: {  	v38 =	vld.idx.msk [tilespmem:v48+s13+$0x0], $0xffff;
	v48 =	vand.u32 $0xFFFF0000, v35;
	v51 =	vshll.u32 v35, $0x10;
	v45 =	vshll.u32 v36, $0x10  }
0x18a: {  	v1 =	vld.idx.msk [tilespmem:v1+s11+$0x0], $0xffff;
	v32 =	vshll.u32 v2, $0x10;
	v56 =	vand.u32 $0xFFFF0000, v4;
	v63 =	vshll.u32 v4, $0x10  }
0x18b: {  	v3 =	vld.idx.msk [tilespmem:v3+s13+$0x0], $0xffff;
	v4 =	vor.u32 v26, v5;
	v8 =	vand.u32 $0xFFFF0000, v6;
	v6 =	vshll.u32 v6, $0x10  }
0x18c: {  	v31 =	vld.idx.msk [tilespmem:v31+s11+$0x0], $0xffff;
	v9 =	vand.u32 $0xFFFF0000, v21;
	v10 =	vshll.u32 v21, $0x10;
	v11 =	vand.u32 $0xFFFF0000, v22  }
0x18d: {  	v7 =	vld.idx.msk [tilespmem:v7+s13+$0x0], $0xffff;
	v12 =	vshll.u32 v22, $0x10;
	v13 =	vand.u32 $0xFFFF0000, v24;
	v14 =	vshll.u32 v24, $0x10  }
0x18e: {  	v5 =	vld.idx.msk [tilespmem:v33+s13+$0x0], $0xffff;
	v15 =	vand.u32 $0xFFFF0000, v25;
	v16 =	vshll.u32 v25, $0x10;
	v21 =	vand.u32 $0xFFFF0000, v0  }
0x18f: {  	v22 =	vshll.u32 v0, $0x10;
	v0 =	vld.idx.msk [tilespmem:v37+s13+$0x0], $0xffff;
	v37 =	vand.u32 $0xFFFF0000, v28;
	v33 =	vand.u32 $0xFFFF0000, v29  }
0x190: {  	v28 =	vshll.u32 v30, $0x10;
	v25 =	vand.u32 $0xFFFF0000, v23;
	v26 =	vshll.u32 v23, $0x10;
	v30 =	vld.idx.msk [tilespmem:v40+s13+$0x0], $0xffff  }
0x191: {  	v40 =	vld.idx.msk [tilespmem:v41+s13+$0x0], $0xffff;
	v41 =	vand.u32 $0xFFFF0000, v36;
	v29 =	vand.u32 $0xFFFF0000, v2;
	v42 =	vand.u32 $0xFFFF0000, v1  }
0x192: {  	v44 =	vshll.u32 v1, $0x10;
	v23 =	vand.u32 $0xFFFF0000, v3;
	v24 =	vshll.u32 v3, $0x10  }
0x193: {  	v1 =	vand.u32 $0xFFFF0000, v31;
	v57 =	vand.u32 $0xFFFF0000, v5;
	v60 =	vshll.u32 v5, $0x10;
	v5 =	vld.idx.msk [tilespmem:v49+s13+$0x0], $0xffff  }
0x194: {  	v3 =	vand.u32 $0xFFFF0000, v38;
	v61 =	vand.u32 $0xFFFF0000, v7;
	v62 =	vshll.u32 v7, $0x10;
	v43 =	vld.idx.msk [tilespmem:v4+s13+$0x0], $0xffff  }
0x195: {  	p0 =	sne.s32 s22, $0x3C;
	v7 =	vsel vm5, v6, v8;
	v6 =	vsel vm4, v10, v9;
	v35 =	vand.u32 $0xFFFF0000, v0  }
.Ltmp3:
0x196: {  	v36 =	vshll.u32 v0, $0x10;
	v0 =	vshll.u32 v31, $0x10;
	v4 =	vshll.u32 v38, $0x10;
	(pc) =	sbr.rel @p0 .LBB2_6-.Ltmp3, $4  }
0x197: {  	v55 =	vand.u32 $0xFFFF0000, v30;
	v58 =	vshll.u32 v30, $0x10;
	v49 =	vand.u32 $0xFFFF0000, v40  }
0x198: {  	v50 =	vshll.u32 v40, $0x10;
	v38 =	vand.u32 $0xFFFF0000, v5;
	v40 =	vshll.u32 v5, $0x10  }
0x199: {  	v30 =	vand.u32 $0xFFFF0000, v43;
	v31 =	vshll.u32 v43, $0x10;
	v43 =	vsel vm6, v63, v56  }
0x19a: {  	s22 =	sadd.s32 $0x4, s22;
	v5 =	vsel vm3, v12, v11;
	v63 =	vsel vm2, v14, v13;
	v14 =	vld [tilespmem:$0x1FF00];
	v56 =	vsel vm1, v16, v15  }
0x19b: {  	_ =	sdelay $0x1  }
0x19c: {  	v2 =	vmul.f32 v7, v43  }
0x19d: {  	v0 =	vsel vm6, v0, v1;
	v16 =	vsel vm5, v4, v3  }
0x19e: {  	v1 =	vmul.f32 v16, v0;
	v2 =	vadd.f32 v2, v14  }
0x19f: {  	v3 =	vsel vm6, v59, v54;
	v59 =	vsel vm5, v60, v57  }
0x1a0: {  	v4 =	vmul.f32 v59, v3;
	v1 =	vadd.f32 v1, v2  }
0x1a1: {  	v60 =	vsel vm5, v47, v46;
	v2 =	vsel vm6, v44, v42  }
0x1a2: {  	v7 =	vmul.f32 v60, v2;
	v1 =	vadd.f32 v4, v1;
	_ =	sdelay $0x1  }
0x1a3: {  	v1 =	vadd.f32 v7, v1;
	_ =	sdelay $0x1  }
0x1a4: {  	v11 =	vsub.f32 $0.0e+00, v1;
	_ =	sdelay $0x1  }
0x1a5: {  	v1 =	vand.u32 $0x7FFFFFFF, v11  }
0x1a6: {  	v9 =	vmul.f32 v6, v43;
	v1 =	vsub.f32 $0.0e+00, v1  }
0x1a7: {  	v10 =	vsel vm4, v62, v61  }
0x1a8: {  	v6 =	vmul.f32 v10, v0;
	v4 =	vadd.f32 v9, v20;
	v1 =	vmul.f32 $1.442695020e+00, v1  }
0x1a9: {  	v12 =	vsel vm4, v53, v52  }
0x1aa: {  	v13 =	vmul.f32 v12, v3;
	v4 =	vadd.f32 v6, v4;
	(erf) = vpow2.f32 v1  }
0x1ab: {  	v14 =	vsel vm4, v39, v37  }
0x1ac: {  	v4 =	vadd.f32 v13, v4;
	v1 =	vmul.f32 v14, v2;
	_ =	sdelay $0x1  }
0x1ad: {  	v1 =	vadd.f32 v1, v4;
	_ =	sdelay $0x1  }
0x1ae: {  	v8 =	vsub.f32 $0.0e+00, v1;
	_ =	sdelay $0x1  }
0x1af: {  	v1 =	vand.u32 $0x7FFFFFFF, v8  }
0x1b0: {  	v15 =	vmul.f32 v5, v43;
	v1 =	vsub.f32 $0.0e+00, v1;
	v5 =	vpop (erf)  }
0x1b1: {  	v16 =	vsel vm3, v58, v55;
	v20 =	vadd.f32 $2.000000000e+00, v5  }
0x1b2: {  	v6 =	vmul.f32 v16, v0;
	v4 =	vadd.f32 v15, v19;
	v1 =	vmul.f32 $1.442695020e+00, v1  }
0x1b3: {  	v9 =	vsel vm3, v51, v48;
	(erf) = vrcp.f32 v20  }
0x1b4: {  	v37 =	vmul.f32 v9, v3;
	v4 =	vadd.f32 v6, v4;
	(erf) = vpow2.f32 v1  }
0x1b5: {  	v39 =	vsel vm3, v34, v33  }
0x1b6: {  	v4 =	vadd.f32 v37, v4;
	v1 =	vmul.f32 v39, v2;
	_ =	sdelay $0x1  }
0x1b7: {  	v1 =	vadd.f32 v1, v4;
	_ =	sdelay $0x1  }
0x1b8: {  	v9 =	vsub.f32 $0.0e+00, v1;
	_ =	sdelay $0x1  }
0x1b9: {  	v44 =	vand.u32 $0x7FFFFFFF, v9;
	v42 =	vpop (erf)  }
0x1ba: {  	v46 =	vmul.f32 v63, v43;
	v4 =	vsub.f32 $0.0e+00, v44;
	v47 =	vpop (erf)  }
0x1bb: {  	v10 =	vsel vm2, v50, v49;
	v12 =	vadd.f32 $2.000000000e+00, v47  }
0x1bc: {  	v10 =	vmul.f32 v10, v0;
	v6 =	vadd.f32 v46, v18;
	v4 =	vmul.f32 $1.442695020e+00, v4  }
0x1bd: {  	v13 =	vsel vm2, v45, v41;
	(erf) = vrcp.f32 v12  }
0x1be: {  	v48 =	vmul.f32 v13, v3;
	v6 =	vadd.f32 v10, v6;
	(erf) = vpow2.f32 v4  }
0x1bf: {  	v49 =	vsel vm2, v28, v27  }
0x1c0: {  	v6 =	vadd.f32 v48, v6;
	v4 =	vmul.f32 v49, v2;
	_ =	sdelay $0x1  }
0x1c1: {  	v4 =	vadd.f32 v4, v6;
	_ =	sdelay $0x1  }
0x1c2: {  	v10 =	vsub.f32 $0.0e+00, v4;
	_ =	sdelay $0x1  }
0x1c3: {  	v51 =	vand.u32 $0x7FFFFFFF, v10;
	v50 =	vpop (erf)  }
0x1c4: {  	v52 =	vmul.f32 v56, v43;
	v6 =	vsub.f32 $0.0e+00, v51;
	v53 =	vpop (erf)  }
0x1c5: {  	v54 =	vsel vm1, v40, v38;
	v15 =	vadd.f32 $2.000000000e+00, v53  }
0x1c6: {  	v14 =	vmul.f32 v54, v0;
	v12 =	vadd.f32 v52, v17;
	v6 =	vmul.f32 $1.442695020e+00, v6  }
0x1c7: {  	v16 =	vsel vm1, v36, v35;
	(erf) = vrcp.f32 v15  }
0x1c8: {  	v55 =	vmul.f32 v16, v3;
	v12 =	vadd.f32 v14, v12;
	(erf) = vpow2.f32 v6  }
0x1c9: {  	v56 =	vsel vm1, v26, v25  }
0x1ca: {  	v12 =	vadd.f32 v55, v12;
	v6 =	vmul.f32 v56, v2;
	_ =	sdelay $0x1  }
0x1cb: {  	v6 =	vadd.f32 v6, v12;
	_ =	sdelay $0x1  }
0x1cc: {  	v63 =	vld [tilespmem:$0x1FF80];
	v6 =	vsub.f32 $0.0e+00, v6;
	_ =	sdelay $0x1  }
0x1cd: {  	v57 =	vsel vm0, v22, v21;
	v59 =	vand.u32 $0x7FFFFFFF, v6;
	v58 =	vpop (erf)  }
0x1ce: {  	v12 =	vmul.f32 v57, v43;
	v15 =	vsub.f32 $0.0e+00, v59;
	v60 =	vpop (erf)  }
0x1cf: {  	v61 =	vsel vm0, v31, v30;
	v62 =	vadd.f32 $2.000000000e+00, v60  }
0x1d0: {  	v0 =	vmul.f32 v61, v0;
	v12 =	vadd.f32 v12, v63;
	v15 =	vmul.f32 $1.442695020e+00, v15  }
0x1d1: {  	v20 =	vsel vm0, v32, v29;
	(erf) = vrcp.f32 v62  }
0x1d2: {  	v3 =	vmul.f32 v20, v3;
	v0 =	vadd.f32 v0, v12;
	(erf) = vpow2.f32 v15  }
0x1d3: {  	v21 =	vsel vm0, v24, v23  }
0x1d4: {  	v2 =	vmul.f32 v21, v2;
	v0 =	vadd.f32 v3, v0;
	_ =	sdelay $0x1  }
0x1d5: {  	v0 =	vadd.f32 v2, v0;
	_ =	sdelay $0x1  }
0x1d6: {  	v0 =	vsub.f32 $0.0e+00, v0;
	_ =	sdelay $0x1  }
0x1d7: {  	v23 =	vand.u32 $0x7FFFFFFF, v0;
	v22 =	vpop (erf)  }
0x1d8: {  	v3 =	vsub.f32 $0.0e+00, v23;
	v24 =	vpop (erf)  }
0x1d9: {  	v25 =	vadd.f32 $2.000000000e+00, v24  }
0x1da: {  	v3 =	vmul.f32 $1.442695020e+00, v3  }
0x1db: {  	(erf) = vrcp.f32 v25  }
0x1dc: {  	(erf) = vpow2.f32 v3;
	_ =	sdelay $0x6  }
0x1dd: {  	v1 =	vmul.f32 v42, v5  }
0x1de: {  	v15 =	vpop (erf)  }
0x1df: {  	v26 =	vmul.f32 v1, v1;
	v28 =	vpop (erf)  }
0x1e0: {  	v30 =	vadd.f32 $2.000000000e+00, v28  }
0x1e1: {  	v27 =	vmul.f32 $9.090909360e-02, v26  }
0x1e2: {  	v4 =	vmul.f32 v50, v47;
	(erf) = vrcp.f32 v30  }
0x1e3: {  	v5 =	vadd.f32 $1.111111120e-01, v27  }
0x1e4: {  	v29 =	vmul.f32 v4, v4  }
0x1e5: {  	v5 =	vmul.f32 v5, v26  }
0x1e6: {  	v31 =	vmul.f32 $9.090909360e-02, v29  }
0x1e7: {  	v5 =	vadd.f32 $1.428571490e-01, v5  }
0x1e8: {  	v32 =	vadd.f32 $1.111111120e-01, v31  }
0x1e9: {  	v11 =	vmin.f32 v11, $0.0e+00;
	v5 =	vmul.f32 v5, v26;
	v2 =	vmul.f32 v22, v60  }
0x1ea: {  	v8 =	vmin.f32 v8, $0.0e+00;
	v18 =	vmul.f32 v32, v29;
	v13 =	vmul.f32 v58, v53  }
0x1eb: {  	v1 =	vadd.f32 v1, v1;
	v36 =	vmul.f32 v2, v2;
	v12 =	vmul.f32 v15, v24;
	v35 =	vpop (erf)  }
0x1ec: {  	v55 =	vmin.f32 v9, $0.0e+00;
	v34 =	vmul.f32 v13, v13;
	v7 =	vmul.f32 v35, v28  }
0x1ed: {  	v18 =	vadd.f32 $1.428571490e-01, v18;
	v39 =	vmul.f32 $9.090909360e-02, v36;
	v38 =	vmul.f32 v12, v12  }
0x1ee: {  	v5 =	vadd.f32 $2.000000030e-01, v5;
	v37 =	vmul.f32 $9.090909360e-02, v34;
	v40 =	vmul.f32 v7, v7  }
0x1ef: {  	v33 =	vmul.f32 v18, v29;
	v20 =	vadd.f32 $1.111111120e-01, v39;
	v41 =	vmul.f32 $9.090909360e-02, v38  }
0x1f0: {  	v5 =	vmul.f32 v5, v26;
	v15 =	vadd.f32 $1.111111120e-01, v37;
	v42 =	vmul.f32 $9.090909360e-02, v40  }
0x1f1: {  	v14 =	vadd.f32 $2.000000030e-01, v33;
	v20 =	vmul.f32 v20, v36;
	v44 =	vadd.f32 $1.111111120e-01, v41  }
0x1f2: {  	v5 =	vadd.f32 $3.333333430e-01, v5;
	v43 =	vmul.f32 v15, v34;
	v45 =	vadd.f32 $1.111111120e-01, v42  }
0x1f3: {  	v14 =	vmul.f32 v14, v29;
	v20 =	vadd.f32 $1.428571490e-01, v20;
	v15 =	vmul.f32 v44, v38  }
0x1f4: {  	v3 =	vmul.f32 v5, v26;
	v5 =	vadd.f32 $1.428571490e-01, v43;
	v22 =	vmul.f32 v45, v40  }
0x1f5: {  	v4 =	vadd.f32 v4, v4;
	v46 =	vmul.f32 v20, v36;
	v15 =	vadd.f32 $1.428571490e-01, v15  }
0x1f6: {  	v14 =	vadd.f32 $3.333333430e-01, v14;
	v5 =	vmul.f32 v5, v34;
	v47 =	vadd.f32 $1.428571490e-01, v22  }
0x1f7: {  	v3 =	vadd.f32 $1.000000000e+00, v3;
	v50 =	vadd.f32 $2.000000030e-01, v46;
	v49 =	vmul.f32 v15, v38  }
0x1f8: {  	v14 =	vmul.f32 v14, v29;
	v48 =	vadd.f32 $2.000000030e-01, v5;
	v51 =	vmul.f32 v47, v40  }
0x1f9: {  	v1 =	vmul.f32 v3, v1;
	v52 =	vmul.f32 v50, v36;
	v5 =	vadd.f32 $2.000000030e-01, v49  }
0x1fa: {  	v14 =	vadd.f32 $1.000000000e+00, v14;
	v3 =	vmul.f32 v48, v34;
	v53 =	vadd.f32 $2.000000030e-01, v51  }
0x1fb: {  	v1 =	vsub.f32 v11, v1;
	v11 =	vadd.f32 $3.333333430e-01, v52;
	v5 =	vmul.f32 v5, v38  }
0x1fc: {  	v4 =	vmul.f32 v14, v4;
	v3 =	vadd.f32 $3.333333430e-01, v3;
	v54 =	vmul.f32 v53, v40  }
0x1fd: {  	v13 =	vadd.f32 v13, v13;
	v56 =	vmul.f32 v11, v36;
	v5 =	vadd.f32 $3.333333430e-01, v5  }
0x1fe: {  	v4 =	vsub.f32 v8, v4;
	v3 =	vmul.f32 v3, v34;
	v57 =	vadd.f32 $3.333333430e-01, v54  }
0x1ff: {  	v2 =	vadd.f32 v2, v2;
	v9 =	vadd.f32 $1.000000000e+00, v56;
	v5 =	vmul.f32 v5, v38  }
0x200: {  	v60 =	vmin.f32 v10, $0.0e+00;
	v3 =	vadd.f32 $1.000000000e+00, v3;
	v11 =	vmul.f32 v57, v40  }
0x201: {  	v12 =	vadd.f32 v12, v12;
	v2 =	vmul.f32 v9, v2;
	v5 =	vadd.f32 $1.000000000e+00, v5  }
0x202: {  	s29 =	sadd.s32 $0x1, s29;
	v7 =	vadd.f32 v7, v7;
	v3 =	vmul.f32 v3, v13;
	v58 =	vadd.f32 $1.000000000e+00, v11  }
0x203: {  	p0 =	sne.s32 s29, $0x4;
	[tilespmem:s21+$0x1EC00] =	vst v4;
	v2 =	vsub.f32 v60, v2;
	v5 =	vmul.f32 v5, v12  }
.Ltmp4:
0x204: {  	v61 =	vmin.f32 v6, $0.0e+00;
	[tilespmem:s31+$0x1EC00] =	vst v1;
	v59 =	vsub.f32 v55, v3;
	v62 =	vmul.f32 v58, v7;
	(pc) =	sbr.rel @p0 .LBB2_5-.Ltmp4, $4  }
0x205: {  	v0 =	vmin.f32 v0, $0.0e+00;
	[tilespmem:s1+$0x1EC00] =	vst v2;
	v63 =	vsub.f32 v61, v5  }
0x206: {  	[tilespmem:s20+$0x1EC00] =	vst v59;
	v0 =	vsub.f32 v0, v62  }
0x207: {  	[tilespmem:s15+$0x1EC00] =	vst v63  }
0x208: {  	[tilespmem:s12+$0x1EC00] =	vst v0  }
0x209: {  	p0 =	seq.s32 s24, $0x3  }
0x20a: {  	s1 =	sadd.s32 @!p0 $0x1080, s26;
	s5 =	simm.s32 @!p0 $0x40;
	s6 =	simm.s32 @!p0 $0x2C00  }
0x20b: {  	[tilespmem:s6], [sflag:$0x1] =	stream.indirect.gather @!p0 [hbm4b:s2+s5], $0x80, s1, s5, $0xb8;
	[tilespmem:$0x1F800] =	vst v63  }
0x20c: {  	s1 =	sadd.s32 @!p0 $0x1280, s26;
	s6 =	simm.s32 @!p0 $0x6C00  }
0x20d: {  	[tilespmem:s6], [sflag:$0x1] =	stream.indirect.gather @!p0 [hbm4b:s3+s5], $0x80, s1, s5, $0xb8;
	[tilespmem:$0x1F800] =	vst v63  }
0x20e: {  	s1 =	sadd.s32 @!p0 $0x1480, s26;
	s6 =	simm.s32 @!p0 $0x8C00  }
0x20f: {  	[tilespmem:s6], [sflag:$0x1] =	stream.indirect.gather @!p0 [hbm4b:s3+s5], $0x80, s1, s5, $0xb8;
	[tilespmem:$0x1F800] =	vst v63  }
0x210: {  	s1 =	sadd.s32 @!p0 $0x1680, s26;
	s6 =	simm.s32 @!p0 $0xAC00  }
0x211: {  	[tilespmem:s6], [sflag:$0x1] =	stream.indirect.gather @!p0 [hbm4b:s3+s5], $0x80, s1, s5, $0xb8;
	[tilespmem:$0x1F800] =	vst v63  }
0x212: {  	s1 =	sadd.s32 @!p0 $0x1880, s26;
	s6 =	simm.s32 @!p0 $0xCC00  }
0x213: {  	[tilespmem:s6], [sflag:$0x1] =	stream.indirect.gather @!p0 [hbm4b:s3+s5], $0x80, s1, s5, $0xb8;
	[tilespmem:$0x1F800] =	vst v63  }
0x214: {  	s1 =	sadd.s32 @!p0 $0x1A80, s26;
	s6 =	simm.s32 @!p0 $0xEC00  }
0x215: {  	[tilespmem:s6], [sflag:$0x1] =	stream.indirect.gather @!p0 [hbm4b:s3+s5], $0x80, s1, s5, $0xb8;
	[tilespmem:$0x1F800] =	vst v63  }
0x216: {  	s1 =	sadd.s32 @!p0 $0x1C80, s26;
	s6 =	simm.s32 @!p0 $0x10C00  }
0x217: {  	[tilespmem:s6], [sflag:$0x1] =	stream.indirect.gather @!p0 [hbm4b:s3+s5], $0x80, s1, s5, $0xb8;
	[tilespmem:$0x1F800] =	vst v63  }
0x218: {  	_ =	swait.ge [sflag:s19], $0x2000  }
0x219: {  	[sflag:s19] =	ssyncset.done $0x0  }
0x21a: {  	[sflag:s19] =	ssyncadd.s32 $0xFFFFE000  }
0x21b: {  	_ =	swait.ge [sflag:s19], $0x2000  }
0x21c: {  	[sflag:s19] =	ssyncset.done $0x0  }
0x21d: {  	[sflag:s19] =	ssyncadd.s32 $0xFFFFE000  }
0x21e: {  	_ =	swait.ge [sflag:s19], $0x2000  }
0x21f: {  	[sflag:s19] =	ssyncset.done $0x0  }
0x220: {  	[sflag:s19] =	ssyncadd.s32 $0xFFFFE000  }
0x221: {  	_ =	swait.ge [sflag:s19], $0x2000  }
0x222: {  	[sflag:s19] =	ssyncset.done $0x0  }
0x223: {  	[sflag:s19] =	ssyncadd.s32 $0xFFFFE000  }
0x224: {  	_ =	swait.ge [sflag:s19], $0x2000  }
0x225: {  	[sflag:s19] =	ssyncset.done $0x0  }
0x226: {  	[sflag:s19] =	ssyncadd.s32 $0xFFFFE000  }
0x227: {  	_ =	swait.ge [sflag:s19], $0x2000  }
0x228: {  	[sflag:s19] =	ssyncset.done $0x0  }
0x229: {  	[sflag:s19] =	ssyncadd.s32 $0xFFFFE000  }
0x22a: {  	_ =	swait.ge [sflag:s19], $0x2000  }
0x22b: {  	[sflag:s19] =	ssyncset.done $0x0  }
0x22c: {  	s29 =	simm.s32 $0x0;
	s31 =	simm.s32 $0x0;
	[sflag:s19] =	ssyncadd.s32 $0xFFFFE000  }
.LBB2_9:
0x22d: {  	s1 =	sshll.u32 s31, $0x4  }
0x22e: {  	s5 =	sor.u32 s26, s1  }
0x22f: {  	v1 =	vld [tilespmem:s5+$0x2040]  }
0x230: {  	v2 =	vld [tilespmem:s5+$0x2240]  }
0x231: {  	v3 =	vld [tilespmem:s5+$0x2440]  }
0x232: {  	v4 =	vld [tilespmem:s5+$0x2640]  }
0x233: {  	v7 =	vld [tilespmem:s5+$0x2840]  }
0x234: {  	v9 =	vld [tilespmem:s5+$0x2A40];
	v8 =	vshll.u32 v1, $0x5  }
0x235: {  	v0 =	vld [tilespmem:s5+$0x1E40];
	v10 =	vand.u32 $0xFFFFFFC0, v8;
	v8 =	vshll.u32 v2, $0x5  }
0x236: {  	v11 =	vand.u32 $0xFFFFFFC0, v8;
	v8 =	vshll.u32 v3, $0x5  }
0x237: {  	v12 =	vand.u32 $0xFFFFFFC0, v8;
	v8 =	vshll.u32 v4, $0x5  }
0x238: {  	v5 =	vmov s1;
	v13 =	vand.u32 $0xFFFFFFC0, v8;
	v8 =	vshll.u32 v7, $0x5  }
0x239: {  	v5 =	vshll.u32 v5, $0x7;
	v14 =	vand.u32 $0xFFFFFFC0, v8;
	v8 =	vshll.u32 v9, $0x5  }
0x23a: {  	v6 =	vshll.u32 v0, $0x5;
	v0 =	vand.u32 $0x1, v0;
	v15 =	vand.u32 $0xFFFFFFC0, v8;
	v8 =	vld [tilespmem:$0x1FFD0]  }
0x23b: {  	v1 =	vand.u32 $0x1, v1;
	v6 =	vand.u32 $0xFFFFFFC0, v6;
	v2 =	vand.u32 $0x1, v2  }
0x23c: {  	vm5 =	veq.s32 v1, $0x0;
	v1 =	vmov s29;
	vm6 =	veq.s32 v0, $0x0  }
0x23d: {  	s21 =	simm.s32 $0x2;
	v3 =	vand.u32 $0x1, v3;
	vm4 =	veq.s32 v2, $0x0;
	v0 =	vand.u32 $0x38, v1  }
0x23e: {  	s6 =	simm.s32 $0x3;
	v2 =	vmov s21;
	v1 =	vand.u32 $0x4, v1;
	v4 =	vand.u32 $0x1, v4  }
0x23f: {  	vm3 =	veq.s32 v3, $0x0;
	v3 =	vmov s6;
	v16 =	vor.u32 v8, v5  }
0x240: {  	v18 =	vand.u32 $0x6, v2;
	v7 =	vand.u32 $0x1, v7;
	v63 =	vadd.s32 v16, v6;
	v6 =	vld [tilespmem:$0x1FFE0]  }
0x241: {  	vm2 =	veq.s32 v4, $0x0;
	vm1 =	veq.s32 v7, $0x0;
	v7 =	vand.u32 $0x7, v3  }
0x242: {  	v3 =	vand.u32 $0x38, v3;
	v10 =	vadd.s32 v16, v10;
	v4 =	vor.u32 v0, v63  }
0x243: {  	v2 =	vand.u32 $0x38, v2;
	v22 =	vor.u32 v3, v10;
	v4 =	vor.u32 v1, v4  }
0x244: {  	v28 =	vor.u32 v2, v10;
	v22 =	vor.u32 v7, v22  }
0x245: {  	v28 =	vor.u32 v18, v28;
	v6 =	vor.u32 v6, v5  }
0x246: {  	v11 =	vadd.s32 v6, v11;
	v6 =	vld [tilespmem:$0x1FFC0]  }
0x247: {  	v8 =	vld [tilespmem:$0x1FFA0];
	v23 =	vor.u32 v3, v11  }
0x248: {  	v4 =	vld.idx.msk [tilespmem:v4+s25+$0x0], $0xffff;
	v29 =	vor.u32 v2, v11;
	v23 =	vor.u32 v7, v23  }
0x249: {  	v36 =	vld.idx.msk [tilespmem:v22+s28+$0x0], $0xffff;
	v29 =	vor.u32 v18, v29  }
0x24a: {  	v41 =	vld.idx.msk [tilespmem:v28+s28+$0x0], $0xffff  }
0x24b: {  	v6 =	vor.u32 v6, v5  }
0x24c: {  	v17 =	vand.u32 $0x1, v9;
	v27 =	vor.u32 v2, v63;
	v12 =	vadd.s32 v6, v12;
	v6 =	vld [tilespmem:$0x1FFB0]  }
0x24d: {  	vm0 =	veq.s32 v17, $0x0;
	v16 =	vor.u32 v8, v5;
	v22 =	vor.u32 v18, v27;
	v23 =	vld.idx.msk [tilespmem:v23+s28+$0x0], $0xffff  }
0x24e: {  	v9 =	vshll.u32 v4, $0x10;
	v46 =	vand.u32 $0xFFFF0000, v36;
	v47 =	vshll.u32 v36, $0x10;
	v29 =	vld.idx.msk [tilespmem:v29+s28+$0x0], $0xffff  }
0x24f: {  	v56 =	vand.u32 $0xFFFF0000, v41;
	v60 =	vshll.u32 v41, $0x10;
	v30 =	vor.u32 v2, v12  }
0x250: {  	v17 =	vor.u32 v0, v12;
	v24 =	vor.u32 v3, v12;
	v30 =	vor.u32 v18, v30  }
0x251: {  	v17 =	vor.u32 v1, v17;
	v24 =	vor.u32 v7, v24;
	v6 =	vor.u32 v6, v5  }
0x252: {  	v8 =	vadd.s32 v6, v13;
	v13 =	vadd.s32 v16, v14;
	v16 =	vor.u32 v0, v11  }
0x253: {  	v6 =	vld [tilespmem:$0x1FF90];
	v39 =	vshll.u32 v23, $0x10;
	v52 =	vand.u32 $0xFFFF0000, v29;
	v53 =	vshll.u32 v29, $0x10  }
0x254: {  	v16 =	vor.u32 v1, v16;
	v19 =	vor.u32 v0, v8;
	v20 =	vor.u32 v0, v13  }
0x255: {  	v25 =	vor.u32 v3, v8;
	v26 =	vor.u32 v3, v13;
	v31 =	vor.u32 v2, v8;
	v30 =	vld.idx.msk [tilespmem:v30+s28+$0x0], $0xffff  }
0x256: {  	v32 =	vor.u32 v2, v13;
	v19 =	vor.u32 v1, v19;
	v20 =	vor.u32 v1, v20  }
0x257: {  	v25 =	vor.u32 v7, v25;
	v26 =	vor.u32 v7, v26;
	v31 =	vor.u32 v18, v31  }
0x258: {  	s22 =	simm.s32 $0x1;
	v17 =	vld.idx.msk [tilespmem:v17+s28+$0x0], $0xffff;
	v32 =	vor.u32 v18, v32;
	v5 =	vor.u32 v6, v5;
	v6 =	vor.u32 v0, v10  }
0x259: {  	v24 =	vld.idx.msk [tilespmem:v24+s28+$0x0], $0xffff;
	v14 =	vadd.s32 v5, v15;
	v15 =	vimm.f32 $0.0e+00;
	v5 =	vmov s22  }
0x25a: {  	v6 =	vor.u32 v1, v6;
	v16 =	vld.idx.msk [tilespmem:v16+s28+$0x0], $0xffff;
	v48 =	vand.u32 $0xFFFF0000, v30;
	v51 =	vshll.u32 v30, $0x10  }
0x25b: {  	v21 =	vand.u32 $0x5, v5;
	v0 =	vor.u32 v0, v14;
	v5 =	vand.u32 $0x38, v5;
	v19 =	vld.idx.msk [tilespmem:v19+s28+$0x0], $0xffff  }
0x25c: {  	v20 =	vld.idx.msk [tilespmem:v20+s28+$0x0], $0xffff;
	v2 =	vor.u32 v2, v14;
	v0 =	vor.u32 v1, v0;
	v1 =	vor.u32 v3, v63  }
0x25d: {  	v25 =	vld.idx.msk [tilespmem:v25+s28+$0x0], $0xffff;
	v3 =	vor.u32 v3, v14;
	v33 =	vor.u32 v5, v63;
	v34 =	vor.u32 v5, v10  }
0x25e: {  	v26 =	vld.idx.msk [tilespmem:v26+s28+$0x0], $0xffff;
	v35 =	vor.u32 v5, v12;
	v27 =	vor.u32 v5, v8;
	v2 =	vor.u32 v18, v2  }
0x25f: {  	[tilespmem:$0x1FEC0] =	vst v8;
	v31 =	vld.idx.msk [tilespmem:v31+s28+$0x0], $0xffff;
	v37 =	vor.u32 v5, v13;
	v8 =	vand.u32 $0xFFFF0000, v4;
	v1 =	vor.u32 v7, v1  }
0x260: {  	[tilespmem:$0x1FE80] =	vst v63;
	v4 =	vld.idx.msk [tilespmem:v22+s25+$0x0], $0xffff;
	v63 =	vand.u32 $0xFFFF0000, v17;
	v17 =	vshll.u32 v17, $0x10;
	v3 =	vor.u32 v7, v3  }
0x261: {  	v7 =	vor.u32 v5, v11;
	v5 =	vor.u32 v5, v14;
	v18 =	vor.u32 v21, v33;
	v6 =	vld.idx.msk [tilespmem:v6+s28+$0x0], $0xffff  }
0x262: {  	v38 =	vor.u32 v21, v34;
	v35 =	vor.u32 v21, v35;
	v40 =	vor.u32 v21, v27;
	v0 =	vld.idx.msk [tilespmem:v0+s28+$0x0], $0xffff  }
0x263: {  	v43 =	vor.u32 v21, v37;
	v37 =	vand.u32 $0xFFFF0000, v23;
	v33 =	vand.u32 $0xFFFF0000, v24;
	v2 =	vld.idx.msk [tilespmem:v2+s28+$0x0], $0xffff  }
0x264: {  	v34 =	vshll.u32 v24, $0x10;
	v7 =	vor.u32 v21, v7;
	v5 =	vor.u32 v21, v5;
	v1 =	vld.idx.msk [tilespmem:v1+s25+$0x0], $0xffff  }
0x265: {  	[tilespmem:$0x1FEB0] =	vst v12;
	v12 =	vand.u32 $0xFFFF0000, v16;
	v57 =	vand.u32 $0xFFFF0000, v20;
	v20 =	vshll.u32 v20, $0x10;
	v3 =	vld.idx.msk [tilespmem:v3+s28+$0x0], $0xffff  }
0x266: {  	v27 =	vand.u32 $0xFFFF0000, v25;
	v28 =	vshll.u32 v25, $0x10;
	v25 =	vand.u32 $0xFFFF0000, v26;
	v18 =	vld.idx.msk [tilespmem:v18+s25+$0x0], $0xffff  }
0x267: {  	v26 =	vshll.u32 v26, $0x10;
	v41 =	vand.u32 $0xFFFF0000, v31;
	v45 =	vshll.u32 v31, $0x10;
	v38 =	vld.idx.msk [tilespmem:v38+s28+$0x0], $0xffff  }
0x268: {  	v54 =	vand.u32 $0xFFFF0000, v4;
	v59 =	vshll.u32 v4, $0x10;
	v57 =	vsel vm1, v20, v57;
	v49 =	vld.idx.msk [tilespmem:v35+s28+$0x0], $0xffff  }
0x269: {  	[tilespmem:$0x1FE90] =	vst v10;
	v20 =	vimm.f32 $0.0e+00;
	v30 =	vld.idx.msk [tilespmem:v43+s28+$0x0], $0xffff;
	v43 =	vsel vm6, v9, v8;
	v10 =	vand.u32 $0xFFFF0000, v6  }
0x26a: {  	[tilespmem:$0x1FEA0] =	vst v11;
	v40 =	vld.idx.msk [tilespmem:v40+s28+$0x0], $0xffff;
	v11 =	vshll.u32 v6, $0x10;
	v6 =	vshll.u32 v16, $0x10;
	v16 =	vand.u32 $0xFFFF0000, v19  }
0x26b: {  	v7 =	vld.idx.msk [tilespmem:v7+s28+$0x0], $0xffff;
	v19 =	vshll.u32 v19, $0x10;
	v6 =	vsel vm4, v6, v12;
	v21 =	vand.u32 $0xFFFF0000, v0  }
0x26c: {  	v22 =	vshll.u32 v0, $0x10;
	v0 =	vld.idx.msk [tilespmem:v32+s28+$0x0], $0xffff;
	v29 =	vand.u32 $0xFFFF0000, v2;
	v32 =	vshll.u32 v2, $0x10  }
0x26d: {  	v5 =	vld.idx.msk [tilespmem:v5+s28+$0x0], $0xffff;
	v2 =	vimm.f32 $0.0e+00;
	v42 =	vand.u32 $0xFFFF0000, v1;
	v44 =	vshll.u32 v1, $0x10  }
0x26e: {  	v23 =	vand.u32 $0xFFFF0000, v3;
	v24 =	vshll.u32 v3, $0x10;
	v1 =	vand.u32 $0xFFFF0000, v18  }
0x26f: {  	v3 =	vand.u32 $0xFFFF0000, v38;
	v4 =	vshll.u32 v38, $0x10;
	v55 =	vand.u32 $0xFFFF0000, v49  }
0x270: {  	v58 =	vshll.u32 v49, $0x10;
	v49 =	vand.u32 $0xFFFF0000, v40;
	v50 =	vshll.u32 v40, $0x10  }
0x271: {  	v38 =	vand.u32 $0xFFFF0000, v30;
	v40 =	vshll.u32 v30, $0x10;
	v61 =	vand.u32 $0xFFFF0000, v7  }
0x272: {  	v62 =	vshll.u32 v7, $0x10;
	v30 =	vand.u32 $0xFFFF0000, v5;
	v31 =	vshll.u32 v5, $0x10  }
0x273: {  	s20 =	sor.u32 $0x440, s5;
	[tilespmem:$0x1FED0] =	vst v13;
	v7 =	vsel vm5, v11, v10;
	v5 =	vsel vm3, v17, v63;
	v63 =	vsel vm2, v19, v16  }
0x274: {  	s1 =	sor.u32 $0x640, s5;
	s15 =	sor.u32 $0x840, s5;
	s12 =	sor.u32 $0xA40, s5;
	[tilespmem:$0x1FEE0] =	vst v14;
	v19 =	vimm.f32 $0.0e+00;
	v17 =	vimm.f32 $0.0e+00;
	v35 =	vand.u32 $0xFFFF0000, v0  }
0x275: {  	s21 =	sor.u32 $0x40, s5;
	s22 =	sor.u32 $0x240, s5;
	s5 =	simm.s32 $0x4;
	[tilespmem:$0x1FEF0] =	vst v2;
	v36 =	vshll.u32 v0, $0x10;
	v0 =	vshll.u32 v18, $0x10;
	v18 =	vimm.f32 $0.0e+00  }
.LBB2_10:
0x276: {  	v2 =	vsel vm0, v22, v21;
	v21 =	vsel vm6, v44, v42  }
0x277: {  	v22 =	vsel vm5, v47, v46;
	v37 =	vsel vm4, v39, v37;
	v33 =	vsel vm3, v34, v33  }
0x278: {  	v27 =	vsel vm2, v28, v27;
	v28 =	vsel vm6, v59, v54;
	v25 =	vsel vm1, v26, v25  }
0x279: {  	v23 =	vsel vm0, v24, v23;
	v24 =	vsel vm5, v60, v56;
	v26 =	vsel vm4, v53, v52  }
0x27a: {  	v51 =	vsel vm3, v51, v48;
	v52 =	vsel vm2, v45, v41;
	v35 =	vsel vm1, v36, v35  }
0x27b: {  	v29 =	vsel vm0, v32, v29;
	v7 =	vmul.f32 v7, v43;
	v6 =	vmul.f32 v6, v43  }
0x27c: {  	v0 =	vsel vm6, v0, v1;
	v1 =	vmul.f32 v5, v43;
	v3 =	vsel vm5, v4, v3  }
0x27d: {  	v5 =	vmul.f32 v63, v43;
	v53 =	vsel vm4, v62, v61;
	v3 =	vmul.f32 v3, v0  }
0x27e: {  	v6 =	vadd.f32 v6, v20;
	v7 =	vadd.f32 v7, v15;
	v15 =	vmul.f32 v53, v0  }
0x27f: {  	v4 =	vmul.f32 v57, v43;
	v54 =	vsel vm3, v58, v55;
	v24 =	vmul.f32 v24, v28  }
0x280: {  	v3 =	vadd.f32 v3, v7;
	v6 =	vadd.f32 v15, v6;
	v7 =	vmul.f32 v26, v28  }
0x281: {  	v30 =	vsel vm0, v31, v30;
	v22 =	vmul.f32 v22, v21;
	v55 =	vmul.f32 v37, v21  }
0x282: {  	v20 =	vsel vm2, v50, v49;
	v3 =	vadd.f32 v24, v3;
	v6 =	vadd.f32 v7, v6  }
0x283: {  	v2 =	vmul.f32 v2, v43;
	v1 =	vadd.f32 v1, v19;
	v56 =	vmul.f32 v20, v0  }
0x284: {  	v24 =	vmul.f32 v54, v0;
	v3 =	vadd.f32 v22, v3;
	v20 =	vadd.f32 v55, v6;
	v6 =	vld [tilespmem:$0x1FEF0]  }
0x285: {  	v33 =	vmul.f32 v33, v21;
	v27 =	vmul.f32 v27, v21;
	v26 =	vsel vm1, v40, v38  }
0x286: {  	v7 =	vmul.f32 v51, v28;
	v1 =	vadd.f32 v24, v1;
	[tilespmem:$0x1FE70] =	vst v3;
	v3 =	vadd.f32 v5, v18  }
0x287: {  	v31 =	vmul.f32 v52, v28;
	v4 =	vadd.f32 v4, v17;
	v5 =	vmul.f32 v26, v0  }
0x288: {  	v9 =	vld [tilespmem:$0x1FE90];
	v0 =	vmul.f32 v30, v0;
	v1 =	vadd.f32 v7, v1;
	v3 =	vadd.f32 v56, v3  }
0x289: {  	v10 =	vld [tilespmem:$0x1FEA0];
	v4 =	vadd.f32 v5, v4;
	v2 =	vadd.f32 v2, v6;
	v6 =	vmul.f32 v35, v28  }
0x28a: {  	v11 =	vld [tilespmem:$0x1FEB0];
	v5 =	vmul.f32 v25, v21;
	v19 =	vadd.f32 v33, v1;
	v3 =	vadd.f32 v31, v3  }
0x28b: {  	s7 =	sadd.s32 $0x3, s5;
	v12 =	vld [tilespmem:$0x1FEC0];
	v0 =	vadd.f32 v0, v2;
	v2 =	vmul.f32 v29, v28;
	v4 =	vadd.f32 v6, v4  }
0x28c: {  	v13 =	vld [tilespmem:$0x1FED0];
	v1 =	vmov s5;
	v18 =	vadd.f32 v27, v3;
	v3 =	vmov s7  }
0x28d: {  	s8 =	sadd.s32 $0x1, s5;
	v0 =	vadd.f32 v2, v0;
	v2 =	vmul.f32 v23, v21;
	v17 =	vadd.f32 v5, v4  }
0x28e: {  	v8 =	vld [tilespmem:$0x1FE80];
	v5 =	vmov s8;
	v7 =	vand.u32 $0x7, v3;
	v3 =	vand.u32 $0x38, v3  }
0x28f: {  	v26 =	vand.u32 $0x5, v5;
	v5 =	vand.u32 $0x38, v5;
	v27 =	vor.u32 v3, v9  }
0x290: {  	v28 =	vor.u32 v3, v10;
	v29 =	vor.u32 v3, v11;
	v30 =	vor.u32 v3, v12  }
0x291: {  	s6 =	sadd.s32 $0x2, s5;
	v31 =	vor.u32 v3, v13;
	v0 =	vadd.f32 v2, v0;
	v27 =	vor.u32 v7, v27  }
0x292: {  	v2 =	vmov s6;
	v28 =	vor.u32 v7, v28;
	v29 =	vor.u32 v7, v29  }
0x293: {  	v30 =	vor.u32 v7, v30;
	v31 =	vor.u32 v7, v31;
	v63 =	vor.u32 v5, v8  }
0x294: {  	v14 =	vld [tilespmem:$0x1FEE0];
	v45 =	vor.u32 v5, v11;
	v23 =	vand.u32 $0x6, v2;
	v2 =	vand.u32 $0x38, v2  }
0x295: {  	v46 =	vor.u32 v5, v12;
	[tilespmem:$0x1FEF0] =	vst v0;
	v0 =	vand.u32 $0x38, v1;
	v57 =	vor.u32 v2, v8  }
0x296: {  	v1 =	vand.u32 $0x4, v1;
	v59 =	vor.u32 v2, v10;
	v32 =	vor.u32 v23, v57;
	v27 =	vld.idx.msk [tilespmem:v27+s28+$0x0], $0xffff  }
0x297: {  	v58 =	vor.u32 v2, v9;
	v60 =	vor.u32 v2, v11;
	v34 =	vor.u32 v23, v59;
	v28 =	vld.idx.msk [tilespmem:v28+s28+$0x0], $0xffff  }
0x298: {  	v61 =	vor.u32 v2, v12;
	v62 =	vor.u32 v2, v13;
	v35 =	vor.u32 v23, v60;
	v29 =	vld.idx.msk [tilespmem:v29+s28+$0x0], $0xffff  }
0x299: {  	v2 =	vor.u32 v2, v14;
	v4 =	vor.u32 v0, v8;
	v36 =	vor.u32 v23, v61;
	v30 =	vld.idx.msk [tilespmem:v30+s28+$0x0], $0xffff  }
0x29a: {  	v33 =	vor.u32 v23, v58;
	v37 =	vor.u32 v23, v62;
	v2 =	vor.u32 v23, v2;
	v23 =	vld.idx.msk [tilespmem:v31+s28+$0x0], $0xffff  }
0x29b: {  	v47 =	vor.u32 v5, v13;
	v6 =	vor.u32 v0, v9;
	v4 =	vor.u32 v1, v4;
	v32 =	vld.idx.msk [tilespmem:v32+s25+$0x0], $0xffff  }
0x29c: {  	v40 =	vor.u32 v26, v45;
	v21 =	vor.u32 v0, v10;
	v6 =	vor.u32 v1, v6;
	v50 =	vld.idx.msk [tilespmem:v34+s28+$0x0], $0xffff  }
0x29d: {  	v41 =	vor.u32 v26, v46;
	v22 =	vor.u32 v0, v11;
	v21 =	vor.u32 v1, v21;
	v35 =	vld.idx.msk [tilespmem:v35+s28+$0x0], $0xffff  }
0x29e: {  	v49 =	vor.u32 v26, v47;
	v24 =	vor.u32 v0, v12;
	v22 =	vor.u32 v1, v22;
	v36 =	vld.idx.msk [tilespmem:v36+s28+$0x0], $0xffff  }
0x29f: {  	v25 =	vor.u32 v0, v13;
	v0 =	vor.u32 v0, v14;
	v24 =	vor.u32 v1, v24;
	v2 =	vld.idx.msk [tilespmem:v2+s28+$0x0], $0xffff  }
0x2a0: {  	v9 =	vor.u32 v5, v9;
	v25 =	vor.u32 v1, v25;
	v0 =	vor.u32 v1, v0;
	v4 =	vld.idx.msk [tilespmem:v4+s25+$0x0], $0xffff  }
0x2a1: {  	v1 =	vor.u32 v3, v8;
	v3 =	vor.u32 v3, v14;
	v48 =	vor.u32 v26, v9;
	v6 =	vld.idx.msk [tilespmem:v6+s28+$0x0], $0xffff  }
0x2a2: {  	v1 =	vor.u32 v7, v1;
	v3 =	vor.u32 v7, v3;
	v7 =	vor.u32 v5, v10;
	v21 =	vld.idx.msk [tilespmem:v21+s28+$0x0], $0xffff  }
0x2a3: {  	v5 =	vor.u32 v5, v14;
	v31 =	vor.u32 v26, v63;
	v7 =	vor.u32 v26, v7;
	v22 =	vld.idx.msk [tilespmem:v22+s28+$0x0], $0xffff  }
0x2a4: {  	v24 =	vld.idx.msk [tilespmem:v24+s28+$0x0], $0xffff;
	v46 =	vand.u32 $0xFFFF0000, v27;
	v47 =	vshll.u32 v27, $0x10;
	v39 =	vshll.u32 v28, $0x10  }
0x2a5: {  	v25 =	vld.idx.msk [tilespmem:v25+s28+$0x0], $0xffff;
	v34 =	vshll.u32 v29, $0x10;
	v27 =	vand.u32 $0xFFFF0000, v30;
	v54 =	vand.u32 $0xFFFF0000, v32  }
0x2a6: {  	v0 =	vld.idx.msk [tilespmem:v0+s28+$0x0], $0xffff;
	v59 =	vshll.u32 v32, $0x10;
	v52 =	vand.u32 $0xFFFF0000, v50;
	v53 =	vshll.u32 v50, $0x10  }
0x2a7: {  	v38 =	vld.idx.msk [tilespmem:v48+s28+$0x0], $0xffff;
	v48 =	vand.u32 $0xFFFF0000, v35;
	v51 =	vshll.u32 v35, $0x10;
	v45 =	vshll.u32 v36, $0x10  }
0x2a8: {  	v1 =	vld.idx.msk [tilespmem:v1+s25+$0x0], $0xffff;
	v32 =	vshll.u32 v2, $0x10;
	v57 =	vand.u32 $0xFFFF0000, v4;
	v63 =	vshll.u32 v4, $0x10  }
0x2a9: {  	v3 =	vld.idx.msk [tilespmem:v3+s28+$0x0], $0xffff;
	v4 =	vor.u32 v26, v5;
	v8 =	vand.u32 $0xFFFF0000, v6;
	v6 =	vshll.u32 v6, $0x10  }
0x2aa: {  	v31 =	vld.idx.msk [tilespmem:v31+s25+$0x0], $0xffff;
	v9 =	vand.u32 $0xFFFF0000, v21;
	v10 =	vshll.u32 v21, $0x10;
	v11 =	vand.u32 $0xFFFF0000, v22  }
0x2ab: {  	v7 =	vld.idx.msk [tilespmem:v7+s28+$0x0], $0xffff;
	v12 =	vshll.u32 v22, $0x10;
	v13 =	vand.u32 $0xFFFF0000, v24;
	v14 =	vshll.u32 v24, $0x10  }
0x2ac: {  	v5 =	vld.idx.msk [tilespmem:v33+s28+$0x0], $0xffff;
	v15 =	vand.u32 $0xFFFF0000, v25;
	v16 =	vshll.u32 v25, $0x10;
	v21 =	vand.u32 $0xFFFF0000, v0  }
0x2ad: {  	v22 =	vshll.u32 v0, $0x10;
	v0 =	vld.idx.msk [tilespmem:v37+s28+$0x0], $0xffff;
	v37 =	vand.u32 $0xFFFF0000, v28;
	v33 =	vand.u32 $0xFFFF0000, v29  }
0x2ae: {  	v28 =	vshll.u32 v30, $0x10;
	v25 =	vand.u32 $0xFFFF0000, v23;
	v26 =	vshll.u32 v23, $0x10;
	v30 =	vld.idx.msk [tilespmem:v40+s28+$0x0], $0xffff  }
0x2af: {  	v40 =	vld.idx.msk [tilespmem:v41+s28+$0x0], $0xffff;
	v41 =	vand.u32 $0xFFFF0000, v36;
	v29 =	vand.u32 $0xFFFF0000, v2;
	v42 =	vand.u32 $0xFFFF0000, v1  }
0x2b0: {  	v44 =	vshll.u32 v1, $0x10;
	v23 =	vand.u32 $0xFFFF0000, v3;
	v24 =	vshll.u32 v3, $0x10  }
0x2b1: {  	v1 =	vand.u32 $0xFFFF0000, v31;
	v56 =	vand.u32 $0xFFFF0000, v5;
	v60 =	vshll.u32 v5, $0x10;
	v5 =	vld.idx.msk [tilespmem:v49+s28+$0x0], $0xffff  }
0x2b2: {  	v3 =	vand.u32 $0xFFFF0000, v38;
	v61 =	vand.u32 $0xFFFF0000, v7;
	v62 =	vshll.u32 v7, $0x10;
	v43 =	vld.idx.msk [tilespmem:v4+s28+$0x0], $0xffff  }
0x2b3: {  	p1 =	sne.s32 s5, $0x3C;
	v7 =	vsel vm5, v6, v8;
	v6 =	vsel vm4, v10, v9;
	v35 =	vand.u32 $0xFFFF0000, v0  }
.Ltmp5:
0x2b4: {  	v36 =	vshll.u32 v0, $0x10;
	v0 =	vshll.u32 v31, $0x10;
	v4 =	vshll.u32 v38, $0x10;
	(pc) =	sbr.rel @p1 .LBB2_10-.Ltmp5, $4  }
0x2b5: {  	v55 =	vand.u32 $0xFFFF0000, v30;
	v58 =	vshll.u32 v30, $0x10;
	v49 =	vand.u32 $0xFFFF0000, v40  }
0x2b6: {  	v50 =	vshll.u32 v40, $0x10;
	v38 =	vand.u32 $0xFFFF0000, v5;
	v40 =	vshll.u32 v5, $0x10  }
0x2b7: {  	v30 =	vand.u32 $0xFFFF0000, v43;
	v31 =	vshll.u32 v43, $0x10;
	v43 =	vsel vm6, v63, v57  }
0x2b8: {  	s5 =	sadd.s32 $0x4, s5;
	v5 =	vsel vm3, v12, v11;
	v63 =	vsel vm2, v14, v13;
	v57 =	vsel vm1, v16, v15;
	v15 =	vld [tilespmem:$0x1FE70]  }
0x2b9: {  	_ =	sdelay $0x1  }
0x2ba: {  	v2 =	vmul.f32 v7, v43  }
0x2bb: {  	v0 =	vsel vm6, v0, v1;
	v16 =	vsel vm5, v4, v3  }
0x2bc: {  	v1 =	vmul.f32 v16, v0;
	v2 =	vadd.f32 v2, v15  }
0x2bd: {  	v3 =	vsel vm6, v59, v54;
	v59 =	vsel vm5, v60, v56  }
0x2be: {  	v4 =	vmul.f32 v59, v3;
	v1 =	vadd.f32 v1, v2  }
0x2bf: {  	v60 =	vsel vm5, v47, v46;
	v2 =	vsel vm6, v44, v42  }
0x2c0: {  	v7 =	vmul.f32 v60, v2;
	v1 =	vadd.f32 v4, v1;
	_ =	sdelay $0x1  }
0x2c1: {  	v1 =	vadd.f32 v7, v1;
	_ =	sdelay $0x1  }
0x2c2: {  	v11 =	vsub.f32 $0.0e+00, v1;
	_ =	sdelay $0x1  }
0x2c3: {  	v1 =	vand.u32 $0x7FFFFFFF, v11  }
0x2c4: {  	v9 =	vmul.f32 v6, v43;
	v1 =	vsub.f32 $0.0e+00, v1  }
0x2c5: {  	v10 =	vsel vm4, v62, v61  }
0x2c6: {  	v6 =	vmul.f32 v10, v0;
	v4 =	vadd.f32 v9, v20;
	v1 =	vmul.f32 $1.442695020e+00, v1  }
0x2c7: {  	v12 =	vsel vm4, v53, v52  }
0x2c8: {  	v13 =	vmul.f32 v12, v3;
	v4 =	vadd.f32 v6, v4;
	(erf) = vpow2.f32 v1  }
0x2c9: {  	v14 =	vsel vm4, v39, v37  }
0x2ca: {  	v4 =	vadd.f32 v13, v4;
	v1 =	vmul.f32 v14, v2;
	_ =	sdelay $0x1  }
0x2cb: {  	v1 =	vadd.f32 v1, v4;
	_ =	sdelay $0x1  }
0x2cc: {  	v8 =	vsub.f32 $0.0e+00, v1;
	_ =	sdelay $0x1  }
0x2cd: {  	v1 =	vand.u32 $0x7FFFFFFF, v8  }
0x2ce: {  	v15 =	vmul.f32 v5, v43;
	v1 =	vsub.f32 $0.0e+00, v1;
	v5 =	vpop (erf)  }
0x2cf: {  	v16 =	vsel vm3, v58, v55;
	v20 =	vadd.f32 $2.000000000e+00, v5  }
0x2d0: {  	v6 =	vmul.f32 v16, v0;
	v4 =	vadd.f32 v15, v19;
	v1 =	vmul.f32 $1.442695020e+00, v1  }
0x2d1: {  	v9 =	vsel vm3, v51, v48;
	(erf) = vrcp.f32 v20  }
0x2d2: {  	v37 =	vmul.f32 v9, v3;
	v4 =	vadd.f32 v6, v4;
	(erf) = vpow2.f32 v1  }
0x2d3: {  	v39 =	vsel vm3, v34, v33  }
0x2d4: {  	v4 =	vadd.f32 v37, v4;
	v1 =	vmul.f32 v39, v2;
	_ =	sdelay $0x1  }
0x2d5: {  	v1 =	vadd.f32 v1, v4;
	_ =	sdelay $0x1  }
0x2d6: {  	v9 =	vsub.f32 $0.0e+00, v1;
	_ =	sdelay $0x1  }
0x2d7: {  	v44 =	vand.u32 $0x7FFFFFFF, v9;
	v42 =	vpop (erf)  }
0x2d8: {  	v46 =	vmul.f32 v63, v43;
	v4 =	vsub.f32 $0.0e+00, v44;
	v47 =	vpop (erf)  }
0x2d9: {  	v10 =	vsel vm2, v50, v49;
	v12 =	vadd.f32 $2.000000000e+00, v47  }
0x2da: {  	v10 =	vmul.f32 v10, v0;
	v6 =	vadd.f32 v46, v18;
	v4 =	vmul.f32 $1.442695020e+00, v4  }
0x2db: {  	v13 =	vsel vm2, v45, v41;
	(erf) = vrcp.f32 v12  }
0x2dc: {  	v48 =	vmul.f32 v13, v3;
	v6 =	vadd.f32 v10, v6;
	(erf) = vpow2.f32 v4  }
0x2dd: {  	v49 =	vsel vm2, v28, v27  }
0x2de: {  	v6 =	vadd.f32 v48, v6;
	v4 =	vmul.f32 v49, v2;
	_ =	sdelay $0x1  }
0x2df: {  	v4 =	vadd.f32 v4, v6;
	_ =	sdelay $0x1  }
0x2e0: {  	v10 =	vsub.f32 $0.0e+00, v4;
	_ =	sdelay $0x1  }
0x2e1: {  	v51 =	vand.u32 $0x7FFFFFFF, v10;
	v50 =	vpop (erf)  }
0x2e2: {  	v52 =	vmul.f32 v57, v43;
	v6 =	vsub.f32 $0.0e+00, v51;
	v53 =	vpop (erf)  }
0x2e3: {  	v14 =	vsel vm1, v40, v38;
	v54 =	vadd.f32 $2.000000000e+00, v53  }
0x2e4: {  	v14 =	vmul.f32 v14, v0;
	v12 =	vadd.f32 v52, v17;
	v6 =	vmul.f32 $1.442695020e+00, v6  }
0x2e5: {  	v16 =	vsel vm1, v36, v35;
	(erf) = vrcp.f32 v54  }
0x2e6: {  	v55 =	vmul.f32 v16, v3;
	v12 =	vadd.f32 v14, v12;
	(erf) = vpow2.f32 v6  }
0x2e7: {  	v56 =	vsel vm1, v26, v25  }
0x2e8: {  	v12 =	vadd.f32 v55, v12;
	v6 =	vmul.f32 v56, v2;
	_ =	sdelay $0x1  }
0x2e9: {  	v6 =	vadd.f32 v6, v12;
	_ =	sdelay $0x1  }
0x2ea: {  	v63 =	vld [tilespmem:$0x1FEF0];
	v6 =	vsub.f32 $0.0e+00, v6;
	_ =	sdelay $0x1  }
0x2eb: {  	v57 =	vsel vm0, v22, v21;
	v59 =	vand.u32 $0x7FFFFFFF, v6;
	v58 =	vpop (erf)  }
0x2ec: {  	v12 =	vmul.f32 v57, v43;
	v15 =	vsub.f32 $0.0e+00, v59;
	v60 =	vpop (erf)  }
0x2ed: {  	v61 =	vsel vm0, v31, v30;
	v62 =	vadd.f32 $2.000000000e+00, v60  }
0x2ee: {  	v0 =	vmul.f32 v61, v0;
	v12 =	vadd.f32 v12, v63;
	v15 =	vmul.f32 $1.442695020e+00, v15  }
0x2ef: {  	v20 =	vsel vm0, v32, v29;
	(erf) = vrcp.f32 v62  }
0x2f0: {  	v3 =	vmul.f32 v20, v3;
	v0 =	vadd.f32 v0, v12;
	(erf) = vpow2.f32 v15  }
0x2f1: {  	v21 =	vsel vm0, v24, v23  }
0x2f2: {  	v2 =	vmul.f32 v21, v2;
	v0 =	vadd.f32 v3, v0;
	_ =	sdelay $0x1  }
0x2f3: {  	v0 =	vadd.f32 v2, v0;
	_ =	sdelay $0x1  }
0x2f4: {  	v0 =	vsub.f32 $0.0e+00, v0;
	_ =	sdelay $0x1  }
0x2f5: {  	v23 =	vand.u32 $0x7FFFFFFF, v0;
	v22 =	vpop (erf)  }
0x2f6: {  	v3 =	vsub.f32 $0.0e+00, v23;
	v24 =	vpop (erf)  }
0x2f7: {  	v25 =	vadd.f32 $2.000000000e+00, v24  }
0x2f8: {  	v3 =	vmul.f32 $1.442695020e+00, v3  }
0x2f9: {  	(erf) = vrcp.f32 v25  }
0x2fa: {  	(erf) = vpow2.f32 v3;
	_ =	sdelay $0x6  }
0x2fb: {  	v1 =	vmul.f32 v42, v5  }
0x2fc: {  	v15 =	vpop (erf)  }
0x2fd: {  	v26 =	vmul.f32 v1, v1;
	v28 =	vpop (erf)  }
0x2fe: {  	v30 =	vadd.f32 $2.000000000e+00, v28  }
0x2ff: {  	v27 =	vmul.f32 $9.090909360e-02, v26  }
0x300: {  	v4 =	vmul.f32 v50, v47;
	(erf) = vrcp.f32 v30  }
0x301: {  	v5 =	vadd.f32 $1.111111120e-01, v27  }
0x302: {  	v29 =	vmul.f32 v4, v4  }
0x303: {  	v5 =	vmul.f32 v5, v26  }
0x304: {  	v31 =	vmul.f32 $9.090909360e-02, v29  }
0x305: {  	v5 =	vadd.f32 $1.428571490e-01, v5  }
0x306: {  	v32 =	vadd.f32 $1.111111120e-01, v31  }
0x307: {  	v11 =	vmin.f32 v11, $0.0e+00;
	v5 =	vmul.f32 v5, v26;
	v2 =	vmul.f32 v22, v60  }
0x308: {  	v8 =	vmin.f32 v8, $0.0e+00;
	v18 =	vmul.f32 v32, v29;
	v13 =	vmul.f32 v58, v53  }
0x309: {  	v1 =	vadd.f32 v1, v1;
	v36 =	vmul.f32 v2, v2;
	v12 =	vmul.f32 v15, v24;
	v35 =	vpop (erf)  }
0x30a: {  	v55 =	vmin.f32 v9, $0.0e+00;
	v34 =	vmul.f32 v13, v13;
	v7 =	vmul.f32 v35, v28  }
0x30b: {  	v18 =	vadd.f32 $1.428571490e-01, v18;
	v39 =	vmul.f32 $9.090909360e-02, v36;
	v38 =	vmul.f32 v12, v12  }
0x30c: {  	v5 =	vadd.f32 $2.000000030e-01, v5;
	v37 =	vmul.f32 $9.090909360e-02, v34;
	v40 =	vmul.f32 v7, v7  }
0x30d: {  	v33 =	vmul.f32 v18, v29;
	v20 =	vadd.f32 $1.111111120e-01, v39;
	v41 =	vmul.f32 $9.090909360e-02, v38  }
0x30e: {  	v5 =	vmul.f32 v5, v26;
	v15 =	vadd.f32 $1.111111120e-01, v37;
	v42 =	vmul.f32 $9.090909360e-02, v40  }
0x30f: {  	v14 =	vadd.f32 $2.000000030e-01, v33;
	v20 =	vmul.f32 v20, v36;
	v44 =	vadd.f32 $1.111111120e-01, v41  }
0x310: {  	v5 =	vadd.f32 $3.333333430e-01, v5;
	v43 =	vmul.f32 v15, v34;
	v45 =	vadd.f32 $1.111111120e-01, v42  }
0x311: {  	v14 =	vmul.f32 v14, v29;
	v20 =	vadd.f32 $1.428571490e-01, v20;
	v15 =	vmul.f32 v44, v38  }
0x312: {  	v3 =	vmul.f32 v5, v26;
	v5 =	vadd.f32 $1.428571490e-01, v43;
	v22 =	vmul.f32 v45, v40  }
0x313: {  	v4 =	vadd.f32 v4, v4;
	v46 =	vmul.f32 v20, v36;
	v15 =	vadd.f32 $1.428571490e-01, v15  }
0x314: {  	v14 =	vadd.f32 $3.333333430e-01, v14;
	v5 =	vmul.f32 v5, v34;
	v47 =	vadd.f32 $1.428571490e-01, v22  }
0x315: {  	v3 =	vadd.f32 $1.000000000e+00, v3;
	v50 =	vadd.f32 $2.000000030e-01, v46;
	v49 =	vmul.f32 v15, v38  }
0x316: {  	v14 =	vmul.f32 v14, v29;
	v48 =	vadd.f32 $2.000000030e-01, v5;
	v51 =	vmul.f32 v47, v40  }
0x317: {  	v1 =	vmul.f32 v3, v1;
	v52 =	vmul.f32 v50, v36;
	v5 =	vadd.f32 $2.000000030e-01, v49  }
0x318: {  	v14 =	vadd.f32 $1.000000000e+00, v14;
	v3 =	vmul.f32 v48, v34;
	v53 =	vadd.f32 $2.000000030e-01, v51  }
0x319: {  	v1 =	vsub.f32 v11, v1;
	v11 =	vadd.f32 $3.333333430e-01, v52;
	v5 =	vmul.f32 v5, v38  }
0x31a: {  	v4 =	vmul.f32 v14, v4;
	v3 =	vadd.f32 $3.333333430e-01, v3;
	v54 =	vmul.f32 v53, v40  }
0x31b: {  	v13 =	vadd.f32 v13, v13;
	v56 =	vmul.f32 v11, v36;
	v5 =	vadd.f32 $3.333333430e-01, v5  }
0x31c: {  	v4 =	vsub.f32 v8, v4;
	v3 =	vmul.f32 v3, v34;
	v57 =	vadd.f32 $3.333333430e-01, v54  }
0x31d: {  	v2 =	vadd.f32 v2, v2;
	v9 =	vadd.f32 $1.000000000e+00, v56;
	v5 =	vmul.f32 v5, v38  }
0x31e: {  	v60 =	vmin.f32 v10, $0.0e+00;
	v3 =	vadd.f32 $1.000000000e+00, v3;
	v11 =	vmul.f32 v57, v40  }
0x31f: {  	v12 =	vadd.f32 v12, v12;
	v2 =	vmul.f32 v9, v2;
	v5 =	vadd.f32 $1.000000000e+00, v5  }
0x320: {  	s31 =	sadd.s32 $0x1, s31;
	v7 =	vadd.f32 v7, v7;
	v3 =	vmul.f32 v3, v13;
	v58 =	vadd.f32 $1.000000000e+00, v11  }
0x321: {  	p1 =	sne.s32 s31, $0x4;
	[tilespmem:s22+$0x1EC00] =	vst v4;
	v2 =	vsub.f32 v60, v2;
	v5 =	vmul.f32 v5, v12  }
.Ltmp6:
0x322: {  	v61 =	vmin.f32 v6, $0.0e+00;
	[tilespmem:s21+$0x1EC00] =	vst v1;
	v59 =	vsub.f32 v55, v3;
	v62 =	vmul.f32 v58, v7;
	(pc) =	sbr.rel @p1 .LBB2_9-.Ltmp6, $4  }
0x323: {  	v0 =	vmin.f32 v0, $0.0e+00;
	[tilespmem:s1+$0x1EC00] =	vst v2;
	v63 =	vsub.f32 v61, v5  }
0x324: {  	[tilespmem:s20+$0x1EC00] =	vst v59;
	v0 =	vsub.f32 v0, v62  }
0x325: {  	[tilespmem:s15+$0x1EC00] =	vst v63  }
0x326: {  	[tilespmem:s12+$0x1EC00] =	vst v0  }
.Ltmp7:
0x327: {  	(pc) =	sbr.rel @p0 .LBB2_14-.Ltmp7, $2  }
0x328: {  	_ =	sdelay $0x2  }
0x329: {  	v6 =	vimm.s32 $0x0  }
0x32a: {  	s1 =	sadd.s32 $0x10C0, s26  }
0x32b: {  	[tilespmem:s25], [sflag:$0x2] =	stream.indirect.gather [hbm4b:s2+s9], $0x80, s1, s9, $0xb8;
	[tilespmem:$0x1F800] =	vst v63  }
0x32c: {  	s15 =	sadd.s32 $0x12C0, s26  }
0x32d: {  	[tilespmem:s28], [sflag:$0x2] =	stream.indirect.gather [hbm4b:s3+s9], $0x80, s15, s9, $0xb8;
	[tilespmem:$0x1F800] =	vst v63  }
0x32e: {  	s20 =	sadd.s32 $0x14C0, s26  }
0x32f: {  	[tilespmem:s30], [sflag:$0x2] =	stream.indirect.gather [hbm4b:s3+s9], $0x80, s20, s9, $0xb8;
	[tilespmem:$0x1F800] =	vst v63  }
0x330: {  	s21 =	sadd.s32 $0x16C0, s26  }
0x331: {  	[tilespmem:s0], [sflag:$0x2] =	stream.indirect.gather [hbm4b:s3+s9], $0x80, s21, s9, $0xb8;
	[tilespmem:$0x1F800] =	vst v63  }
0x332: {  	s22 =	sadd.s32 $0x18C0, s26  }
0x333: {  	[tilespmem:s10], [sflag:$0x2] =	stream.indirect.gather [hbm4b:s3+s9], $0x80, s22, s9, $0xb8;
	[tilespmem:$0x1F800] =	vst v63  }
.Ltmp8:
0x334: {  	_ = 	snop;
	(pc) =	sbr.rel .LBB2_4-.Ltmp8, $4  }
0x335: {  	s29 =	sadd.s32 $0x1AC0, s26  }
0x336: {  	[tilespmem:s14], [sflag:$0x2] =	stream.indirect.gather [hbm4b:s3+s9], $0x80, s29, s9, $0xb8;
	[tilespmem:$0x1F800] =	vst v63  }
0x337: {  	s31 =	sadd.s32 $0x1CC0, s26;
	s24 =	sadd.s32 $0x1, s24  }
0x338: {  	[tilespmem:s17], [sflag:$0x2] =	stream.indirect.gather [hbm4b:s3+s9], $0x80, s31, s9, $0xb8;
	[tilespmem:$0x1F800] =	vst v63  }
.LBB2_15:
0x339: {  	_ =	sfence.sel $0x180000  }
0x33a: {  	[bflag:$0x0] =	sbarrier.arrive $0xFFFF  }
0x33b: {  	_ =	strace $0x90000047  }
0x33c: {  	s0 =	stileid.u32;
	[bflag:$0x2] =	sbarrier.arrive $0xFFFF  }
0x33d: {  	p0 =	sne.s32 s0, $0x0;
	s0 =	rddreg [dreg:$0x4]  }
0x33e: {  	s0 =	sadd.s32 @!p0 $0x100000, s0  }
0x33f: {  	[sflag:s0] =	ssyncadd.tile.s32 @!p0 $0x1;
	_ =	shalt  }
.Lfunc_end2:
_tile_overlayer_lowered:
.L_overlay_start_2:
0x340: {  	(tag) =	ssettag $0x2  }
0x341: {  	s0 =	rddreg [dreg:$0x0];
	s2 =	stileid.u32  }
0x342: {  	s1 =	rddreg [dreg:$0x1];
	p0 =	sne.s32 s2, $0x0  }
0x343: {  	s3 =	rddreg [dreg:$0x2];
	[bflag:$0x3] =	sbarrier.arrive $0xFFFF;
	s2 =	simm.s32 @!p0 $0x1C03  }
0x344: {  	[timem:s3], [sflag:s2] =	dma.local @!p0 [hbm:s0], s1  }
0x345: {  	s0 =	simm.s32 @!p0 $0x3  }
0x346: {  	_ =	swait.ge @!p0 [sflag:s0], s1  }
0x347: {  	s1 =	ssub.s32 @!p0 $0x0, s1;
	[sflag:s0] =	ssyncset.done @!p0 $0x0  }
0x348: {  	[sflag:s0] =	ssyncadd.s32 @!p0 s1  }
0x349: {  	[bflag:$0x3] =	sbarrier.arrive $0xFFFF  }
0x34a: {  	_ =	shalt  }

</sc_bundles>
